<compile_context>
chip_gen: v7x
topology: tpu7x:2x2x1
jax: 0.10.2.dev20260603
libtpu: 0.0.44.dev20260713+nightly
codegen_flags: <defaults>
</compile_context>

<pallas_src>
import functools

import jax
import jax.numpy as jnp
from jax import lax
from jax.experimental import pallas as pl
from jax.experimental.pallas import tpu as pltpu
from jax.experimental.pallas import tpu_sc as plsc

N = 10000
E = 640000
F = 128
OUT = 64
B = 128
EPS = 1e-5

NC = 2
NS = 16
NP = 10240
RPT = NP // NS
NPA = NP + 8

C = 40
CH = 500
NB = 5
PH = 2
PCH = CH // PH


def _sc_aggregate_body(h_hbm, src_hbm, dst_hbm, out_hbm, src_v, dst_v,
                       acc, rows, gsem, ssem):
    cid = lax.axis_index("c")
    sid = lax.axis_index("s")
    sv = src_hbm.at[cid, sid]
    dv = dst_hbm.at[cid, sid]

    pltpu.sync_copy(h_hbm.at[pl.ds(sid * RPT, RPT)], acc.at[pl.ds(sid * RPT, RPT)])
    plsc.subcore_barrier()

    def gather(j, b):
        pltpu.async_copy(h_hbm.at[src_v.at[j]], rows[b], gsem[b])

    def gather_wait(j, b):
        pltpu.make_async_copy(h_hbm.at[src_v.at[j]], rows[b], gsem[b]).wait()

    def scatter(j, b):
        pltpu.async_copy(rows[b], acc.at[dst_v.at[j]], ssem[b], add=True)

    def scatter_wait(j, b):
        pltpu.make_async_copy(rows[b], acc.at[dst_v.at[j]], ssem[b]).wait()

    @pl.loop(0, PH)
    def _(ph):
        pltpu.sync_copy(sv.at[pl.ds(ph * PCH, PCH)], src_v)
        pltpu.sync_copy(dv.at[pl.ds(ph * PCH, PCH)], dst_v)

        for b in range(NB):
            gather(b, b)

        @pl.loop(0, PCH // NB - 1)
        def _(jj):
            j = jj * NB
            for b in range(NB):
                gather_wait(j + b, b)
                scatter(j + b, b)
                scatter_wait(j + b, b)
                gather(j + b + NB, b)

        jl = PCH - NB
        for b in range(NB):
            gather_wait(jl + b, b)
            scatter(jl + b, b)
        for b in range(NB):
            scatter_wait(jl + b, b)

    plsc.subcore_barrier()
    pltpu.sync_copy(acc.at[pl.ds(sid * RPT, RPT)],
                    out_hbm.at[cid].at[pl.ds(sid * RPT, RPT)])


@functools.cache
def _sc_aggregate():
    mesh = plsc.VectorSubcoreMesh(core_axis_name="c", subcore_axis_name="s",
                                  num_cores=NC, num_subcores=NS)
    return pl.kernel(
        _sc_aggregate_body,
        out_type=jax.ShapeDtypeStruct((NC, NP, F), jnp.float32),
        mesh=mesh,
        scratch_types=[
            pltpu.VMEM((PCH, C), jnp.int32),
            pltpu.VMEM((PCH, C), jnp.int32),
            pltpu.VMEM_SHARED((NPA, F), jnp.float32),
            [pltpu.VMEM((C, F), jnp.float32) for _ in range(NB)],
            [pltpu.SemaphoreType.DMA for _ in range(NB)],
            [pltpu.SemaphoreType.DMA for _ in range(NB)],
        ],
        compiler_params=pltpu.CompilerParams(use_tc_tiling_on_sc=False),
    )


def _row_mask():
    rows = lax.broadcasted_iota(jnp.int32, (NP, 1), 0)
    return (rows < N).astype(jnp.float32)


def _mlp_block(t, W1, b1, g, be, W2, b2):
    rmask = _row_mask()
    y = jnp.dot(t, W1, preferred_element_type=jnp.float32) + b1
    mu = jnp.sum(y * rmask, axis=0, keepdims=True) * (1.0 / N)
    d = y - mu
    var = jnp.sum(d * d * rmask, axis=0, keepdims=True) * (1.0 / N)
    z = g * d * lax.rsqrt(var + EPS) + be
    z = jnp.maximum(z, 0.0)
    h2 = jnp.dot(z, W2, preferred_element_type=jnp.float32) + b2
    return jnp.maximum(h2, 0.0) * rmask


def _mlp_body(p_ref, h_ref, W1_ref, b1_ref, g_ref, be_ref, W2_ref, b2_ref,
              o_ref):
    t = p_ref[0] + p_ref[1] - h_ref[...]
    o_ref[...] = _mlp_block(t, W1_ref[...], b1_ref[...], g_ref[...],
                            be_ref[...], W2_ref[...], b2_ref[...])


_tc_mlp = pl.pallas_call(
    _mlp_body,
    out_shape=jax.ShapeDtypeStruct((NP, F), jnp.float32),
)


def _final_body(p_ref, h_ref, batch_ref, W1_ref, b1_ref, g_ref, be_ref,
                W2_ref, b2_ref, Wm1_ref, bm1_ref, Wm2_ref, bm2_ref, o_ref):
    t = p_ref[0] + p_ref[1] - h_ref[...]
    hh = _mlp_block(t, W1_ref[...], b1_ref[...], g_ref[...], be_ref[...],
                    W2_ref[...], b2_ref[...])
    cols = lax.broadcasted_iota(jnp.int32, (B, NP), 0)
    mask = (cols == batch_ref[...]).astype(jnp.float32)
    pooled = jnp.dot(mask, hh, preferred_element_type=jnp.float32)
    q = jnp.dot(pooled, Wm1_ref[...], preferred_element_type=jnp.float32) + bm1_ref[...]
    q = jnp.maximum(q, 0.0)
    o_ref[...] = jnp.dot(q, Wm2_ref[...], preferred_element_type=jnp.float32) + bm2_ref[...]


_tc_final = pl.pallas_call(
    _final_body,
    out_shape=jax.ShapeDtypeStruct((B, OUT), jnp.float32),
)


def kernel(x, edge_index, batch, batch_size,
           W1_0, b1_0, g_0, be_0, W2_0, b2_0,
           W1_1, b1_1, g_1, be_1, W2_1, b2_1,
           W1_2, b1_2, g_2, be_2, W2_2, b2_2,
           Wm1, bm1, Wm2, bm2):
    src = edge_index[0].reshape(NC, NS, CH, C)
    dst = edge_index[1].reshape(NC, NS, CH, C)
    batch2d = jnp.pad(batch, (0, NP - N), constant_values=B).reshape(1, NP)
    h = jnp.pad(x, ((0, NP - N), (0, 0)))

    def row(v):
        return v.reshape(1, -1)

    layers = [
        (W1_0, b1_0, g_0, be_0, W2_0, b2_0),
        (W1_1, b1_1, g_1, be_1, W2_1, b2_1),
    ]
    agg = _sc_aggregate()
    for (W1, b1, g, be, W2, b2) in layers:
        p = agg(h, src, dst)
        h = _tc_mlp(p, h, W1, row(b1), row(g), row(be), W2, row(b2))
    p = agg(h, src, dst)
    return _tc_final(p, h, batch2d, W1_2, row(b1_2), row(g_2), row(be_2),
                     W2_2, row(b2_2), Wm1, row(bm1), Wm2, row(bm2))

# --- scband reference (transcript-rebuilt; emitter-appended) ---
"""Pipeline reference for scband-gin-73340861546937 (READ-ONLY COPY).

The authoritative reference and input builder live on the scoring server;
editing this copy changes nothing except your own understanding.
"""

import jax, jax.numpy as jnp
import numpy as np

N = 10000
E = 640000
IN = 128
H = 128
OUT = 64
B = 128
EPS = 1e-5


def setup_inputs(seed: int = 0) -> dict:
    key = jax.random.key(seed)
    ks = jax.random.split(key, 4)
    inp = {}
    inp["x"] = jax.random.normal(ks[0], (N, IN), dtype=jnp.float32)
    inp["edge_index"] = jax.random.randint(ks[1], (2, E), 0, N, dtype=jnp.int32)
    inp["batch"] = jnp.sort(jax.random.randint(ks[2], (N,), 0, B, dtype=jnp.int32))
    inp["batch_size"] = B
    dims = [(IN, H), (H, H), (H, H)]
    for l, (di, dh) in enumerate(dims):
        kk = jax.random.split(jax.random.fold_in(key, 100 + l), 2)
        inp[f"W1_{l}"] = jax.random.normal(kk[0], (di, dh), dtype=jnp.float32) * (1.0 / np.sqrt(di))
        inp[f"b1_{l}"] = jnp.zeros((dh,), jnp.float32)
        inp[f"g_{l}"] = jnp.ones((dh,), jnp.float32)
        inp[f"be_{l}"] = jnp.zeros((dh,), jnp.float32)
        inp[f"W2_{l}"] = jax.random.normal(kk[1], (dh, dh), dtype=jnp.float32) * (1.0 / np.sqrt(dh))
        inp[f"b2_{l}"] = jnp.zeros((dh,), jnp.float32)
    km = jax.random.split(jax.random.fold_in(key, 999), 2)
    inp["Wm1"] = jax.random.normal(km[0], (H, H), dtype=jnp.float32) * (1.0 / np.sqrt(H))
    inp["bm1"] = jnp.zeros((H,), jnp.float32)
    inp["Wm2"] = jax.random.normal(km[1], (H, OUT), dtype=jnp.float32) * (1.0 / np.sqrt(H))
    inp["bm2"] = jnp.zeros((OUT,), jnp.float32)
    return inp


def _gin_forward(x, edge_index, batch, batch_size, layers, Wm1, bm1, Wm2, bm2):
    src = edge_index[0]
    dst = edge_index[1]
    h = x
    for (W1, b1, g, be, W2, b2) in layers:
        # GINConv (train_eps=False, eps=0): nn((1+0)*x_i + sum_{j in N(i)} x_j)
        agg = jax.ops.segment_sum(h[src], dst, num_segments=N)
        t = h + agg
        # MLP([in, h, h]): Linear -> BatchNorm -> ReLU -> Linear
        t = t @ W1 + b1
        mu = jnp.mean(t, axis=0)
        var = jnp.var(t, axis=0)
        t = g * (t - mu) * jax.lax.rsqrt(var + EPS) + be
        t = jax.nn.relu(t)
        t = t @ W2 + b2
        # outer .relu() in GIN.forward
        h = jax.nn.relu(t)
    # global_add_pool
    pooled = jax.ops.segment_sum(h, batch, num_segments=batch_size)
    # final MLP (norm=None, dropout=0.5 -> identity at inference)
    o = jax.nn.relu(pooled @ Wm1 + bm1)
    return o @ Wm2 + bm2


def reference(x, edge_index, batch, batch_size,
              W1_0, b1_0, g_0, be_0, W2_0, b2_0,
              W1_1, b1_1, g_1, be_1, W2_1, b2_1,
              W1_2, b1_2, g_2, be_2, W2_2, b2_2,
              Wm1, bm1, Wm2, bm2):
    layers = [
        (W1_0, b1_0, g_0, be_0, W2_0, b2_0),
        (W1_1, b1_1, g_1, be_1, W2_1, b2_1),
        (W1_2, b1_2, g_2, be_2, W2_2, b2_2),
    ]
    bs_zero = jnp.asarray(batch_size - batch_size).astype(batch.dtype)
    batch = batch + bs_zero
    return _gin_forward(x, edge_index, batch, B, layers, Wm1, bm1, Wm2, bm2)

if __name__ == "__main__":
    import jax
    _d = setup_inputs()
    print(jax.jit(kernel)(*tuple(_d.values())))

</pallas_src>

<mosaic_0001>
#map = affine_map<(d0, d1) -> (0, 0)>
#map1 = affine_map<(d0, d1) -> (0, 0, 0, 0)>
#map2 = affine_map<(d0, d1) -> (0, 0, 0)>
module attributes {stable_mosaic.version = 14 : i64} {
  func.func @_sc_aggregate_body(%arg0: i32, %arg1: i32, %arg2: memref<10240x128xf32, #tpu.memory_space<hbm>>, %arg3: memref<2x16x500x40xi32, #tpu.memory_space<hbm>>, %arg4: memref<2x16x500x40xi32, #tpu.memory_space<hbm>>, %arg5: memref<2x10240x128xf32, #tpu.memory_space<hbm>>, %arg6: memref<250x40xi32, #tpu.memory_space<vmem>>, %arg7: memref<250x40xi32, #tpu.memory_space<vmem>>, %arg8: memref<10248x128xf32, #tpu.memory_space<vmem_shared>>, %arg9: memref<40x128xf32, #tpu.memory_space<vmem>>, %arg10: memref<40x128xf32, #tpu.memory_space<vmem>>, %arg11: memref<40x128xf32, #tpu.memory_space<vmem>>, %arg12: memref<40x128xf32, #tpu.memory_space<vmem>>, %arg13: memref<40x128xf32, #tpu.memory_space<vmem>>, %arg14: memref<!tpu.dma_semaphore, #tpu.memory_space<semaphore_mem>>, %arg15: memref<!tpu.dma_semaphore, #tpu.memory_space<semaphore_mem>>, %arg16: memref<!tpu.dma_semaphore, #tpu.memory_space<semaphore_mem>>, %arg17: memref<!tpu.dma_semaphore, #tpu.memory_space<semaphore_mem>>, %arg18: memref<!tpu.dma_semaphore, #tpu.memory_space<semaphore_mem>>, %arg19: memref<!tpu.dma_semaphore, #tpu.memory_space<semaphore_mem>>, %arg20: memref<!tpu.dma_semaphore, #tpu.memory_space<semaphore_mem>>, %arg21: memref<!tpu.dma_semaphore, #tpu.memory_space<semaphore_mem>>, %arg22: memref<!tpu.dma_semaphore, #tpu.memory_space<semaphore_mem>>, %arg23: memref<!tpu.dma_semaphore, #tpu.memory_space<semaphore_mem>>) attributes {dimension_semantics = [#tpu.dimension_semantics<core_parallel>, #tpu.dimension_semantics<subcore_parallel>], iteration_bounds = array<i64: 2, 16>, scalar_prefetch = 0 : i64, scratch_operands = 18 : i64, tpu.core_type = #tpu.core_type<sc_vector_subcore>, window_params = [{transform_indices = #map}, {transform_indices = #map1}, {transform_indices = #map1}, {transform_indices = #map2}]} {
    %mul3A = arith.constant 640 : i32
    %mul3A_0 = arith.muli %arg1, %mul3A : i32
    %mul3A_1 = arith.constant 640 : i32
    %mul3A_2 = arith.muli %arg1, %mul3A_1 : i32
    "tpu.region"() ({
      %run_scoped3A = tpu.sem_alloc : memref<!tpu.dma_semaphore, #tpu.memory_space<semaphore_mem>>
      %dma_start3A = arith.constant 0 : i32
      %dma_start3A_12 = tpu.memref_slice %arg8[%mul3A_2, %dma_start3A] : memref<10248x128xf32, #tpu.memory_space<vmem_shared>> -> memref<640x128xf32, #tpu.memory_space<vmem_shared>>
      %dma_start3A_13 = arith.constant 0 : i32
      %dma_start3A_14 = tpu.memref_slice %arg2[%mul3A_0, %dma_start3A_13] : memref<10240x128xf32, #tpu.memory_space<hbm>> -> memref<640x128xf32, #tpu.memory_space<hbm>>
      tpu.enqueue_dma source(%dma_start3A_14 : memref<640x128xf32, #tpu.memory_space<hbm>>) target(%dma_start3A_12 : memref<640x128xf32, #tpu.memory_space<vmem_shared>>) target_semaphore(%run_scoped3A : memref<!tpu.dma_semaphore, #tpu.memory_space<semaphore_mem>>)
      %dma_wait3A = arith.constant 0 : i32
      %dma_wait3A_15 = tpu.memref_slice %arg8[%mul3A_2, %dma_wait3A] : memref<10248x128xf32, #tpu.memory_space<vmem_shared>> -> memref<640x128xf32, #tpu.memory_space<vmem_shared>>
      %dma_wait3A_16 = arith.constant 0 : i32
      %dma_wait3A_17 = tpu.memref_slice %arg2[%mul3A_0, %dma_wait3A_16] : memref<10240x128xf32, #tpu.memory_space<hbm>> -> memref<640x128xf32, #tpu.memory_space<hbm>>
      tpu.wait_dma2 semaphore(%run_scoped3A : memref<!tpu.dma_semaphore, #tpu.memory_space<semaphore_mem>>) src(%dma_wait3A_17 : memref<640x128xf32, #tpu.memory_space<hbm>>) dst(%dma_wait3A_15 : memref<640x128xf32, #tpu.memory_space<vmem_shared>>)
      tpu.yield
    }) : () -> ()
    %barrier3A = arith.constant 0 : index
    tpu.barrier barrier_id(%barrier3A)
    %scan3A = arith.constant 0 : i32
    %scan3A_3 = arith.constant 2 : i32
    %scan3A_4 = arith.addi %scan3A, %scan3A_3 : i32
    %scan3A_5 = arith.constant 1 : i32
    scf.for %scan3A_12 = %scan3A to %scan3A_4 step %scan3A_5  : i32 {
      %mul3A_13 = arith.constant 1 : i32
      %mul3A_14 = arith.muli %scan3A_12, %mul3A_13 : i32
      %add3A = arith.constant 0 : i32
      %add3A_15 = arith.addi %add3A, %mul3A_14 : i32
      %mul3A_16 = arith.constant 250 : i32
      %mul3A_17 = arith.muli %add3A_15, %mul3A_16 : i32
      "tpu.region"() ({
        %run_scoped3A = tpu.sem_alloc : memref<!tpu.dma_semaphore, #tpu.memory_space<semaphore_mem>>
        %dma_start3A_163 = arith.constant 0 : i32
        %dma_start3A_164 = arith.constant 0 : i32
        %dma_start3A_165 = tpu.memref_slice %arg3[%arg0, %arg1, %dma_start3A_163, %dma_start3A_164] : memref<2x16x500x40xi32, #tpu.memory_space<hbm>> -> memref<1x1x500x40xi32, #tpu.memory_space<hbm>>
        %dma_start3A_166 = tpu.memref_squeeze %dma_start3A_165 : memref<1x1x500x40xi32, #tpu.memory_space<hbm>> -> memref<500x40xi32, #tpu.memory_space<hbm>>
        %dma_start3A_167 = arith.constant 0 : i32
        %dma_start3A_168 = tpu.memref_slice %dma_start3A_166[%mul3A_17, %dma_start3A_167] : memref<500x40xi32, #tpu.memory_space<hbm>> -> memref<250x40xi32, #tpu.memory_space<hbm>>
        %dma_start3A_169 = arith.constant 0 : i32
        %dma_start3A_170 = arith.constant 0 : i32
        %dma_start3A_171 = tpu.memref_slice %arg3[%arg0, %arg1, %dma_start3A_169, %dma_start3A_170] : memref<2x16x500x40xi32, #tpu.memory_space<hbm>> -> memref<1x1x500x40xi32, #tpu.memory_space<hbm>>
        %dma_start3A_172 = tpu.memref_squeeze %dma_start3A_171 : memref<1x1x500x40xi32, #tpu.memory_space<hbm>> -> memref<500x40xi32, #tpu.memory_space<hbm>>
        %dma_start3A_173 = arith.constant 0 : i32
        %dma_start3A_174 = tpu.memref_slice %dma_start3A_172[%mul3A_17, %dma_start3A_173] : memref<500x40xi32, #tpu.memory_space<hbm>> -> memref<250x40xi32, #tpu.memory_space<hbm>>
        tpu.enqueue_dma source(%dma_start3A_174 : memref<250x40xi32, #tpu.memory_space<hbm>>) target(%arg6 : memref<250x40xi32, #tpu.memory_space<vmem>>) target_semaphore(%run_scoped3A : memref<!tpu.dma_semaphore, #tpu.memory_space<semaphore_mem>>)
        %dma_wait3A_175 = arith.constant 0 : i32
        %dma_wait3A_176 = arith.constant 0 : i32
        %dma_wait3A_177 = tpu.memref_slice %arg3[%arg0, %arg1, %dma_wait3A_175, %dma_wait3A_176] : memref<2x16x500x40xi32, #tpu.memory_space<hbm>> -> memref<1x1x500x40xi32, #tpu.memory_space<hbm>>
        %dma_wait3A_178 = tpu.memref_squeeze %dma_wait3A_177 : memref<1x1x500x40xi32, #tpu.memory_space<hbm>> -> memref<500x40xi32, #tpu.memory_space<hbm>>
        %dma_wait3A_179 = arith.constant 0 : i32
        %dma_wait3A_180 = tpu.memref_slice %dma_wait3A_178[%mul3A_17, %dma_wait3A_179] : memref<500x40xi32, #tpu.memory_space<hbm>> -> memref<250x40xi32, #tpu.memory_space<hbm>>
        %dma_wait3A_181 = arith.constant 0 : i32
        %dma_wait3A_182 = arith.constant 0 : i32
        %dma_wait3A_183 = tpu.memref_slice %arg3[%arg0, %arg1, %dma_wait3A_181, %dma_wait3A_182] : memref<2x16x500x40xi32, #tpu.memory_space<hbm>> -> memref<1x1x500x40xi32, #tpu.memory_space<hbm>>
        %dma_wait3A_184 = tpu.memref_squeeze %dma_wait3A_183 : memref<1x1x500x40xi32, #tpu.memory_space<hbm>> -> memref<500x40xi32, #tpu.memory_space<hbm>>
        %dma_wait3A_185 = arith.constant 0 : i32
        %dma_wait3A_186 = tpu.memref_slice %dma_wait3A_184[%mul3A_17, %dma_wait3A_185] : memref<500x40xi32, #tpu.memory_space<hbm>> -> memref<250x40xi32, #tpu.memory_space<hbm>>
        tpu.wait_dma2 semaphore(%run_scoped3A : memref<!tpu.dma_semaphore, #tpu.memory_space<semaphore_mem>>) src(%dma_wait3A_186 : memref<250x40xi32, #tpu.memory_space<hbm>>) dst(%arg6 : memref<250x40xi32, #tpu.memory_space<vmem>>)
        tpu.yield
      }) : () -> ()
      %mul3A_18 = arith.constant 250 : i32
      %mul3A_19 = arith.muli %add3A_15, %mul3A_18 : i32
      "tpu.region"() ({
        %run_scoped3A = tpu.sem_alloc : memref<!tpu.dma_semaphore, #tpu.memory_space<semaphore_mem>>
        %dma_start3A_163 = arith.constant 0 : i32
        %dma_start3A_164 = arith.constant 0 : i32
        %dma_start3A_165 = tpu.memref_slice %arg4[%arg0, %arg1, %dma_start3A_163, %dma_start3A_164] : memref<2x16x500x40xi32, #tpu.memory_space<hbm>> -> memref<1x1x500x40xi32, #tpu.memory_space<hbm>>
        %dma_start3A_166 = tpu.memref_squeeze %dma_start3A_165 : memref<1x1x500x40xi32, #tpu.memory_space<hbm>> -> memref<500x40xi32, #tpu.memory_space<hbm>>
        %dma_start3A_167 = arith.constant 0 : i32
        %dma_start3A_168 = tpu.memref_slice %dma_start3A_166[%mul3A_19, %dma_start3A_167] : memref<500x40xi32, #tpu.memory_space<hbm>> -> memref<250x40xi32, #tpu.memory_space<hbm>>
        %dma_start3A_169 = arith.constant 0 : i32
        %dma_start3A_170 = arith.constant 0 : i32
        %dma_start3A_171 = tpu.memref_slice %arg4[%arg0, %arg1, %dma_start3A_169, %dma_start3A_170] : memref<2x16x500x40xi32, #tpu.memory_space<hbm>> -> memref<1x1x500x40xi32, #tpu.memory_space<hbm>>
        %dma_start3A_172 = tpu.memref_squeeze %dma_start3A_171 : memref<1x1x500x40xi32, #tpu.memory_space<hbm>> -> memref<500x40xi32, #tpu.memory_space<hbm>>
        %dma_start3A_173 = arith.constant 0 : i32
        %dma_start3A_174 = tpu.memref_slice %dma_start3A_172[%mul3A_19, %dma_start3A_173] : memref<500x40xi32, #tpu.memory_space<hbm>> -> memref<250x40xi32, #tpu.memory_space<hbm>>
        tpu.enqueue_dma source(%dma_start3A_174 : memref<250x40xi32, #tpu.memory_space<hbm>>) target(%arg7 : memref<250x40xi32, #tpu.memory_space<vmem>>) target_semaphore(%run_scoped3A : memref<!tpu.dma_semaphore, #tpu.memory_space<semaphore_mem>>)
        %dma_wait3A_175 = arith.constant 0 : i32
        %dma_wait3A_176 = arith.constant 0 : i32
        %dma_wait3A_177 = tpu.memref_slice %arg4[%arg0, %arg1, %dma_wait3A_175, %dma_wait3A_176] : memref<2x16x500x40xi32, #tpu.memory_space<hbm>> -> memref<1x1x500x40xi32, #tpu.memory_space<hbm>>
        %dma_wait3A_178 = tpu.memref_squeeze %dma_wait3A_177 : memref<1x1x500x40xi32, #tpu.memory_space<hbm>> -> memref<500x40xi32, #tpu.memory_space<hbm>>
        %dma_wait3A_179 = arith.constant 0 : i32
        %dma_wait3A_180 = tpu.memref_slice %dma_wait3A_178[%mul3A_19, %dma_wait3A_179] : memref<500x40xi32, #tpu.memory_space<hbm>> -> memref<250x40xi32, #tpu.memory_space<hbm>>
        %dma_wait3A_181 = arith.constant 0 : i32
        %dma_wait3A_182 = arith.constant 0 : i32
        %dma_wait3A_183 = tpu.memref_slice %arg4[%arg0, %arg1, %dma_wait3A_181, %dma_wait3A_182] : memref<2x16x500x40xi32, #tpu.memory_space<hbm>> -> memref<1x1x500x40xi32, #tpu.memory_space<hbm>>
        %dma_wait3A_184 = tpu.memref_squeeze %dma_wait3A_183 : memref<1x1x500x40xi32, #tpu.memory_space<hbm>> -> memref<500x40xi32, #tpu.memory_space<hbm>>
        %dma_wait3A_185 = arith.constant 0 : i32
        %dma_wait3A_186 = tpu.memref_slice %dma_wait3A_184[%mul3A_19, %dma_wait3A_185] : memref<500x40xi32, #tpu.memory_space<hbm>> -> memref<250x40xi32, #tpu.memory_space<hbm>>
        tpu.wait_dma2 semaphore(%run_scoped3A : memref<!tpu.dma_semaphore, #tpu.memory_space<semaphore_mem>>) src(%dma_wait3A_186 : memref<250x40xi32, #tpu.memory_space<hbm>>) dst(%arg7 : memref<250x40xi32, #tpu.memory_space<vmem>>)
        tpu.yield
      }) : () -> ()
      %dma_start3A = arith.constant 0 : i32
      %dma_start3A_20 = arith.constant 0 : i32
      %dma_start3A_21 = tpu.memref_slice %arg6[%dma_start3A, %dma_start3A_20] : memref<250x40xi32, #tpu.memory_space<vmem>> -> memref<1x40xi32, #tpu.memory_space<vmem>>
      %dma_start3A_22 = tpu.memref_squeeze %dma_start3A_21 : memref<1x40xi32, #tpu.memory_space<vmem>> -> memref<40xi32, #tpu.memory_space<vmem>>
      %dma_start3A_23 = arith.constant 0 : i32
      %dma_start3A_24 = arith.constant 0 : i32
      %dma_start3A_25 = tpu.memref_slice %arg2[%dma_start3A_23, %dma_start3A_24] : memref<10240x128xf32, #tpu.memory_space<hbm>> -> memref<10240x128xf32, #tpu.memory_space<hbm>>
      tpu.enqueue_indirect_dma source(%dma_start3A_25 : memref<10240x128xf32, #tpu.memory_space<hbm>>) target(%arg9 : memref<40x128xf32, #tpu.memory_space<vmem>>) offsets(%dma_start3A_22 : memref<40xi32, #tpu.memory_space<vmem>>) semaphore(%arg14 : memref<!tpu.dma_semaphore, #tpu.memory_space<semaphore_mem>>)
      %dma_start3A_26 = arith.constant 1 : i32
      %dma_start3A_27 = arith.constant 0 : i32
      %dma_start3A_28 = tpu.memref_slice %arg6[%dma_start3A_26, %dma_start3A_27] : memref<250x40xi32, #tpu.memory_space<vmem>> -> memref<1x40xi32, #tpu.memory_space<vmem>>
      %dma_start3A_29 = tpu.memref_squeeze %dma_start3A_28 : memref<1x40xi32, #tpu.memory_space<vmem>> -> memref<40xi32, #tpu.memory_space<vmem>>
      %dma_start3A_30 = arith.constant 0 : i32
      %dma_start3A_31 = arith.constant 0 : i32
      %dma_start3A_32 = tpu.memref_slice %arg2[%dma_start3A_30, %dma_start3A_31] : memref<10240x128xf32, #tpu.memory_space<hbm>> -> memref<10240x128xf32, #tpu.memory_space<hbm>>
      tpu.enqueue_indirect_dma source(%dma_start3A_32 : memref<10240x128xf32, #tpu.memory_space<hbm>>) target(%arg10 : memref<40x128xf32, #tpu.memory_space<vmem>>) offsets(%dma_start3A_29 : memref<40xi32, #tpu.memory_space<vmem>>) semaphore(%arg15 : memref<!tpu.dma_semaphore, #tpu.memory_space<semaphore_mem>>)
      %dma_start3A_33 = arith.constant 2 : i32
      %dma_start3A_34 = arith.constant 0 : i32
      %dma_start3A_35 = tpu.memref_slice %arg6[%dma_start3A_33, %dma_start3A_34] : memref<250x40xi32, #tpu.memory_space<vmem>> -> memref<1x40xi32, #tpu.memory_space<vmem>>
      %dma_start3A_36 = tpu.memref_squeeze %dma_start3A_35 : memref<1x40xi32, #tpu.memory_space<vmem>> -> memref<40xi32, #tpu.memory_space<vmem>>
      %dma_start3A_37 = arith.constant 0 : i32
      %dma_start3A_38 = arith.constant 0 : i32
      %dma_start3A_39 = tpu.memref_slice %arg2[%dma_start3A_37, %dma_start3A_38] : memref<10240x128xf32, #tpu.memory_space<hbm>> -> memref<10240x128xf32, #tpu.memory_space<hbm>>
      tpu.enqueue_indirect_dma source(%dma_start3A_39 : memref<10240x128xf32, #tpu.memory_space<hbm>>) target(%arg11 : memref<40x128xf32, #tpu.memory_space<vmem>>) offsets(%dma_start3A_36 : memref<40xi32, #tpu.memory_space<vmem>>) semaphore(%arg16 : memref<!tpu.dma_semaphore, #tpu.memory_space<semaphore_mem>>)
      %dma_start3A_40 = arith.constant 3 : i32
      %dma_start3A_41 = arith.constant 0 : i32
      %dma_start3A_42 = tpu.memref_slice %arg6[%dma_start3A_40, %dma_start3A_41] : memref<250x40xi32, #tpu.memory_space<vmem>> -> memref<1x40xi32, #tpu.memory_space<vmem>>
      %dma_start3A_43 = tpu.memref_squeeze %dma_start3A_42 : memref<1x40xi32, #tpu.memory_space<vmem>> -> memref<40xi32, #tpu.memory_space<vmem>>
      %dma_start3A_44 = arith.constant 0 : i32
      %dma_start3A_45 = arith.constant 0 : i32
      %dma_start3A_46 = tpu.memref_slice %arg2[%dma_start3A_44, %dma_start3A_45] : memref<10240x128xf32, #tpu.memory_space<hbm>> -> memref<10240x128xf32, #tpu.memory_space<hbm>>
      tpu.enqueue_indirect_dma source(%dma_start3A_46 : memref<10240x128xf32, #tpu.memory_space<hbm>>) target(%arg12 : memref<40x128xf32, #tpu.memory_space<vmem>>) offsets(%dma_start3A_43 : memref<40xi32, #tpu.memory_space<vmem>>) semaphore(%arg17 : memref<!tpu.dma_semaphore, #tpu.memory_space<semaphore_mem>>)
      %dma_start3A_47 = arith.constant 4 : i32
      %dma_start3A_48 = arith.constant 0 : i32
      %dma_start3A_49 = tpu.memref_slice %arg6[%dma_start3A_47, %dma_start3A_48] : memref<250x40xi32, #tpu.memory_space<vmem>> -> memref<1x40xi32, #tpu.memory_space<vmem>>
      %dma_start3A_50 = tpu.memref_squeeze %dma_start3A_49 : memref<1x40xi32, #tpu.memory_space<vmem>> -> memref<40xi32, #tpu.memory_space<vmem>>
      %dma_start3A_51 = arith.constant 0 : i32
      %dma_start3A_52 = arith.constant 0 : i32
      %dma_start3A_53 = tpu.memref_slice %arg2[%dma_start3A_51, %dma_start3A_52] : memref<10240x128xf32, #tpu.memory_space<hbm>> -> memref<10240x128xf32, #tpu.memory_space<hbm>>
      tpu.enqueue_indirect_dma source(%dma_start3A_53 : memref<10240x128xf32, #tpu.memory_space<hbm>>) target(%arg13 : memref<40x128xf32, #tpu.memory_space<vmem>>) offsets(%dma_start3A_50 : memref<40xi32, #tpu.memory_space<vmem>>) semaphore(%arg18 : memref<!tpu.dma_semaphore, #tpu.memory_space<semaphore_mem>>)
      %scan3A_54 = arith.constant 0 : i32
      %scan3A_55 = arith.constant 49 : i32
      %scan3A_56 = arith.addi %scan3A_54, %scan3A_55 : i32
      %scan3A_57 = arith.constant 1 : i32
      scf.for %scan3A_163 = %scan3A_54 to %scan3A_56 step %scan3A_57  : i32 {
        %mul3A_164 = arith.constant 1 : i32
        %mul3A_165 = arith.muli %scan3A_163, %mul3A_164 : i32
        %add3A_166 = arith.constant 0 : i32
        %add3A_167 = arith.addi %add3A_166, %mul3A_165 : i32
        %mul3A_168 = arith.constant 5 : i32
        %mul3A_169 = arith.muli %add3A_167, %mul3A_168 : i32
        %add3A_170 = arith.constant 0 : i32
        %add3A_171 = arith.addi %mul3A_169, %add3A_170 : i32
        %dma_wait3A_172 = arith.constant 0 : i32
        %dma_wait3A_173 = tpu.memref_slice %arg6[%add3A_171, %dma_wait3A_172] : memref<250x40xi32, #tpu.memory_space<vmem>> -> memref<1x40xi32, #tpu.memory_space<vmem>>
        %dma_wait3A_174 = tpu.memref_squeeze %dma_wait3A_173 : memref<1x40xi32, #tpu.memory_space<vmem>> -> memref<40xi32, #tpu.memory_space<vmem>>
        %dma_wait3A_175 = arith.constant 0 : i32
        %dma_wait3A_176 = arith.constant 0 : i32
        %dma_wait3A_177 = tpu.memref_slice %arg2[%dma_wait3A_175, %dma_wait3A_176] : memref<10240x128xf32, #tpu.memory_space<hbm>> -> memref<10240x128xf32, #tpu.memory_space<hbm>>
        tpu.wait_indirect_dma semaphore(%arg14 : memref<!tpu.dma_semaphore, #tpu.memory_space<semaphore_mem>>) src(%dma_wait3A_177 : memref<10240x128xf32, #tpu.memory_space<hbm>>) dst(%arg9 : memref<40x128xf32, #tpu.memory_space<vmem>>)
        %add3A_178 = arith.constant 0 : i32
        %add3A_179 = arith.addi %mul3A_169, %add3A_178 : i32
        %dma_start3A_180 = arith.constant 0 : i32
        %dma_start3A_181 = tpu.memref_slice %arg7[%add3A_179, %dma_start3A_180] : memref<250x40xi32, #tpu.memory_space<vmem>> -> memref<1x40xi32, #tpu.memory_space<vmem>>
        %dma_start3A_182 = tpu.memref_squeeze %dma_start3A_181 : memref<1x40xi32, #tpu.memory_space<vmem>> -> memref<40xi32, #tpu.memory_space<vmem>>
        %dma_start3A_183 = arith.constant 0 : i32
        %dma_start3A_184 = arith.constant 0 : i32
        %dma_start3A_185 = tpu.memref_slice %arg8[%dma_start3A_183, %dma_start3A_184] : memref<10248x128xf32, #tpu.memory_space<vmem_shared>> -> memref<10248x128xf32, #tpu.memory_space<vmem_shared>>
        tpu.enqueue_indirect_dma source(%arg9 : memref<40x128xf32, #tpu.memory_space<vmem>>) target(%dma_start3A_185 : memref<10248x128xf32, #tpu.memory_space<vmem_shared>>) offsets(%dma_start3A_182 : memref<40xi32, #tpu.memory_space<vmem>>) semaphore(%arg19 : memref<!tpu.dma_semaphore, #tpu.memory_space<semaphore_mem>>) {add = true}
        %add3A_186 = arith.constant 0 : i32
        %add3A_187 = arith.addi %mul3A_169, %add3A_186 : i32
        %dma_wait3A_188 = arith.constant 0 : i32
        %dma_wait3A_189 = tpu.memref_slice %arg7[%add3A_187, %dma_wait3A_188] : memref<250x40xi32, #tpu.memory_space<vmem>> -> memref<1x40xi32, #tpu.memory_space<vmem>>
        %dma_wait3A_190 = tpu.memref_squeeze %dma_wait3A_189 : memref<1x40xi32, #tpu.memory_space<vmem>> -> memref<40xi32, #tpu.memory_space<vmem>>
        %dma_wait3A_191 = arith.constant 0 : i32
        %dma_wait3A_192 = arith.constant 0 : i32
        %dma_wait3A_193 = tpu.memref_slice %arg8[%dma_wait3A_191, %dma_wait3A_192] : memref<10248x128xf32, #tpu.memory_space<vmem_shared>> -> memref<10248x128xf32, #tpu.memory_space<vmem_shared>>
        tpu.wait_indirect_dma semaphore(%arg19 : memref<!tpu.dma_semaphore, #tpu.memory_space<semaphore_mem>>) src(%arg9 : memref<40x128xf32, #tpu.memory_space<vmem>>) dst(%dma_wait3A_193 : memref<10248x128xf32, #tpu.memory_space<vmem_shared>>)
        %add3A_194 = arith.constant 0 : i32
        %add3A_195 = arith.addi %mul3A_169, %add3A_194 : i32
        %add3A_196 = arith.constant 5 : i32
        %add3A_197 = arith.addi %add3A_195, %add3A_196 : i32
        %dma_start3A_198 = arith.constant 0 : i32
        %dma_start3A_199 = tpu.memref_slice %arg6[%add3A_197, %dma_start3A_198] : memref<250x40xi32, #tpu.memory_space<vmem>> -> memref<1x40xi32, #tpu.memory_space<vmem>>
        %dma_start3A_200 = tpu.memref_squeeze %dma_start3A_199 : memref<1x40xi32, #tpu.memory_space<vmem>> -> memref<40xi32, #tpu.memory_space<vmem>>
        %dma_start3A_201 = arith.constant 0 : i32
        %dma_start3A_202 = arith.constant 0 : i32
        %dma_start3A_203 = tpu.memref_slice %arg2[%dma_start3A_201, %dma_start3A_202] : memref<10240x128xf32, #tpu.memory_space<hbm>> -> memref<10240x128xf32, #tpu.memory_space<hbm>>
        tpu.enqueue_indirect_dma source(%dma_start3A_203 : memref<10240x128xf32, #tpu.memory_space<hbm>>) target(%arg9 : memref<40x128xf32, #tpu.memory_space<vmem>>) offsets(%dma_start3A_200 : memref<40xi32, #tpu.memory_space<vmem>>) semaphore(%arg14 : memref<!tpu.dma_semaphore, #tpu.memory_space<semaphore_mem>>)
        %add3A_204 = arith.constant 1 : i32
        %add3A_205 = arith.addi %mul3A_169, %add3A_204 : i32
        %dma_wait3A_206 = arith.constant 0 : i32
        %dma_wait3A_207 = tpu.memref_slice %arg6[%add3A_205, %dma_wait3A_206] : memref<250x40xi32, #tpu.memory_space<vmem>> -> memref<1x40xi32, #tpu.memory_space<vmem>>
        %dma_wait3A_208 = tpu.memref_squeeze %dma_wait3A_207 : memref<1x40xi32, #tpu.memory_space<vmem>> -> memref<40xi32, #tpu.memory_space<vmem>>
        %dma_wait3A_209 = arith.constant 0 : i32
        %dma_wait3A_210 = arith.constant 0 : i32
        %dma_wait3A_211 = tpu.memref_slice %arg2[%dma_wait3A_209, %dma_wait3A_210] : memref<10240x128xf32, #tpu.memory_space<hbm>> -> memref<10240x128xf32, #tpu.memory_space<hbm>>
        tpu.wait_indirect_dma semaphore(%arg15 : memref<!tpu.dma_semaphore, #tpu.memory_space<semaphore_mem>>) src(%dma_wait3A_211 : memref<10240x128xf32, #tpu.memory_space<hbm>>) dst(%arg10 : memref<40x128xf32, #tpu.memory_space<vmem>>)
        %add3A_212 = arith.constant 1 : i32
        %add3A_213 = arith.addi %mul3A_169, %add3A_212 : i32
        %dma_start3A_214 = arith.constant 0 : i32
        %dma_start3A_215 = tpu.memref_slice %arg7[%add3A_213, %dma_start3A_214] : memref<250x40xi32, #tpu.memory_space<vmem>> -> memref<1x40xi32, #tpu.memory_space<vmem>>
        %dma_start3A_216 = tpu.memref_squeeze %dma_start3A_215 : memref<1x40xi32, #tpu.memory_space<vmem>> -> memref<40xi32, #tpu.memory_space<vmem>>
        %dma_start3A_217 = arith.constant 0 : i32
        %dma_start3A_218 = arith.constant 0 : i32
        %dma_start3A_219 = tpu.memref_slice %arg8[%dma_start3A_217, %dma_start3A_218] : memref<10248x128xf32, #tpu.memory_space<vmem_shared>> -> memref<10248x128xf32, #tpu.memory_space<vmem_shared>>
        tpu.enqueue_indirect_dma source(%arg10 : memref<40x128xf32, #tpu.memory_space<vmem>>) target(%dma_start3A_219 : memref<10248x128xf32, #tpu.memory_space<vmem_shared>>) offsets(%dma_start3A_216 : memref<40xi32, #tpu.memory_space<vmem>>) semaphore(%arg20 : memref<!tpu.dma_semaphore, #tpu.memory_space<semaphore_mem>>) {add = true}
        %add3A_220 = arith.constant 1 : i32
        %add3A_221 = arith.addi %mul3A_169, %add3A_220 : i32
        %dma_wait3A_222 = arith.constant 0 : i32
        %dma_wait3A_223 = tpu.memref_slice %arg7[%add3A_221, %dma_wait3A_222] : memref<250x40xi32, #tpu.memory_space<vmem>> -> memref<1x40xi32, #tpu.memory_space<vmem>>
        %dma_wait3A_224 = tpu.memref_squeeze %dma_wait3A_223 : memref<1x40xi32, #tpu.memory_space<vmem>> -> memref<40xi32, #tpu.memory_space<vmem>>
        %dma_wait3A_225 = arith.constant 0 : i32
        %dma_wait3A_226 = arith.constant 0 : i32
        %dma_wait3A_227 = tpu.memref_slice %arg8[%dma_wait3A_225, %dma_wait3A_226] : memref<10248x128xf32, #tpu.memory_space<vmem_shared>> -> memref<10248x128xf32, #tpu.memory_space<vmem_shared>>
        tpu.wait_indirect_dma semaphore(%arg20 : memref<!tpu.dma_semaphore, #tpu.memory_space<semaphore_mem>>) src(%arg10 : memref<40x128xf32, #tpu.memory_space<vmem>>) dst(%dma_wait3A_227 : memref<10248x128xf32, #tpu.memory_space<vmem_shared>>)
        %add3A_228 = arith.constant 1 : i32
        %add3A_229 = arith.addi %mul3A_169, %add3A_228 : i32
        %add3A_230 = arith.constant 5 : i32
        %add3A_231 = arith.addi %add3A_229, %add3A_230 : i32
        %dma_start3A_232 = arith.constant 0 : i32
        %dma_start3A_233 = tpu.memref_slice %arg6[%add3A_231, %dma_start3A_232] : memref<250x40xi32, #tpu.memory_space<vmem>> -> memref<1x40xi32, #tpu.memory_space<vmem>>
        %dma_start3A_234 = tpu.memref_squeeze %dma_start3A_233 : memref<1x40xi32, #tpu.memory_space<vmem>> -> memref<40xi32, #tpu.memory_space<vmem>>
        %dma_start3A_235 = arith.constant 0 : i32
        %dma_start3A_236 = arith.constant 0 : i32
        %dma_start3A_237 = tpu.memref_slice %arg2[%dma_start3A_235, %dma_start3A_236] : memref<10240x128xf32, #tpu.memory_space<hbm>> -> memref<10240x128xf32, #tpu.memory_space<hbm>>
        tpu.enqueue_indirect_dma source(%dma_start3A_237 : memref<10240x128xf32, #tpu.memory_space<hbm>>) target(%arg10 : memref<40x128xf32, #tpu.memory_space<vmem>>) offsets(%dma_start3A_234 : memref<40xi32, #tpu.memory_space<vmem>>) semaphore(%arg15 : memref<!tpu.dma_semaphore, #tpu.memory_space<semaphore_mem>>)
        %add3A_238 = arith.constant 2 : i32
        %add3A_239 = arith.addi %mul3A_169, %add3A_238 : i32
        %dma_wait3A_240 = arith.constant 0 : i32
        %dma_wait3A_241 = tpu.memref_slice %arg6[%add3A_239, %dma_wait3A_240] : memref<250x40xi32, #tpu.memory_space<vmem>> -> memref<1x40xi32, #tpu.memory_space<vmem>>
        %dma_wait3A_242 = tpu.memref_squeeze %dma_wait3A_241 : memref<1x40xi32, #tpu.memory_space<vmem>> -> memref<40xi32, #tpu.memory_space<vmem>>
        %dma_wait3A_243 = arith.constant 0 : i32
        %dma_wait3A_244 = arith.constant 0 : i32
        %dma_wait3A_245 = tpu.memref_slice %arg2[%dma_wait3A_243, %dma_wait3A_244] : memref<10240x128xf32, #tpu.memory_space<hbm>> -> memref<10240x128xf32, #tpu.memory_space<hbm>>
        tpu.wait_indirect_dma semaphore(%arg16 : memref<!tpu.dma_semaphore, #tpu.memory_space<semaphore_mem>>) src(%dma_wait3A_245 : memref<10240x128xf32, #tpu.memory_space<hbm>>) dst(%arg11 : memref<40x128xf32, #tpu.memory_space<vmem>>)
        %add3A_246 = arith.constant 2 : i32
        %add3A_247 = arith.addi %mul3A_169, %add3A_246 : i32
        %dma_start3A_248 = arith.constant 0 : i32
        %dma_start3A_249 = tpu.memref_slice %arg7[%add3A_247, %dma_start3A_248] : memref<250x40xi32, #tpu.memory_space<vmem>> -> memref<1x40xi32, #tpu.memory_space<vmem>>
        %dma_start3A_250 = tpu.memref_squeeze %dma_start3A_249 : memref<1x40xi32, #tpu.memory_space<vmem>> -> memref<40xi32, #tpu.memory_space<vmem>>
        %dma_start3A_251 = arith.constant 0 : i32
        %dma_start3A_252 = arith.constant 0 : i32
        %dma_start3A_253 = tpu.memref_slice %arg8[%dma_start3A_251, %dma_start3A_252] : memref<10248x128xf32, #tpu.memory_space<vmem_shared>> -> memref<10248x128xf32, #tpu.memory_space<vmem_shared>>
        tpu.enqueue_indirect_dma source(%arg11 : memref<40x128xf32, #tpu.memory_space<vmem>>) target(%dma_start3A_253 : memref<10248x128xf32, #tpu.memory_space<vmem_shared>>) offsets(%dma_start3A_250 : memref<40xi32, #tpu.memory_space<vmem>>) semaphore(%arg21 : memref<!tpu.dma_semaphore, #tpu.memory_space<semaphore_mem>>) {add = true}
        %add3A_254 = arith.constant 2 : i32
        %add3A_255 = arith.addi %mul3A_169, %add3A_254 : i32
        %dma_wait3A_256 = arith.constant 0 : i32
        %dma_wait3A_257 = tpu.memref_slice %arg7[%add3A_255, %dma_wait3A_256] : memref<250x40xi32, #tpu.memory_space<vmem>> -> memref<1x40xi32, #tpu.memory_space<vmem>>
        %dma_wait3A_258 = tpu.memref_squeeze %dma_wait3A_257 : memref<1x40xi32, #tpu.memory_space<vmem>> -> memref<40xi32, #tpu.memory_space<vmem>>
        %dma_wait3A_259 = arith.constant 0 : i32
        %dma_wait3A_260 = arith.constant 0 : i32
        %dma_wait3A_261 = tpu.memref_slice %arg8[%dma_wait3A_259, %dma_wait3A_260] : memref<10248x128xf32, #tpu.memory_space<vmem_shared>> -> memref<10248x128xf32, #tpu.memory_space<vmem_shared>>
        tpu.wait_indirect_dma semaphore(%arg21 : memref<!tpu.dma_semaphore, #tpu.memory_space<semaphore_mem>>) src(%arg11 : memref<40x128xf32, #tpu.memory_space<vmem>>) dst(%dma_wait3A_261 : memref<10248x128xf32, #tpu.memory_space<vmem_shared>>)
        %add3A_262 = arith.constant 2 : i32
        %add3A_263 = arith.addi %mul3A_169, %add3A_262 : i32
        %add3A_264 = arith.constant 5 : i32
        %add3A_265 = arith.addi %add3A_263, %add3A_264 : i32
        %dma_start3A_266 = arith.constant 0 : i32
        %dma_start3A_267 = tpu.memref_slice %arg6[%add3A_265, %dma_start3A_266] : memref<250x40xi32, #tpu.memory_space<vmem>> -> memref<1x40xi32, #tpu.memory_space<vmem>>
        %dma_start3A_268 = tpu.memref_squeeze %dma_start3A_267 : memref<1x40xi32, #tpu.memory_space<vmem>> -> memref<40xi32, #tpu.memory_space<vmem>>
        %dma_start3A_269 = arith.constant 0 : i32
        %dma_start3A_270 = arith.constant 0 : i32
        %dma_start3A_271 = tpu.memref_slice %arg2[%dma_start3A_269, %dma_start3A_270] : memref<10240x128xf32, #tpu.memory_space<hbm>> -> memref<10240x128xf32, #tpu.memory_space<hbm>>
        tpu.enqueue_indirect_dma source(%dma_start3A_271 : memref<10240x128xf32, #tpu.memory_space<hbm>>) target(%arg11 : memref<40x128xf32, #tpu.memory_space<vmem>>) offsets(%dma_start3A_268 : memref<40xi32, #tpu.memory_space<vmem>>) semaphore(%arg16 : memref<!tpu.dma_semaphore, #tpu.memory_space<semaphore_mem>>)
        %add3A_272 = arith.constant 3 : i32
        %add3A_273 = arith.addi %mul3A_169, %add3A_272 : i32
        %dma_wait3A_274 = arith.constant 0 : i32
        %dma_wait3A_275 = tpu.memref_slice %arg6[%add3A_273, %dma_wait3A_274] : memref<250x40xi32, #tpu.memory_space<vmem>> -> memref<1x40xi32, #tpu.memory_space<vmem>>
        %dma_wait3A_276 = tpu.memref_squeeze %dma_wait3A_275 : memref<1x40xi32, #tpu.memory_space<vmem>> -> memref<40xi32, #tpu.memory_space<vmem>>
        %dma_wait3A_277 = arith.constant 0 : i32
        %dma_wait3A_278 = arith.constant 0 : i32
        %dma_wait3A_279 = tpu.memref_slice %arg2[%dma_wait3A_277, %dma_wait3A_278] : memref<10240x128xf32, #tpu.memory_space<hbm>> -> memref<10240x128xf32, #tpu.memory_space<hbm>>
        tpu.wait_indirect_dma semaphore(%arg17 : memref<!tpu.dma_semaphore, #tpu.memory_space<semaphore_mem>>) src(%dma_wait3A_279 : memref<10240x128xf32, #tpu.memory_space<hbm>>) dst(%arg12 : memref<40x128xf32, #tpu.memory_space<vmem>>)
        %add3A_280 = arith.constant 3 : i32
        %add3A_281 = arith.addi %mul3A_169, %add3A_280 : i32
        %dma_start3A_282 = arith.constant 0 : i32
        %dma_start3A_283 = tpu.memref_slice %arg7[%add3A_281, %dma_start3A_282] : memref<250x40xi32, #tpu.memory_space<vmem>> -> memref<1x40xi32, #tpu.memory_space<vmem>>
        %dma_start3A_284 = tpu.memref_squeeze %dma_start3A_283 : memref<1x40xi32, #tpu.memory_space<vmem>> -> memref<40xi32, #tpu.memory_space<vmem>>
        %dma_start3A_285 = arith.constant 0 : i32
        %dma_start3A_286 = arith.constant 0 : i32
        %dma_start3A_287 = tpu.memref_slice %arg8[%dma_start3A_285, %dma_start3A_286] : memref<10248x128xf32, #tpu.memory_space<vmem_shared>> -> memref<10248x128xf32, #tpu.memory_space<vmem_shared>>
        tpu.enqueue_indirect_dma source(%arg12 : memref<40x128xf32, #tpu.memory_space<vmem>>) target(%dma_start3A_287 : memref<10248x128xf32, #tpu.memory_space<vmem_shared>>) offsets(%dma_start3A_284 : memref<40xi32, #tpu.memory_space<vmem>>) semaphore(%arg22 : memref<!tpu.dma_semaphore, #tpu.memory_space<semaphore_mem>>) {add = true}
        %add3A_288 = arith.constant 3 : i32
        %add3A_289 = arith.addi %mul3A_169, %add3A_288 : i32
        %dma_wait3A_290 = arith.constant 0 : i32
        %dma_wait3A_291 = tpu.memref_slice %arg7[%add3A_289, %dma_wait3A_290] : memref<250x40xi32, #tpu.memory_space<vmem>> -> memref<1x40xi32, #tpu.memory_space<vmem>>
        %dma_wait3A_292 = tpu.memref_squeeze %dma_wait3A_291 : memref<1x40xi32, #tpu.memory_space<vmem>> -> memref<40xi32, #tpu.memory_space<vmem>>
        %dma_wait3A_293 = arith.constant 0 : i32
        %dma_wait3A_294 = arith.constant 0 : i32
        %dma_wait3A_295 = tpu.memref_slice %arg8[%dma_wait3A_293, %dma_wait3A_294] : memref<10248x128xf32, #tpu.memory_space<vmem_shared>> -> memref<10248x128xf32, #tpu.memory_space<vmem_shared>>
        tpu.wait_indirect_dma semaphore(%arg22 : memref<!tpu.dma_semaphore, #tpu.memory_space<semaphore_mem>>) src(%arg12 : memref<40x128xf32, #tpu.memory_space<vmem>>) dst(%dma_wait3A_295 : memref<10248x128xf32, #tpu.memory_space<vmem_shared>>)
        %add3A_296 = arith.constant 3 : i32
        %add3A_297 = arith.addi %mul3A_169, %add3A_296 : i32
        %add3A_298 = arith.constant 5 : i32
        %add3A_299 = arith.addi %add3A_297, %add3A_298 : i32
        %dma_start3A_300 = arith.constant 0 : i32
        %dma_start3A_301 = tpu.memref_slice %arg6[%add3A_299, %dma_start3A_300] : memref<250x40xi32, #tpu.memory_space<vmem>> -> memref<1x40xi32, #tpu.memory_space<vmem>>
        %dma_start3A_302 = tpu.memref_squeeze %dma_start3A_301 : memref<1x40xi32, #tpu.memory_space<vmem>> -> memref<40xi32, #tpu.memory_space<vmem>>
        %dma_start3A_303 = arith.constant 0 : i32
        %dma_start3A_304 = arith.constant 0 : i32
        %dma_start3A_305 = tpu.memref_slice %arg2[%dma_start3A_303, %dma_start3A_304] : memref<10240x128xf32, #tpu.memory_space<hbm>> -> memref<10240x128xf32, #tpu.memory_space<hbm>>
        tpu.enqueue_indirect_dma source(%dma_start3A_305 : memref<10240x128xf32, #tpu.memory_space<hbm>>) target(%arg12 : memref<40x128xf32, #tpu.memory_space<vmem>>) offsets(%dma_start3A_302 : memref<40xi32, #tpu.memory_space<vmem>>) semaphore(%arg17 : memref<!tpu.dma_semaphore, #tpu.memory_space<semaphore_mem>>)
        %add3A_306 = arith.constant 4 : i32
        %add3A_307 = arith.addi %mul3A_169, %add3A_306 : i32
        %dma_wait3A_308 = arith.constant 0 : i32
        %dma_wait3A_309 = tpu.memref_slice %arg6[%add3A_307, %dma_wait3A_308] : memref<250x40xi32, #tpu.memory_space<vmem>> -> memref<1x40xi32, #tpu.memory_space<vmem>>
        %dma_wait3A_310 = tpu.memref_squeeze %dma_wait3A_309 : memref<1x40xi32, #tpu.memory_space<vmem>> -> memref<40xi32, #tpu.memory_space<vmem>>
        %dma_wait3A_311 = arith.constant 0 : i32
        %dma_wait3A_312 = arith.constant 0 : i32
        %dma_wait3A_313 = tpu.memref_slice %arg2[%dma_wait3A_311, %dma_wait3A_312] : memref<10240x128xf32, #tpu.memory_space<hbm>> -> memref<10240x128xf32, #tpu.memory_space<hbm>>
        tpu.wait_indirect_dma semaphore(%arg18 : memref<!tpu.dma_semaphore, #tpu.memory_space<semaphore_mem>>) src(%dma_wait3A_313 : memref<10240x128xf32, #tpu.memory_space<hbm>>) dst(%arg13 : memref<40x128xf32, #tpu.memory_space<vmem>>)
        %add3A_314 = arith.constant 4 : i32
        %add3A_315 = arith.addi %mul3A_169, %add3A_314 : i32
        %dma_start3A_316 = arith.constant 0 : i32
        %dma_start3A_317 = tpu.memref_slice %arg7[%add3A_315, %dma_start3A_316] : memref<250x40xi32, #tpu.memory_space<vmem>> -> memref<1x40xi32, #tpu.memory_space<vmem>>
        %dma_start3A_318 = tpu.memref_squeeze %dma_start3A_317 : memref<1x40xi32, #tpu.memory_space<vmem>> -> memref<40xi32, #tpu.memory_space<vmem>>
        %dma_start3A_319 = arith.constant 0 : i32
        %dma_start3A_320 = arith.constant 0 : i32
        %dma_start3A_321 = tpu.memref_slice %arg8[%dma_start3A_319, %dma_start3A_320] : memref<10248x128xf32, #tpu.memory_space<vmem_shared>> -> memref<10248x128xf32, #tpu.memory_space<vmem_shared>>
        tpu.enqueue_indirect_dma source(%arg13 : memref<40x128xf32, #tpu.memory_space<vmem>>) target(%dma_start3A_321 : memref<10248x128xf32, #tpu.memory_space<vmem_shared>>) offsets(%dma_start3A_318 : memref<40xi32, #tpu.memory_space<vmem>>) semaphore(%arg23 : memref<!tpu.dma_semaphore, #tpu.memory_space<semaphore_mem>>) {add = true}
        %add3A_322 = arith.constant 4 : i32
        %add3A_323 = arith.addi %mul3A_169, %add3A_322 : i32
        %dma_wait3A_324 = arith.constant 0 : i32
        %dma_wait3A_325 = tpu.memref_slice %arg7[%add3A_323, %dma_wait3A_324] : memref<250x40xi32, #tpu.memory_space<vmem>> -> memref<1x40xi32, #tpu.memory_space<vmem>>
        %dma_wait3A_326 = tpu.memref_squeeze %dma_wait3A_325 : memref<1x40xi32, #tpu.memory_space<vmem>> -> memref<40xi32, #tpu.memory_space<vmem>>
        %dma_wait3A_327 = arith.constant 0 : i32
        %dma_wait3A_328 = arith.constant 0 : i32
        %dma_wait3A_329 = tpu.memref_slice %arg8[%dma_wait3A_327, %dma_wait3A_328] : memref<10248x128xf32, #tpu.memory_space<vmem_shared>> -> memref<10248x128xf32, #tpu.memory_space<vmem_shared>>
        tpu.wait_indirect_dma semaphore(%arg23 : memref<!tpu.dma_semaphore, #tpu.memory_space<semaphore_mem>>) src(%arg13 : memref<40x128xf32, #tpu.memory_space<vmem>>) dst(%dma_wait3A_329 : memref<10248x128xf32, #tpu.memory_space<vmem_shared>>)
        %add3A_330 = arith.constant 4 : i32
        %add3A_331 = arith.addi %mul3A_169, %add3A_330 : i32
        %add3A_332 = arith.constant 5 : i32
        %add3A_333 = arith.addi %add3A_331, %add3A_332 : i32
        %dma_start3A_334 = arith.constant 0 : i32
        %dma_start3A_335 = tpu.memref_slice %arg6[%add3A_333, %dma_start3A_334] : memref<250x40xi32, #tpu.memory_space<vmem>> -> memref<1x40xi32, #tpu.memory_space<vmem>>
        %dma_start3A_336 = tpu.memref_squeeze %dma_start3A_335 : memref<1x40xi32, #tpu.memory_space<vmem>> -> memref<40xi32, #tpu.memory_space<vmem>>
        %dma_start3A_337 = arith.constant 0 : i32
        %dma_start3A_338 = arith.constant 0 : i32
        %dma_start3A_339 = tpu.memref_slice %arg2[%dma_start3A_337, %dma_start3A_338] : memref<10240x128xf32, #tpu.memory_space<hbm>> -> memref<10240x128xf32, #tpu.memory_space<hbm>>
        tpu.enqueue_indirect_dma source(%dma_start3A_339 : memref<10240x128xf32, #tpu.memory_space<hbm>>) target(%arg13 : memref<40x128xf32, #tpu.memory_space<vmem>>) offsets(%dma_start3A_336 : memref<40xi32, #tpu.memory_space<vmem>>) semaphore(%arg18 : memref<!tpu.dma_semaphore, #tpu.memory_space<semaphore_mem>>)
      }
      %scan3A_58 = arith.constant 49 : i32
      %dma_wait3A = arith.constant 245 : i32
      %dma_wait3A_59 = arith.constant 0 : i32
      %dma_wait3A_60 = tpu.memref_slice %arg6[%dma_wait3A, %dma_wait3A_59] : memref<250x40xi32, #tpu.memory_space<vmem>> -> memref<1x40xi32, #tpu.memory_space<vmem>>
      %dma_wait3A_61 = tpu.memref_squeeze %dma_wait3A_60 : memref<1x40xi32, #tpu.memory_space<vmem>> -> memref<40xi32, #tpu.memory_space<vmem>>
      %dma_wait3A_62 = arith.constant 0 : i32
      %dma_wait3A_63 = arith.constant 0 : i32
      %dma_wait3A_64 = tpu.memref_slice %arg2[%dma_wait3A_62, %dma_wait3A_63] : memref<10240x128xf32, #tpu.memory_space<hbm>> -> memref<10240x128xf32, #tpu.memory_space<hbm>>
      tpu.wait_indirect_dma semaphore(%arg14 : memref<!tpu.dma_semaphore, #tpu.memory_space<semaphore_mem>>) src(%dma_wait3A_64 : memref<10240x128xf32, #tpu.memory_space<hbm>>) dst(%arg9 : memref<40x128xf32, #tpu.memory_space<vmem>>)
      %dma_start3A_65 = arith.constant 245 : i32
      %dma_start3A_66 = arith.constant 0 : i32
      %dma_start3A_67 = tpu.memref_slice %arg7[%dma_start3A_65, %dma_start3A_66] : memref<250x40xi32, #tpu.memory_space<vmem>> -> memref<1x40xi32, #tpu.memory_space<vmem>>
      %dma_start3A_68 = tpu.memref_squeeze %dma_start3A_67 : memref<1x40xi32, #tpu.memory_space<vmem>> -> memref<40xi32, #tpu.memory_space<vmem>>
      %dma_start3A_69 = arith.constant 0 : i32
      %dma_start3A_70 = arith.constant 0 : i32
      %dma_start3A_71 = tpu.memref_slice %arg8[%dma_start3A_69, %dma_start3A_70] : memref<10248x128xf32, #tpu.memory_space<vmem_shared>> -> memref<10248x128xf32, #tpu.memory_space<vmem_shared>>
      tpu.enqueue_indirect_dma source(%arg9 : memref<40x128xf32, #tpu.memory_space<vmem>>) target(%dma_start3A_71 : memref<10248x128xf32, #tpu.memory_space<vmem_shared>>) offsets(%dma_start3A_68 : memref<40xi32, #tpu.memory_space<vmem>>) semaphore(%arg19 : memref<!tpu.dma_semaphore, #tpu.memory_space<semaphore_mem>>) {add = true}
      %dma_wait3A_72 = arith.constant 246 : i32
      %dma_wait3A_73 = arith.constant 0 : i32
      %dma_wait3A_74 = tpu.memref_slice %arg6[%dma_wait3A_72, %dma_wait3A_73] : memref<250x40xi32, #tpu.memory_space<vmem>> -> memref<1x40xi32, #tpu.memory_space<vmem>>
      %dma_wait3A_75 = tpu.memref_squeeze %dma_wait3A_74 : memref<1x40xi32, #tpu.memory_space<vmem>> -> memref<40xi32, #tpu.memory_space<vmem>>
      %dma_wait3A_76 = arith.constant 0 : i32
      %dma_wait3A_77 = arith.constant 0 : i32
      %dma_wait3A_78 = tpu.memref_slice %arg2[%dma_wait3A_76, %dma_wait3A_77] : memref<10240x128xf32, #tpu.memory_space<hbm>> -> memref<10240x128xf32, #tpu.memory_space<hbm>>
      tpu.wait_indirect_dma semaphore(%arg15 : memref<!tpu.dma_semaphore, #tpu.memory_space<semaphore_mem>>) src(%dma_wait3A_78 : memref<10240x128xf32, #tpu.memory_space<hbm>>) dst(%arg10 : memref<40x128xf32, #tpu.memory_space<vmem>>)
      %dma_start3A_79 = arith.constant 246 : i32
      %dma_start3A_80 = arith.constant 0 : i32
      %dma_start3A_81 = tpu.memref_slice %arg7[%dma_start3A_79, %dma_start3A_80] : memref<250x40xi32, #tpu.memory_space<vmem>> -> memref<1x40xi32, #tpu.memory_space<vmem>>
      %dma_start3A_82 = tpu.memref_squeeze %dma_start3A_81 : memref<1x40xi32, #tpu.memory_space<vmem>> -> memref<40xi32, #tpu.memory_space<vmem>>
      %dma_start3A_83 = arith.constant 0 : i32
      %dma_start3A_84 = arith.constant 0 : i32
      %dma_start3A_85 = tpu.memref_slice %arg8[%dma_start3A_83, %dma_start3A_84] : memref<10248x128xf32, #tpu.memory_space<vmem_shared>> -> memref<10248x128xf32, #tpu.memory_space<vmem_shared>>
      tpu.enqueue_indirect_dma source(%arg10 : memref<40x128xf32, #tpu.memory_space<vmem>>) target(%dma_start3A_85 : memref<10248x128xf32, #tpu.memory_space<vmem_shared>>) offsets(%dma_start3A_82 : memref<40xi32, #tpu.memory_space<vmem>>) semaphore(%arg20 : memref<!tpu.dma_semaphore, #tpu.memory_space<semaphore_mem>>) {add = true}
      %dma_wait3A_86 = arith.constant 247 : i32
      %dma_wait3A_87 = arith.constant 0 : i32
      %dma_wait3A_88 = tpu.memref_slice %arg6[%dma_wait3A_86, %dma_wait3A_87] : memref<250x40xi32, #tpu.memory_space<vmem>> -> memref<1x40xi32, #tpu.memory_space<vmem>>
      %dma_wait3A_89 = tpu.memref_squeeze %dma_wait3A_88 : memref<1x40xi32, #tpu.memory_space<vmem>> -> memref<40xi32, #tpu.memory_space<vmem>>
      %dma_wait3A_90 = arith.constant 0 : i32
      %dma_wait3A_91 = arith.constant 0 : i32
      %dma_wait3A_92 = tpu.memref_slice %arg2[%dma_wait3A_90, %dma_wait3A_91] : memref<10240x128xf32, #tpu.memory_space<hbm>> -> memref<10240x128xf32, #tpu.memory_space<hbm>>
      tpu.wait_indirect_dma semaphore(%arg16 : memref<!tpu.dma_semaphore, #tpu.memory_space<semaphore_mem>>) src(%dma_wait3A_92 : memref<10240x128xf32, #tpu.memory_space<hbm>>) dst(%arg11 : memref<40x128xf32, #tpu.memory_space<vmem>>)
      %dma_start3A_93 = arith.constant 247 : i32
      %dma_start3A_94 = arith.constant 0 : i32
      %dma_start3A_95 = tpu.memref_slice %arg7[%dma_start3A_93, %dma_start3A_94] : memref<250x40xi32, #tpu.memory_space<vmem>> -> memref<1x40xi32, #tpu.memory_space<vmem>>
      %dma_start3A_96 = tpu.memref_squeeze %dma_start3A_95 : memref<1x40xi32, #tpu.memory_space<vmem>> -> memref<40xi32, #tpu.memory_space<vmem>>
      %dma_start3A_97 = arith.constant 0 : i32
      %dma_start3A_98 = arith.constant 0 : i32
      %dma_start3A_99 = tpu.memref_slice %arg8[%dma_start3A_97, %dma_start3A_98] : memref<10248x128xf32, #tpu.memory_space<vmem_shared>> -> memref<10248x128xf32, #tpu.memory_space<vmem_shared>>
      tpu.enqueue_indirect_dma source(%arg11 : memref<40x128xf32, #tpu.memory_space<vmem>>) target(%dma_start3A_99 : memref<10248x128xf32, #tpu.memory_space<vmem_shared>>) offsets(%dma_start3A_96 : memref<40xi32, #tpu.memory_space<vmem>>) semaphore(%arg21 : memref<!tpu.dma_semaphore, #tpu.memory_space<semaphore_mem>>) {add = true}
      %dma_wait3A_100 = arith.constant 248 : i32
      %dma_wait3A_101 = arith.constant 0 : i32
      %dma_wait3A_102 = tpu.memref_slice %arg6[%dma_wait3A_100, %dma_wait3A_101] : memref<250x40xi32, #tpu.memory_space<vmem>> -> memref<1x40xi32, #tpu.memory_space<vmem>>
      %dma_wait3A_103 = tpu.memref_squeeze %dma_wait3A_102 : memref<1x40xi32, #tpu.memory_space<vmem>> -> memref<40xi32, #tpu.memory_space<vmem>>
      %dma_wait3A_104 = arith.constant 0 : i32
      %dma_wait3A_105 = arith.constant 0 : i32
      %dma_wait3A_106 = tpu.memref_slice %arg2[%dma_wait3A_104, %dma_wait3A_105] : memref<10240x128xf32, #tpu.memory_space<hbm>> -> memref<10240x128xf32, #tpu.memory_space<hbm>>
      tpu.wait_indirect_dma semaphore(%arg17 : memref<!tpu.dma_semaphore, #tpu.memory_space<semaphore_mem>>) src(%dma_wait3A_106 : memref<10240x128xf32, #tpu.memory_space<hbm>>) dst(%arg12 : memref<40x128xf32, #tpu.memory_space<vmem>>)
      %dma_start3A_107 = arith.constant 248 : i32
      %dma_start3A_108 = arith.constant 0 : i32
      %dma_start3A_109 = tpu.memref_slice %arg7[%dma_start3A_107, %dma_start3A_108] : memref<250x40xi32, #tpu.memory_space<vmem>> -> memref<1x40xi32, #tpu.memory_space<vmem>>
      %dma_start3A_110 = tpu.memref_squeeze %dma_start3A_109 : memref<1x40xi32, #tpu.memory_space<vmem>> -> memref<40xi32, #tpu.memory_space<vmem>>
      %dma_start3A_111 = arith.constant 0 : i32
      %dma_start3A_112 = arith.constant 0 : i32
      %dma_start3A_113 = tpu.memref_slice %arg8[%dma_start3A_111, %dma_start3A_112] : memref<10248x128xf32, #tpu.memory_space<vmem_shared>> -> memref<10248x128xf32, #tpu.memory_space<vmem_shared>>
      tpu.enqueue_indirect_dma source(%arg12 : memref<40x128xf32, #tpu.memory_space<vmem>>) target(%dma_start3A_113 : memref<10248x128xf32, #tpu.memory_space<vmem_shared>>) offsets(%dma_start3A_110 : memref<40xi32, #tpu.memory_space<vmem>>) semaphore(%arg22 : memref<!tpu.dma_semaphore, #tpu.memory_space<semaphore_mem>>) {add = true}
      %dma_wait3A_114 = arith.constant 249 : i32
      %dma_wait3A_115 = arith.constant 0 : i32
      %dma_wait3A_116 = tpu.memref_slice %arg6[%dma_wait3A_114, %dma_wait3A_115] : memref<250x40xi32, #tpu.memory_space<vmem>> -> memref<1x40xi32, #tpu.memory_space<vmem>>
      %dma_wait3A_117 = tpu.memref_squeeze %dma_wait3A_116 : memref<1x40xi32, #tpu.memory_space<vmem>> -> memref<40xi32, #tpu.memory_space<vmem>>
      %dma_wait3A_118 = arith.constant 0 : i32
      %dma_wait3A_119 = arith.constant 0 : i32
      %dma_wait3A_120 = tpu.memref_slice %arg2[%dma_wait3A_118, %dma_wait3A_119] : memref<10240x128xf32, #tpu.memory_space<hbm>> -> memref<10240x128xf32, #tpu.memory_space<hbm>>
      tpu.wait_indirect_dma semaphore(%arg18 : memref<!tpu.dma_semaphore, #tpu.memory_space<semaphore_mem>>) src(%dma_wait3A_120 : memref<10240x128xf32, #tpu.memory_space<hbm>>) dst(%arg13 : memref<40x128xf32, #tpu.memory_space<vmem>>)
      %dma_start3A_121 = arith.constant 249 : i32
      %dma_start3A_122 = arith.constant 0 : i32
      %dma_start3A_123 = tpu.memref_slice %arg7[%dma_start3A_121, %dma_start3A_122] : memref<250x40xi32, #tpu.memory_space<vmem>> -> memref<1x40xi32, #tpu.memory_space<vmem>>
      %dma_start3A_124 = tpu.memref_squeeze %dma_start3A_123 : memref<1x40xi32, #tpu.memory_space<vmem>> -> memref<40xi32, #tpu.memory_space<vmem>>
      %dma_start3A_125 = arith.constant 0 : i32
      %dma_start3A_126 = arith.constant 0 : i32
      %dma_start3A_127 = tpu.memref_slice %arg8[%dma_start3A_125, %dma_start3A_126] : memref<10248x128xf32, #tpu.memory_space<vmem_shared>> -> memref<10248x128xf32, #tpu.memory_space<vmem_shared>>
      tpu.enqueue_indirect_dma source(%arg13 : memref<40x128xf32, #tpu.memory_space<vmem>>) target(%dma_start3A_127 : memref<10248x128xf32, #tpu.memory_space<vmem_shared>>) offsets(%dma_start3A_124 : memref<40xi32, #tpu.memory_space<vmem>>) semaphore(%arg23 : memref<!tpu.dma_semaphore, #tpu.memory_space<semaphore_mem>>) {add = true}
      %dma_wait3A_128 = arith.constant 245 : i32
      %dma_wait3A_129 = arith.constant 0 : i32
      %dma_wait3A_130 = tpu.memref_slice %arg7[%dma_wait3A_128, %dma_wait3A_129] : memref<250x40xi32, #tpu.memory_space<vmem>> -> memref<1x40xi32, #tpu.memory_space<vmem>>
      %dma_wait3A_131 = tpu.memref_squeeze %dma_wait3A_130 : memref<1x40xi32, #tpu.memory_space<vmem>> -> memref<40xi32, #tpu.memory_space<vmem>>
      %dma_wait3A_132 = arith.constant 0 : i32
      %dma_wait3A_133 = arith.constant 0 : i32
      %dma_wait3A_134 = tpu.memref_slice %arg8[%dma_wait3A_132, %dma_wait3A_133] : memref<10248x128xf32, #tpu.memory_space<vmem_shared>> -> memref<10248x128xf32, #tpu.memory_space<vmem_shared>>
      tpu.wait_indirect_dma semaphore(%arg19 : memref<!tpu.dma_semaphore, #tpu.memory_space<semaphore_mem>>) src(%arg9 : memref<40x128xf32, #tpu.memory_space<vmem>>) dst(%dma_wait3A_134 : memref<10248x128xf32, #tpu.memory_space<vmem_shared>>)
      %dma_wait3A_135 = arith.constant 246 : i32
      %dma_wait3A_136 = arith.constant 0 : i32
      %dma_wait3A_137 = tpu.memref_slice %arg7[%dma_wait3A_135, %dma_wait3A_136] : memref<250x40xi32, #tpu.memory_space<vmem>> -> memref<1x40xi32, #tpu.memory_space<vmem>>
      %dma_wait3A_138 = tpu.memref_squeeze %dma_wait3A_137 : memref<1x40xi32, #tpu.memory_space<vmem>> -> memref<40xi32, #tpu.memory_space<vmem>>
      %dma_wait3A_139 = arith.constant 0 : i32
      %dma_wait3A_140 = arith.constant 0 : i32
      %dma_wait3A_141 = tpu.memref_slice %arg8[%dma_wait3A_139, %dma_wait3A_140] : memref<10248x128xf32, #tpu.memory_space<vmem_shared>> -> memref<10248x128xf32, #tpu.memory_space<vmem_shared>>
      tpu.wait_indirect_dma semaphore(%arg20 : memref<!tpu.dma_semaphore, #tpu.memory_space<semaphore_mem>>) src(%arg10 : memref<40x128xf32, #tpu.memory_space<vmem>>) dst(%dma_wait3A_141 : memref<10248x128xf32, #tpu.memory_space<vmem_shared>>)
      %dma_wait3A_142 = arith.constant 247 : i32
      %dma_wait3A_143 = arith.constant 0 : i32
      %dma_wait3A_144 = tpu.memref_slice %arg7[%dma_wait3A_142, %dma_wait3A_143] : memref<250x40xi32, #tpu.memory_space<vmem>> -> memref<1x40xi32, #tpu.memory_space<vmem>>
      %dma_wait3A_145 = tpu.memref_squeeze %dma_wait3A_144 : memref<1x40xi32, #tpu.memory_space<vmem>> -> memref<40xi32, #tpu.memory_space<vmem>>
      %dma_wait3A_146 = arith.constant 0 : i32
      %dma_wait3A_147 = arith.constant 0 : i32
      %dma_wait3A_148 = tpu.memref_slice %arg8[%dma_wait3A_146, %dma_wait3A_147] : memref<10248x128xf32, #tpu.memory_space<vmem_shared>> -> memref<10248x128xf32, #tpu.memory_space<vmem_shared>>
      tpu.wait_indirect_dma semaphore(%arg21 : memref<!tpu.dma_semaphore, #tpu.memory_space<semaphore_mem>>) src(%arg11 : memref<40x128xf32, #tpu.memory_space<vmem>>) dst(%dma_wait3A_148 : memref<10248x128xf32, #tpu.memory_space<vmem_shared>>)
      %dma_wait3A_149 = arith.constant 248 : i32
      %dma_wait3A_150 = arith.constant 0 : i32
      %dma_wait3A_151 = tpu.memref_slice %arg7[%dma_wait3A_149, %dma_wait3A_150] : memref<250x40xi32, #tpu.memory_space<vmem>> -> memref<1x40xi32, #tpu.memory_space<vmem>>
      %dma_wait3A_152 = tpu.memref_squeeze %dma_wait3A_151 : memref<1x40xi32, #tpu.memory_space<vmem>> -> memref<40xi32, #tpu.memory_space<vmem>>
      %dma_wait3A_153 = arith.constant 0 : i32
      %dma_wait3A_154 = arith.constant 0 : i32
      %dma_wait3A_155 = tpu.memref_slice %arg8[%dma_wait3A_153, %dma_wait3A_154] : memref<10248x128xf32, #tpu.memory_space<vmem_shared>> -> memref<10248x128xf32, #tpu.memory_space<vmem_shared>>
      tpu.wait_indirect_dma semaphore(%arg22 : memref<!tpu.dma_semaphore, #tpu.memory_space<semaphore_mem>>) src(%arg12 : memref<40x128xf32, #tpu.memory_space<vmem>>) dst(%dma_wait3A_155 : memref<10248x128xf32, #tpu.memory_space<vmem_shared>>)
      %dma_wait3A_156 = arith.constant 249 : i32
      %dma_wait3A_157 = arith.constant 0 : i32
      %dma_wait3A_158 = tpu.memref_slice %arg7[%dma_wait3A_156, %dma_wait3A_157] : memref<250x40xi32, #tpu.memory_space<vmem>> -> memref<1x40xi32, #tpu.memory_space<vmem>>
      %dma_wait3A_159 = tpu.memref_squeeze %dma_wait3A_158 : memref<1x40xi32, #tpu.memory_space<vmem>> -> memref<40xi32, #tpu.memory_space<vmem>>
      %dma_wait3A_160 = arith.constant 0 : i32
      %dma_wait3A_161 = arith.constant 0 : i32
      %dma_wait3A_162 = tpu.memref_slice %arg8[%dma_wait3A_160, %dma_wait3A_161] : memref<10248x128xf32, #tpu.memory_space<vmem_shared>> -> memref<10248x128xf32, #tpu.memory_space<vmem_shared>>
      tpu.wait_indirect_dma semaphore(%arg23 : memref<!tpu.dma_semaphore, #tpu.memory_space<semaphore_mem>>) src(%arg13 : memref<40x128xf32, #tpu.memory_space<vmem>>) dst(%dma_wait3A_162 : memref<10248x128xf32, #tpu.memory_space<vmem_shared>>)
    }
    %scan3A_6 = arith.constant 2 : i32
    %barrier3A_7 = arith.constant 0 : index
    tpu.barrier barrier_id(%barrier3A_7)
    %mul3A_8 = arith.constant 640 : i32
    %mul3A_9 = arith.muli %arg1, %mul3A_8 : i32
    %mul3A_10 = arith.constant 640 : i32
    %mul3A_11 = arith.muli %arg1, %mul3A_10 : i32
    "tpu.region"() ({
      %run_scoped3A = tpu.sem_alloc : memref<!tpu.dma_semaphore, #tpu.memory_space<semaphore_mem>>
      %dma_start3A = arith.constant 0 : i32
      %dma_start3A_12 = arith.constant 0 : i32
      %dma_start3A_13 = tpu.memref_slice %arg5[%arg0, %dma_start3A, %dma_start3A_12] : memref<2x10240x128xf32, #tpu.memory_space<hbm>> -> memref<1x10240x128xf32, #tpu.memory_space<hbm>>
      %dma_start3A_14 = tpu.memref_squeeze %dma_start3A_13 : memref<1x10240x128xf32, #tpu.memory_space<hbm>> -> memref<10240x128xf32, #tpu.memory_space<hbm>>
      %dma_start3A_15 = arith.constant 0 : i32
      %dma_start3A_16 = tpu.memref_slice %dma_start3A_14[%mul3A_11, %dma_start3A_15] : memref<10240x128xf32, #tpu.memory_space<hbm>> -> memref<640x128xf32, #tpu.memory_space<hbm>>
      %dma_start3A_17 = arith.constant 0 : i32
      %dma_start3A_18 = tpu.memref_slice %arg8[%mul3A_9, %dma_start3A_17] : memref<10248x128xf32, #tpu.memory_space<vmem_shared>> -> memref<640x128xf32, #tpu.memory_space<vmem_shared>>
      tpu.enqueue_dma source(%dma_start3A_18 : memref<640x128xf32, #tpu.memory_space<vmem_shared>>) target(%dma_start3A_16 : memref<640x128xf32, #tpu.memory_space<hbm>>) target_semaphore(%run_scoped3A : memref<!tpu.dma_semaphore, #tpu.memory_space<semaphore_mem>>)
      %dma_wait3A = arith.constant 0 : i32
      %dma_wait3A_19 = arith.constant 0 : i32
      %dma_wait3A_20 = tpu.memref_slice %arg5[%arg0, %dma_wait3A, %dma_wait3A_19] : memref<2x10240x128xf32, #tpu.memory_space<hbm>> -> memref<1x10240x128xf32, #tpu.memory_space<hbm>>
      %dma_wait3A_21 = tpu.memref_squeeze %dma_wait3A_20 : memref<1x10240x128xf32, #tpu.memory_space<hbm>> -> memref<10240x128xf32, #tpu.memory_space<hbm>>
      %dma_wait3A_22 = arith.constant 0 : i32
      %dma_wait3A_23 = tpu.memref_slice %dma_wait3A_21[%mul3A_11, %dma_wait3A_22] : memref<10240x128xf32, #tpu.memory_space<hbm>> -> memref<640x128xf32, #tpu.memory_space<hbm>>
      %dma_wait3A_24 = arith.constant 0 : i32
      %dma_wait3A_25 = tpu.memref_slice %arg8[%mul3A_9, %dma_wait3A_24] : memref<10248x128xf32, #tpu.memory_space<vmem_shared>> -> memref<640x128xf32, #tpu.memory_space<vmem_shared>>
      tpu.wait_dma2 semaphore(%run_scoped3A : memref<!tpu.dma_semaphore, #tpu.memory_space<semaphore_mem>>) src(%dma_wait3A_25 : memref<640x128xf32, #tpu.memory_space<vmem_shared>>) dst(%dma_wait3A_23 : memref<640x128xf32, #tpu.memory_space<hbm>>)
      tpu.yield
    }) : () -> ()
    return
  }
}

#map = affine_map<(d0, d1) -> (0, 0)>
#map1 = affine_map<(d0, d1) -> (0, 0, 0, 0)>
#map2 = affine_map<(d0, d1) -> (0, 0, 0)>
module attributes {stable_mosaic.version = 14 : i64} {
  func.func @_sc_aggregate_body(%arg0: i32, %arg1: i32, %arg2: memref<10240x128xf32, #tpu.memory_space<hbm>>, %arg3: memref<2x16x500x40xi32, #tpu.memory_space<hbm>>, %arg4: memref<2x16x500x40xi32, #tpu.memory_space<hbm>>, %arg5: memref<2x10240x128xf32, #tpu.memory_space<hbm>>, %arg6: memref<250x40xi32, #tpu.memory_space<vmem>>, %arg7: memref<250x40xi32, #tpu.memory_space<vmem>>, %arg8: memref<10248x128xf32, #tpu.memory_space<vmem_shared>>, %arg9: memref<40x128xf32, #tpu.memory_space<vmem>>, %arg10: memref<40x128xf32, #tpu.memory_space<vmem>>, %arg11: memref<40x128xf32, #tpu.memory_space<vmem>>, %arg12: memref<40x128xf32, #tpu.memory_space<vmem>>, %arg13: memref<40x128xf32, #tpu.memory_space<vmem>>, %arg14: memref<!tpu.dma_semaphore, #tpu.memory_space<semaphore_mem>>, %arg15: memref<!tpu.dma_semaphore, #tpu.memory_space<semaphore_mem>>, %arg16: memref<!tpu.dma_semaphore, #tpu.memory_space<semaphore_mem>>, %arg17: memref<!tpu.dma_semaphore, #tpu.memory_space<semaphore_mem>>, %arg18: memref<!tpu.dma_semaphore, #tpu.memory_space<semaphore_mem>>, %arg19: memref<!tpu.dma_semaphore, #tpu.memory_space<semaphore_mem>>, %arg20: memref<!tpu.dma_semaphore, #tpu.memory_space<semaphore_mem>>, %arg21: memref<!tpu.dma_semaphore, #tpu.memory_space<semaphore_mem>>, %arg22: memref<!tpu.dma_semaphore, #tpu.memory_space<semaphore_mem>>, %arg23: memref<!tpu.dma_semaphore, #tpu.memory_space<semaphore_mem>>) attributes {dimension_semantics = [#tpu.dimension_semantics<core_parallel>, #tpu.dimension_semantics<subcore_parallel>], iteration_bounds = array<i64: 2, 16>, scalar_prefetch = 0 : i64, scratch_operands = 18 : i64, tpu.core_type = #tpu.core_type<sc_vector_subcore>, window_params = [{transform_indices = #map}, {transform_indices = #map1}, {transform_indices = #map1}, {transform_indices = #map2}]} {
    %mul3A = arith.constant 640 : i32
    %mul3A_0 = arith.muli %arg1, %mul3A : i32
    %mul3A_1 = arith.constant 640 : i32
    %mul3A_2 = arith.muli %arg1, %mul3A_1 : i32
    "tpu.region"() ({
      %run_scoped3A = tpu.sem_alloc : memref<!tpu.dma_semaphore, #tpu.memory_space<semaphore_mem>>
      %dma_start3A = arith.constant 0 : i32
      %dma_start3A_12 = tpu.memref_slice %arg8[%mul3A_2, %dma_start3A] : memref<10248x128xf32, #tpu.memory_space<vmem_shared>> -> memref<640x128xf32, #tpu.memory_space<vmem_shared>>
      %dma_start3A_13 = arith.constant 0 : i32
      %dma_start3A_14 = tpu.memref_slice %arg2[%mul3A_0, %dma_start3A_13] : memref<10240x128xf32, #tpu.memory_space<hbm>> -> memref<640x128xf32, #tpu.memory_space<hbm>>
      tpu.enqueue_dma source(%dma_start3A_14 : memref<640x128xf32, #tpu.memory_space<hbm>>) target(%dma_start3A_12 : memref<640x128xf32, #tpu.memory_space<vmem_shared>>) target_semaphore(%run_scoped3A : memref<!tpu.dma_semaphore, #tpu.memory_space<semaphore_mem>>)
      %dma_wait3A = arith.constant 0 : i32
      %dma_wait3A_15 = tpu.memref_slice %arg8[%mul3A_2, %dma_wait3A] : memref<10248x128xf32, #tpu.memory_space<vmem_shared>> -> memref<640x128xf32, #tpu.memory_space<vmem_shared>>
      %dma_wait3A_16 = arith.constant 0 : i32
      %dma_wait3A_17 = tpu.memref_slice %arg2[%mul3A_0, %dma_wait3A_16] : memref<10240x128xf32, #tpu.memory_space<hbm>> -> memref<640x128xf32, #tpu.memory_space<hbm>>
      tpu.wait_dma2 semaphore(%run_scoped3A : memref<!tpu.dma_semaphore, #tpu.memory_space<semaphore_mem>>) src(%dma_wait3A_17 : memref<640x128xf32, #tpu.memory_space<hbm>>) dst(%dma_wait3A_15 : memref<640x128xf32, #tpu.memory_space<vmem_shared>>)
      tpu.yield
    }) : () -> ()
    %barrier3A = arith.constant 0 : index
    tpu.barrier barrier_id(%barrier3A)
    %scan3A = arith.constant 0 : i32
    %scan3A_3 = arith.constant 2 : i32
    %scan3A_4 = arith.addi %scan3A, %scan3A_3 : i32
    %scan3A_5 = arith.constant 1 : i32
    scf.for %scan3A_12 = %scan3A to %scan3A_4 step %scan3A_5  : i32 {
      %mul3A_13 = arith.constant 1 : i32
      %mul3A_14 = arith.muli %scan3A_12, %mul3A_13 : i32
      %add3A = arith.constant 0 : i32
      %add3A_15 = arith.addi %add3A, %mul3A_14 : i32
      %mul3A_16 = arith.constant 250 : i32
      %mul3A_17 = arith.muli %add3A_15, %mul3A_16 : i32
      "tpu.region"() ({
        %run_scoped3A = tpu.sem_alloc : memref<!tpu.dma_semaphore, #tpu.memory_space<semaphore_mem>>
        %dma_start3A_163 = arith.constant 0 : i32
        %dma_start3A_164 = arith.constant 0 : i32
        %dma_start3A_165 = tpu.memref_slice %arg3[%arg0, %arg1, %dma_start3A_163, %dma_start3A_164] : memref<2x16x500x40xi32, #tpu.memory_space<hbm>> -> memref<1x1x500x40xi32, #tpu.memory_space<hbm>>
        %dma_start3A_166 = tpu.memref_squeeze %dma_start3A_165 : memref<1x1x500x40xi32, #tpu.memory_space<hbm>> -> memref<500x40xi32, #tpu.memory_space<hbm>>
        %dma_start3A_167 = arith.constant 0 : i32
        %dma_start3A_168 = tpu.memref_slice %dma_start3A_166[%mul3A_17, %dma_start3A_167] : memref<500x40xi32, #tpu.memory_space<hbm>> -> memref<250x40xi32, #tpu.memory_space<hbm>>
        %dma_start3A_169 = arith.constant 0 : i32
        %dma_start3A_170 = arith.constant 0 : i32
        %dma_start3A_171 = tpu.memref_slice %arg3[%arg0, %arg1, %dma_start3A_169, %dma_start3A_170] : memref<2x16x500x40xi32, #tpu.memory_space<hbm>> -> memref<1x1x500x40xi32, #tpu.memory_space<hbm>>
        %dma_start3A_172 = tpu.memref_squeeze %dma_start3A_171 : memref<1x1x500x40xi32, #tpu.memory_space<hbm>> -> memref<500x40xi32, #tpu.memory_space<hbm>>
        %dma_start3A_173 = arith.constant 0 : i32
        %dma_start3A_174 = tpu.memref_slice %dma_start3A_172[%mul3A_17, %dma_start3A_173] : memref<500x40xi32, #tpu.memory_space<hbm>> -> memref<250x40xi32, #tpu.memory_space<hbm>>
        tpu.enqueue_dma source(%dma_start3A_174 : memref<250x40xi32, #tpu.memory_space<hbm>>) target(%arg6 : memref<250x40xi32, #tpu.memory_space<vmem>>) target_semaphore(%run_scoped3A : memref<!tpu.dma_semaphore, #tpu.memory_space<semaphore_mem>>)
        %dma_wait3A_175 = arith.constant 0 : i32
        %dma_wait3A_176 = arith.constant 0 : i32
        %dma_wait3A_177 = tpu.memref_slice %arg3[%arg0, %arg1, %dma_wait3A_175, %dma_wait3A_176] : memref<2x16x500x40xi32, #tpu.memory_space<hbm>> -> memref<1x1x500x40xi32, #tpu.memory_space<hbm>>
        %dma_wait3A_178 = tpu.memref_squeeze %dma_wait3A_177 : memref<1x1x500x40xi32, #tpu.memory_space<hbm>> -> memref<500x40xi32, #tpu.memory_space<hbm>>
        %dma_wait3A_179 = arith.constant 0 : i32
        %dma_wait3A_180 = tpu.memref_slice %dma_wait3A_178[%mul3A_17, %dma_wait3A_179] : memref<500x40xi32, #tpu.memory_space<hbm>> -> memref<250x40xi32, #tpu.memory_space<hbm>>
        %dma_wait3A_181 = arith.constant 0 : i32
        %dma_wait3A_182 = arith.constant 0 : i32
        %dma_wait3A_183 = tpu.memref_slice %arg3[%arg0, %arg1, %dma_wait3A_181, %dma_wait3A_182] : memref<2x16x500x40xi32, #tpu.memory_space<hbm>> -> memref<1x1x500x40xi32, #tpu.memory_space<hbm>>
        %dma_wait3A_184 = tpu.memref_squeeze %dma_wait3A_183 : memref<1x1x500x40xi32, #tpu.memory_space<hbm>> -> memref<500x40xi32, #tpu.memory_space<hbm>>
        %dma_wait3A_185 = arith.constant 0 : i32
        %dma_wait3A_186 = tpu.memref_slice %dma_wait3A_184[%mul3A_17, %dma_wait3A_185] : memref<500x40xi32, #tpu.memory_space<hbm>> -> memref<250x40xi32, #tpu.memory_space<hbm>>
        tpu.wait_dma2 semaphore(%run_scoped3A : memref<!tpu.dma_semaphore, #tpu.memory_space<semaphore_mem>>) src(%dma_wait3A_186 : memref<250x40xi32, #tpu.memory_space<hbm>>) dst(%arg6 : memref<250x40xi32, #tpu.memory_space<vmem>>)
        tpu.yield
      }) : () -> ()
      %mul3A_18 = arith.constant 250 : i32
      %mul3A_19 = arith.muli %add3A_15, %mul3A_18 : i32
      "tpu.region"() ({
        %run_scoped3A = tpu.sem_alloc : memref<!tpu.dma_semaphore, #tpu.memory_space<semaphore_mem>>
        %dma_start3A_163 = arith.constant 0 : i32
        %dma_start3A_164 = arith.constant 0 : i32
        %dma_start3A_165 = tpu.memref_slice %arg4[%arg0, %arg1, %dma_start3A_163, %dma_start3A_164] : memref<2x16x500x40xi32, #tpu.memory_space<hbm>> -> memref<1x1x500x40xi32, #tpu.memory_space<hbm>>
        %dma_start3A_166 = tpu.memref_squeeze %dma_start3A_165 : memref<1x1x500x40xi32, #tpu.memory_space<hbm>> -> memref<500x40xi32, #tpu.memory_space<hbm>>
        %dma_start3A_167 = arith.constant 0 : i32
        %dma_start3A_168 = tpu.memref_slice %dma_start3A_166[%mul3A_19, %dma_start3A_167] : memref<500x40xi32, #tpu.memory_space<hbm>> -> memref<250x40xi32, #tpu.memory_space<hbm>>
        %dma_start3A_169 = arith.constant 0 : i32
        %dma_start3A_170 = arith.constant 0 : i32
        %dma_start3A_171 = tpu.memref_slice %arg4[%arg0, %arg1, %dma_start3A_169, %dma_start3A_170] : memref<2x16x500x40xi32, #tpu.memory_space<hbm>> -> memref<1x1x500x40xi32, #tpu.memory_space<hbm>>
        %dma_start3A_172 = tpu.memref_squeeze %dma_start3A_171 : memref<1x1x500x40xi32, #tpu.memory_space<hbm>> -> memref<500x40xi32, #tpu.memory_space<hbm>>
        %dma_start3A_173 = arith.constant 0 : i32
        %dma_start3A_174 = tpu.memref_slice %dma_start3A_172[%mul3A_19, %dma_start3A_173] : memref<500x40xi32, #tpu.memory_space<hbm>> -> memref<250x40xi32, #tpu.memory_space<hbm>>
        tpu.enqueue_dma source(%dma_start3A_174 : memref<250x40xi32, #tpu.memory_space<hbm>>) target(%arg7 : memref<250x40xi32, #tpu.memory_space<vmem>>) target_semaphore(%run_scoped3A : memref<!tpu.dma_semaphore, #tpu.memory_space<semaphore_mem>>)
        %dma_wait3A_175 = arith.constant 0 : i32
        %dma_wait3A_176 = arith.constant 0 : i32
        %dma_wait3A_177 = tpu.memref_slice %arg4[%arg0, %arg1, %dma_wait3A_175, %dma_wait3A_176] : memref<2x16x500x40xi32, #tpu.memory_space<hbm>> -> memref<1x1x500x40xi32, #tpu.memory_space<hbm>>
        %dma_wait3A_178 = tpu.memref_squeeze %dma_wait3A_177 : memref<1x1x500x40xi32, #tpu.memory_space<hbm>> -> memref<500x40xi32, #tpu.memory_space<hbm>>
        %dma_wait3A_179 = arith.constant 0 : i32
        %dma_wait3A_180 = tpu.memref_slice %dma_wait3A_178[%mul3A_19, %dma_wait3A_179] : memref<500x40xi32, #tpu.memory_space<hbm>> -> memref<250x40xi32, #tpu.memory_space<hbm>>
        %dma_wait3A_181 = arith.constant 0 : i32
        %dma_wait3A_182 = arith.constant 0 : i32
        %dma_wait3A_183 = tpu.memref_slice %arg4[%arg0, %arg1, %dma_wait3A_181, %dma_wait3A_182] : memref<2x16x500x40xi32, #tpu.memory_space<hbm>> -> memref<1x1x500x40xi32, #tpu.memory_space<hbm>>
        %dma_wait3A_184 = tpu.memref_squeeze %dma_wait3A_183 : memref<1x1x500x40xi32, #tpu.memory_space<hbm>> -> memref<500x40xi32, #tpu.memory_space<hbm>>
        %dma_wait3A_185 = arith.constant 0 : i32
        %dma_wait3A_186 = tpu.memref_slice %dma_wait3A_184[%mul3A_19, %dma_wait3A_185] : memref<500x40xi32, #tpu.memory_space<hbm>> -> memref<250x40xi32, #tpu.memory_space<hbm>>
        tpu.wait_dma2 semaphore(%run_scoped3A : memref<!tpu.dma_semaphore, #tpu.memory_space<semaphore_mem>>) src(%dma_wait3A_186 : memref<250x40xi32, #tpu.memory_space<hbm>>) dst(%arg7 : memref<250x40xi32, #tpu.memory_space<vmem>>)
        tpu.yield
      }) : () -> ()
      %dma_start3A = arith.constant 0 : i32
      %dma_start3A_20 = arith.constant 0 : i32
      %dma_start3A_21 = tpu.memref_slice %arg6[%dma_start3A, %dma_start3A_20] : memref<250x40xi32, #tpu.memory_space<vmem>> -> memref<1x40xi32, #tpu.memory_space<vmem>>
      %dma_start3A_22 = tpu.memref_squeeze %dma_start3A_21 : memref<1x40xi32, #tpu.memory_space<vmem>> -> memref<40xi32, #tpu.memory_space<vmem>>
      %dma_start3A_23 = arith.constant 0 : i32
      %dma_start3A_24 = arith.constant 0 : i32
      %dma_start3A_25 = tpu.memref_slice %arg2[%dma_start3A_23, %dma_start3A_24] : memref<10240x128xf32, #tpu.memory_space<hbm>> -> memref<10240x128xf32, #tpu.memory_space<hbm>>
      tpu.enqueue_indirect_dma source(%dma_start3A_25 : memref<10240x128xf32, #tpu.memory_space<hbm>>) target(%arg9 : memref<40x128xf32, #tpu.memory_space<vmem>>) offsets(%dma_start3A_22 : memref<40xi32, #tpu.memory_space<vmem>>) semaphore(%arg14 : memref<!tpu.dma_semaphore, #tpu.memory_space<semaphore_mem>>)
      %dma_start3A_26 = arith.constant 1 : i32
      %dma_start3A_27 = arith.constant 0 : i32
      %dma_start3A_28 = tpu.memref_slice %arg6[%dma_start3A_26, %dma_start3A_27] : memref<250x40xi32, #tpu.memory_space<vmem>> -> memref<1x40xi32, #tpu.memory_space<vmem>>
      %dma_start3A_29 = tpu.memref_squeeze %dma_start3A_28 : memref<1x40xi32, #tpu.memory_space<vmem>> -> memref<40xi32, #tpu.memory_space<vmem>>
      %dma_start3A_30 = arith.constant 0 : i32
      %dma_start3A_31 = arith.constant 0 : i32
      %dma_start3A_32 = tpu.memref_slice %arg2[%dma_start3A_30, %dma_start3A_31] : memref<10240x128xf32, #tpu.memory_space<hbm>> -> memref<10240x128xf32, #tpu.memory_space<hbm>>
      tpu.enqueue_indirect_dma source(%dma_start3A_32 : memref<10240x128xf32, #tpu.memory_space<hbm>>) target(%arg10 : memref<40x128xf32, #tpu.memory_space<vmem>>) offsets(%dma_start3A_29 : memref<40xi32, #tpu.memory_space<vmem>>) semaphore(%arg15 : memref<!tpu.dma_semaphore, #tpu.memory_space<semaphore_mem>>)
      %dma_start3A_33 = arith.constant 2 : i32
      %dma_start3A_34 = arith.constant 0 : i32
      %dma_start3A_35 = tpu.memref_slice %arg6[%dma_start3A_33, %dma_start3A_34] : memref<250x40xi32, #tpu.memory_space<vmem>> -> memref<1x40xi32, #tpu.memory_space<vmem>>
      %dma_start3A_36 = tpu.memref_squeeze %dma_start3A_35 : memref<1x40xi32, #tpu.memory_space<vmem>> -> memref<40xi32, #tpu.memory_space<vmem>>
      %dma_start3A_37 = arith.constant 0 : i32
      %dma_start3A_38 = arith.constant 0 : i32
      %dma_start3A_39 = tpu.memref_slice %arg2[%dma_start3A_37, %dma_start3A_38] : memref<10240x128xf32, #tpu.memory_space<hbm>> -> memref<10240x128xf32, #tpu.memory_space<hbm>>
      tpu.enqueue_indirect_dma source(%dma_start3A_39 : memref<10240x128xf32, #tpu.memory_space<hbm>>) target(%arg11 : memref<40x128xf32, #tpu.memory_space<vmem>>) offsets(%dma_start3A_36 : memref<40xi32, #tpu.memory_space<vmem>>) semaphore(%arg16 : memref<!tpu.dma_semaphore, #tpu.memory_space<semaphore_mem>>)
      %dma_start3A_40 = arith.constant 3 : i32
      %dma_start3A_41 = arith.constant 0 : i32
      %dma_start3A_42 = tpu.memref_slice %arg6[%dma_start3A_40, %dma_start3A_41] : memref<250x40xi32, #tpu.memory_space<vmem>> -> memref<1x40xi32, #tpu.memory_space<vmem>>
      %dma_start3A_43 = tpu.memref_squeeze %dma_start3A_42 : memref<1x40xi32, #tpu.memory_space<vmem>> -> memref<40xi32, #tpu.memory_space<vmem>>
      %dma_start3A_44 = arith.constant 0 : i32
      %dma_start3A_45 = arith.constant 0 : i32
      %dma_start3A_46 = tpu.memref_slice %arg2[%dma_start3A_44, %dma_start3A_45] : memref<10240x128xf32, #tpu.memory_space<hbm>> -> memref<10240x128xf32, #tpu.memory_space<hbm>>
      tpu.enqueue_indirect_dma source(%dma_start3A_46 : memref<10240x128xf32, #tpu.memory_space<hbm>>) target(%arg12 : memref<40x128xf32, #tpu.memory_space<vmem>>) offsets(%dma_start3A_43 : memref<40xi32, #tpu.memory_space<vmem>>) semaphore(%arg17 : memref<!tpu.dma_semaphore, #tpu.memory_space<semaphore_mem>>)
      %dma_start3A_47 = arith.constant 4 : i32
      %dma_start3A_48 = arith.constant 0 : i32
      %dma_start3A_49 = tpu.memref_slice %arg6[%dma_start3A_47, %dma_start3A_48] : memref<250x40xi32, #tpu.memory_space<vmem>> -> memref<1x40xi32, #tpu.memory_space<vmem>>
      %dma_start3A_50 = tpu.memref_squeeze %dma_start3A_49 : memref<1x40xi32, #tpu.memory_space<vmem>> -> memref<40xi32, #tpu.memory_space<vmem>>
      %dma_start3A_51 = arith.constant 0 : i32
      %dma_start3A_52 = arith.constant 0 : i32
      %dma_start3A_53 = tpu.memref_slice %arg2[%dma_start3A_51, %dma_start3A_52] : memref<10240x128xf32, #tpu.memory_space<hbm>> -> memref<10240x128xf32, #tpu.memory_space<hbm>>
      tpu.enqueue_indirect_dma source(%dma_start3A_53 : memref<10240x128xf32, #tpu.memory_space<hbm>>) target(%arg13 : memref<40x128xf32, #tpu.memory_space<vmem>>) offsets(%dma_start3A_50 : memref<40xi32, #tpu.memory_space<vmem>>) semaphore(%arg18 : memref<!tpu.dma_semaphore, #tpu.memory_space<semaphore_mem>>)
      %scan3A_54 = arith.constant 0 : i32
      %scan3A_55 = arith.constant 49 : i32
      %scan3A_56 = arith.addi %scan3A_54, %scan3A_55 : i32
      %scan3A_57 = arith.constant 1 : i32
      scf.for %scan3A_163 = %scan3A_54 to %scan3A_56 step %scan3A_57  : i32 {
        %mul3A_164 = arith.constant 1 : i32
        %mul3A_165 = arith.muli %scan3A_163, %mul3A_164 : i32
        %add3A_166 = arith.constant 0 : i32
        %add3A_167 = arith.addi %add3A_166, %mul3A_165 : i32
        %mul3A_168 = arith.constant 5 : i32
        %mul3A_169 = arith.muli %add3A_167, %mul3A_168 : i32
        %add3A_170 = arith.constant 0 : i32
        %add3A_171 = arith.addi %mul3A_169, %add3A_170 : i32
        %dma_wait3A_172 = arith.constant 0 : i32
        %dma_wait3A_173 = tpu.memref_slice %arg6[%add3A_171, %dma_wait3A_172] : memref<250x40xi32, #tpu.memory_space<vmem>> -> memref<1x40xi32, #tpu.memory_space<vmem>>
        %dma_wait3A_174 = tpu.memref_squeeze %dma_wait3A_173 : memref<1x40xi32, #tpu.memory_space<vmem>> -> memref<40xi32, #tpu.memory_space<vmem>>
        %dma_wait3A_175 = arith.constant 0 : i32
        %dma_wait3A_176 = arith.constant 0 : i32
        %dma_wait3A_177 = tpu.memref_slice %arg2[%dma_wait3A_175, %dma_wait3A_176] : memref<10240x128xf32, #tpu.memory_space<hbm>> -> memref<10240x128xf32, #tpu.memory_space<hbm>>
        tpu.wait_indirect_dma semaphore(%arg14 : memref<!tpu.dma_semaphore, #tpu.memory_space<semaphore_mem>>) src(%dma_wait3A_177 : memref<10240x128xf32, #tpu.memory_space<hbm>>) dst(%arg9 : memref<40x128xf32, #tpu.memory_space<vmem>>)
        %add3A_178 = arith.constant 0 : i32
        %add3A_179 = arith.addi %mul3A_169, %add3A_178 : i32
        %dma_start3A_180 = arith.constant 0 : i32
        %dma_start3A_181 = tpu.memref_slice %arg7[%add3A_179, %dma_start3A_180] : memref<250x40xi32, #tpu.memory_space<vmem>> -> memref<1x40xi32, #tpu.memory_space<vmem>>
        %dma_start3A_182 = tpu.memref_squeeze %dma_start3A_181 : memref<1x40xi32, #tpu.memory_space<vmem>> -> memref<40xi32, #tpu.memory_space<vmem>>
        %dma_start3A_183 = arith.constant 0 : i32
        %dma_start3A_184 = arith.constant 0 : i32
        %dma_start3A_185 = tpu.memref_slice %arg8[%dma_start3A_183, %dma_start3A_184] : memref<10248x128xf32, #tpu.memory_space<vmem_shared>> -> memref<10248x128xf32, #tpu.memory_space<vmem_shared>>
        tpu.enqueue_indirect_dma source(%arg9 : memref<40x128xf32, #tpu.memory_space<vmem>>) target(%dma_start3A_185 : memref<10248x128xf32, #tpu.memory_space<vmem_shared>>) offsets(%dma_start3A_182 : memref<40xi32, #tpu.memory_space<vmem>>) semaphore(%arg19 : memref<!tpu.dma_semaphore, #tpu.memory_space<semaphore_mem>>) {add = true}
        %add3A_186 = arith.constant 0 : i32
        %add3A_187 = arith.addi %mul3A_169, %add3A_186 : i32
        %dma_wait3A_188 = arith.constant 0 : i32
        %dma_wait3A_189 = tpu.memref_slice %arg7[%add3A_187, %dma_wait3A_188] : memref<250x40xi32, #tpu.memory_space<vmem>> -> memref<1x40xi32, #tpu.memory_space<vmem>>
        %dma_wait3A_190 = tpu.memref_squeeze %dma_wait3A_189 : memref<1x40xi32, #tpu.memory_space<vmem>> -> memref<40xi32, #tpu.memory_space<vmem>>
        %dma_wait3A_191 = arith.constant 0 : i32
        %dma_wait3A_192 = arith.constant 0 : i32
        %dma_wait3A_193 = tpu.memref_slice %arg8[%dma_wait3A_191, %dma_wait3A_192] : memref<10248x128xf32, #tpu.memory_space<vmem_shared>> -> memref<10248x128xf32, #tpu.memory_space<vmem_shared>>
        tpu.wait_indirect_dma semaphore(%arg19 : memref<!tpu.dma_semaphore, #tpu.memory_space<semaphore_mem>>) src(%arg9 : memref<40x128xf32, #tpu.memory_space<vmem>>) dst(%dma_wait3A_193 : memref<10248x128xf32, #tpu.memory_space<vmem_shared>>)
        %add3A_194 = arith.constant 0 : i32
        %add3A_195 = arith.addi %mul3A_169, %add3A_194 : i32
        %add3A_196 = arith.constant 5 : i32
        %add3A_197 = arith.addi %add3A_195, %add3A_196 : i32
        %dma_start3A_198 = arith.constant 0 : i32
        %dma_start3A_199 = tpu.memref_slice %arg6[%add3A_197, %dma_start3A_198] : memref<250x40xi32, #tpu.memory_space<vmem>> -> memref<1x40xi32, #tpu.memory_space<vmem>>
        %dma_start3A_200 = tpu.memref_squeeze %dma_start3A_199 : memref<1x40xi32, #tpu.memory_space<vmem>> -> memref<40xi32, #tpu.memory_space<vmem>>
        %dma_start3A_201 = arith.constant 0 : i32
        %dma_start3A_202 = arith.constant 0 : i32
        %dma_start3A_203 = tpu.memref_slice %arg2[%dma_start3A_201, %dma_start3A_202] : memref<10240x128xf32, #tpu.memory_space<hbm>> -> memref<10240x128xf32, #tpu.memory_space<hbm>>
        tpu.enqueue_indirect_dma source(%dma_start3A_203 : memref<10240x128xf32, #tpu.memory_space<hbm>>) target(%arg9 : memref<40x128xf32, #tpu.memory_space<vmem>>) offsets(%dma_start3A_200 : memref<40xi32, #tpu.memory_space<vmem>>) semaphore(%arg14 : memref<!tpu.dma_semaphore, #tpu.memory_space<semaphore_mem>>)
        %add3A_204 = arith.constant 1 : i32
        %add3A_205 = arith.addi %mul3A_169, %add3A_204 : i32
        %dma_wait3A_206 = arith.constant 0 : i32
        %dma_wait3A_207 = tpu.memref_slice %arg6[%add3A_205, %dma_wait3A_206] : memref<250x40xi32, #tpu.memory_space<vmem>> -> memref<1x40xi32, #tpu.memory_space<vmem>>
        %dma_wait3A_208 = tpu.memref_squeeze %dma_wait3A_207 : memref<1x40xi32, #tpu.memory_space<vmem>> -> memref<40xi32, #tpu.memory_space<vmem>>
        %dma_wait3A_209 = arith.constant 0 : i32
        %dma_wait3A_210 = arith.constant 0 : i32
        %dma_wait3A_211 = tpu.memref_slice %arg2[%dma_wait3A_209, %dma_wait3A_210] : memref<10240x128xf32, #tpu.memory_space<hbm>> -> memref<10240x128xf32, #tpu.memory_space<hbm>>
        tpu.wait_indirect_dma semaphore(%arg15 : memref<!tpu.dma_semaphore, #tpu.memory_space<semaphore_mem>>) src(%dma_wait3A_211 : memref<10240x128xf32, #tpu.memory_space<hbm>>) dst(%arg10 : memref<40x128xf32, #tpu.memory_space<vmem>>)
        %add3A_212 = arith.constant 1 : i32
        %add3A_213 = arith.addi %mul3A_169, %add3A_212 : i32
        %dma_start3A_214 = arith.constant 0 : i32
        %dma_start3A_215 = tpu.memref_slice %arg7[%add3A_213, %dma_start3A_214] : memref<250x40xi32, #tpu.memory_space<vmem>> -> memref<1x40xi32, #tpu.memory_space<vmem>>
        %dma_start3A_216 = tpu.memref_squeeze %dma_start3A_215 : memref<1x40xi32, #tpu.memory_space<vmem>> -> memref<40xi32, #tpu.memory_space<vmem>>
        %dma_start3A_217 = arith.constant 0 : i32
        %dma_start3A_218 = arith.constant 0 : i32
        %dma_start3A_219 = tpu.memref_slice %arg8[%dma_start3A_217, %dma_start3A_218] : memref<10248x128xf32, #tpu.memory_space<vmem_shared>> -> memref<10248x128xf32, #tpu.memory_space<vmem_shared>>
        tpu.enqueue_indirect_dma source(%arg10 : memref<40x128xf32, #tpu.memory_space<vmem>>) target(%dma_start3A_219 : memref<10248x128xf32, #tpu.memory_space<vmem_shared>>) offsets(%dma_start3A_216 : memref<40xi32, #tpu.memory_space<vmem>>) semaphore(%arg20 : memref<!tpu.dma_semaphore, #tpu.memory_space<semaphore_mem>>) {add = true}
        %add3A_220 = arith.constant 1 : i32
        %add3A_221 = arith.addi %mul3A_169, %add3A_220 : i32
        %dma_wait3A_222 = arith.constant 0 : i32
        %dma_wait3A_223 = tpu.memref_slice %arg7[%add3A_221, %dma_wait3A_222] : memref<250x40xi32, #tpu.memory_space<vmem>> -> memref<1x40xi32, #tpu.memory_space<vmem>>
        %dma_wait3A_224 = tpu.memref_squeeze %dma_wait3A_223 : memref<1x40xi32, #tpu.memory_space<vmem>> -> memref<40xi32, #tpu.memory_space<vmem>>
        %dma_wait3A_225 = arith.constant 0 : i32
        %dma_wait3A_226 = arith.constant 0 : i32
        %dma_wait3A_227 = tpu.memref_slice %arg8[%dma_wait3A_225, %dma_wait3A_226] : memref<10248x128xf32, #tpu.memory_space<vmem_shared>> -> memref<10248x128xf32, #tpu.memory_space<vmem_shared>>
        tpu.wait_indirect_dma semaphore(%arg20 : memref<!tpu.dma_semaphore, #tpu.memory_space<semaphore_mem>>) src(%arg10 : memref<40x128xf32, #tpu.memory_space<vmem>>) dst(%dma_wait3A_227 : memref<10248x128xf32, #tpu.memory_space<vmem_shared>>)
        %add3A_228 = arith.constant 1 : i32
        %add3A_229 = arith.addi %mul3A_169, %add3A_228 : i32
        %add3A_230 = arith.constant 5 : i32
        %add3A_231 = arith.addi %add3A_229, %add3A_230 : i32
        %dma_start3A_232 = arith.constant 0 : i32
        %dma_start3A_233 = tpu.memref_slice %arg6[%add3A_231, %dma_start3A_232] : memref<250x40xi32, #tpu.memory_space<vmem>> -> memref<1x40xi32, #tpu.memory_space<vmem>>
        %dma_start3A_234 = tpu.memref_squeeze %dma_start3A_233 : memref<1x40xi32, #tpu.memory_space<vmem>> -> memref<40xi32, #tpu.memory_space<vmem>>
        %dma_start3A_235 = arith.constant 0 : i32
        %dma_start3A_236 = arith.constant 0 : i32
        %dma_start3A_237 = tpu.memref_slice %arg2[%dma_start3A_235, %dma_start3A_236] : memref<10240x128xf32, #tpu.memory_space<hbm>> -> memref<10240x128xf32, #tpu.memory_space<hbm>>
        tpu.enqueue_indirect_dma source(%dma_start3A_237 : memref<10240x128xf32, #tpu.memory_space<hbm>>) target(%arg10 : memref<40x128xf32, #tpu.memory_space<vmem>>) offsets(%dma_start3A_234 : memref<40xi32, #tpu.memory_space<vmem>>) semaphore(%arg15 : memref<!tpu.dma_semaphore, #tpu.memory_space<semaphore_mem>>)
        %add3A_238 = arith.constant 2 : i32
        %add3A_239 = arith.addi %mul3A_169, %add3A_238 : i32
        %dma_wait3A_240 = arith.constant 0 : i32
        %dma_wait3A_241 = tpu.memref_slice %arg6[%add3A_239, %dma_wait3A_240] : memref<250x40xi32, #tpu.memory_space<vmem>> -> memref<1x40xi32, #tpu.memory_space<vmem>>
        %dma_wait3A_242 = tpu.memref_squeeze %dma_wait3A_241 : memref<1x40xi32, #tpu.memory_space<vmem>> -> memref<40xi32, #tpu.memory_space<vmem>>
        %dma_wait3A_243 = arith.constant 0 : i32
        %dma_wait3A_244 = arith.constant 0 : i32
        %dma_wait3A_245 = tpu.memref_slice %arg2[%dma_wait3A_243, %dma_wait3A_244] : memref<10240x128xf32, #tpu.memory_space<hbm>> -> memref<10240x128xf32, #tpu.memory_space<hbm>>
        tpu.wait_indirect_dma semaphore(%arg16 : memref<!tpu.dma_semaphore, #tpu.memory_space<semaphore_mem>>) src(%dma_wait3A_245 : memref<10240x128xf32, #tpu.memory_space<hbm>>) dst(%arg11 : memref<40x128xf32, #tpu.memory_space<vmem>>)
        %add3A_246 = arith.constant 2 : i32
        %add3A_247 = arith.addi %mul3A_169, %add3A_246 : i32
        %dma_start3A_248 = arith.constant 0 : i32
        %dma_start3A_249 = tpu.memref_slice %arg7[%add3A_247, %dma_start3A_248] : memref<250x40xi32, #tpu.memory_space<vmem>> -> memref<1x40xi32, #tpu.memory_space<vmem>>
        %dma_start3A_250 = tpu.memref_squeeze %dma_start3A_249 : memref<1x40xi32, #tpu.memory_space<vmem>> -> memref<40xi32, #tpu.memory_space<vmem>>
        %dma_start3A_251 = arith.constant 0 : i32
        %dma_start3A_252 = arith.constant 0 : i32
        %dma_start3A_253 = tpu.memref_slice %arg8[%dma_start3A_251, %dma_start3A_252] : memref<10248x128xf32, #tpu.memory_space<vmem_shared>> -> memref<10248x128xf32, #tpu.memory_space<vmem_shared>>
        tpu.enqueue_indirect_dma source(%arg11 : memref<40x128xf32, #tpu.memory_space<vmem>>) target(%dma_start3A_253 : memref<10248x128xf32, #tpu.memory_space<vmem_shared>>) offsets(%dma_start3A_250 : memref<40xi32, #tpu.memory_space<vmem>>) semaphore(%arg21 : memref<!tpu.dma_semaphore, #tpu.memory_space<semaphore_mem>>) {add = true}
        %add3A_254 = arith.constant 2 : i32
        %add3A_255 = arith.addi %mul3A_169, %add3A_254 : i32
        %dma_wait3A_256 = arith.constant 0 : i32
        %dma_wait3A_257 = tpu.memref_slice %arg7[%add3A_255, %dma_wait3A_256] : memref<250x40xi32, #tpu.memory_space<vmem>> -> memref<1x40xi32, #tpu.memory_space<vmem>>
        %dma_wait3A_258 = tpu.memref_squeeze %dma_wait3A_257 : memref<1x40xi32, #tpu.memory_space<vmem>> -> memref<40xi32, #tpu.memory_space<vmem>>
        %dma_wait3A_259 = arith.constant 0 : i32
        %dma_wait3A_260 = arith.constant 0 : i32
        %dma_wait3A_261 = tpu.memref_slice %arg8[%dma_wait3A_259, %dma_wait3A_260] : memref<10248x128xf32, #tpu.memory_space<vmem_shared>> -> memref<10248x128xf32, #tpu.memory_space<vmem_shared>>
        tpu.wait_indirect_dma semaphore(%arg21 : memref<!tpu.dma_semaphore, #tpu.memory_space<semaphore_mem>>) src(%arg11 : memref<40x128xf32, #tpu.memory_space<vmem>>) dst(%dma_wait3A_261 : memref<10248x128xf32, #tpu.memory_space<vmem_shared>>)
        %add3A_262 = arith.constant 2 : i32
        %add3A_263 = arith.addi %mul3A_169, %add3A_262 : i32
        %add3A_264 = arith.constant 5 : i32
        %add3A_265 = arith.addi %add3A_263, %add3A_264 : i32
        %dma_start3A_266 = arith.constant 0 : i32
        %dma_start3A_267 = tpu.memref_slice %arg6[%add3A_265, %dma_start3A_266] : memref<250x40xi32, #tpu.memory_space<vmem>> -> memref<1x40xi32, #tpu.memory_space<vmem>>
        %dma_start3A_268 = tpu.memref_squeeze %dma_start3A_267 : memref<1x40xi32, #tpu.memory_space<vmem>> -> memref<40xi32, #tpu.memory_space<vmem>>
        %dma_start3A_269 = arith.constant 0 : i32
        %dma_start3A_270 = arith.constant 0 : i32
        %dma_start3A_271 = tpu.memref_slice %arg2[%dma_start3A_269, %dma_start3A_270] : memref<10240x128xf32, #tpu.memory_space<hbm>> -> memref<10240x128xf32, #tpu.memory_space<hbm>>
        tpu.enqueue_indirect_dma source(%dma_start3A_271 : memref<10240x128xf32, #tpu.memory_space<hbm>>) target(%arg11 : memref<40x128xf32, #tpu.memory_space<vmem>>) offsets(%dma_start3A_268 : memref<40xi32, #tpu.memory_space<vmem>>) semaphore(%arg16 : memref<!tpu.dma_semaphore, #tpu.memory_space<semaphore_mem>>)
        %add3A_272 = arith.constant 3 : i32
        %add3A_273 = arith.addi %mul3A_169, %add3A_272 : i32
        %dma_wait3A_274 = arith.constant 0 : i32
        %dma_wait3A_275 = tpu.memref_slice %arg6[%add3A_273, %dma_wait3A_274] : memref<250x40xi32, #tpu.memory_space<vmem>> -> memref<1x40xi32, #tpu.memory_space<vmem>>
        %dma_wait3A_276 = tpu.memref_squeeze %dma_wait3A_275 : memref<1x40xi32, #tpu.memory_space<vmem>> -> memref<40xi32, #tpu.memory_space<vmem>>
        %dma_wait3A_277 = arith.constant 0 : i32
        %dma_wait3A_278 = arith.constant 0 : i32
        %dma_wait3A_279 = tpu.memref_slice %arg2[%dma_wait3A_277, %dma_wait3A_278] : memref<10240x128xf32, #tpu.memory_space<hbm>> -> memref<10240x128xf32, #tpu.memory_space<hbm>>
        tpu.wait_indirect_dma semaphore(%arg17 : memref<!tpu.dma_semaphore, #tpu.memory_space<semaphore_mem>>) src(%dma_wait3A_279 : memref<10240x128xf32, #tpu.memory_space<hbm>>) dst(%arg12 : memref<40x128xf32, #tpu.memory_space<vmem>>)
        %add3A_280 = arith.constant 3 : i32
        %add3A_281 = arith.addi %mul3A_169, %add3A_280 : i32
        %dma_start3A_282 = arith.constant 0 : i32
        %dma_start3A_283 = tpu.memref_slice %arg7[%add3A_281, %dma_start3A_282] : memref<250x40xi32, #tpu.memory_space<vmem>> -> memref<1x40xi32, #tpu.memory_space<vmem>>
        %dma_start3A_284 = tpu.memref_squeeze %dma_start3A_283 : memref<1x40xi32, #tpu.memory_space<vmem>> -> memref<40xi32, #tpu.memory_space<vmem>>
        %dma_start3A_285 = arith.constant 0 : i32
        %dma_start3A_286 = arith.constant 0 : i32
        %dma_start3A_287 = tpu.memref_slice %arg8[%dma_start3A_285, %dma_start3A_286] : memref<10248x128xf32, #tpu.memory_space<vmem_shared>> -> memref<10248x128xf32, #tpu.memory_space<vmem_shared>>
        tpu.enqueue_indirect_dma source(%arg12 : memref<40x128xf32, #tpu.memory_space<vmem>>) target(%dma_start3A_287 : memref<10248x128xf32, #tpu.memory_space<vmem_shared>>) offsets(%dma_start3A_284 : memref<40xi32, #tpu.memory_space<vmem>>) semaphore(%arg22 : memref<!tpu.dma_semaphore, #tpu.memory_space<semaphore_mem>>) {add = true}
        %add3A_288 = arith.constant 3 : i32
        %add3A_289 = arith.addi %mul3A_169, %add3A_288 : i32
        %dma_wait3A_290 = arith.constant 0 : i32
        %dma_wait3A_291 = tpu.memref_slice %arg7[%add3A_289, %dma_wait3A_290] : memref<250x40xi32, #tpu.memory_space<vmem>> -> memref<1x40xi32, #tpu.memory_space<vmem>>
        %dma_wait3A_292 = tpu.memref_squeeze %dma_wait3A_291 : memref<1x40xi32, #tpu.memory_space<vmem>> -> memref<40xi32, #tpu.memory_space<vmem>>
        %dma_wait3A_293 = arith.constant 0 : i32
        %dma_wait3A_294 = arith.constant 0 : i32
        %dma_wait3A_295 = tpu.memref_slice %arg8[%dma_wait3A_293, %dma_wait3A_294] : memref<10248x128xf32, #tpu.memory_space<vmem_shared>> -> memref<10248x128xf32, #tpu.memory_space<vmem_shared>>
        tpu.wait_indirect_dma semaphore(%arg22 : memref<!tpu.dma_semaphore, #tpu.memory_space<semaphore_mem>>) src(%arg12 : memref<40x128xf32, #tpu.memory_space<vmem>>) dst(%dma_wait3A_295 : memref<10248x128xf32, #tpu.memory_space<vmem_shared>>)
        %add3A_296 = arith.constant 3 : i32
        %add3A_297 = arith.addi %mul3A_169, %add3A_296 : i32
        %add3A_298 = arith.constant 5 : i32
        %add3A_299 = arith.addi %add3A_297, %add3A_298 : i32
        %dma_start3A_300 = arith.constant 0 : i32
        %dma_start3A_301 = tpu.memref_slice %arg6[%add3A_299, %dma_start3A_300] : memref<250x40xi32, #tpu.memory_space<vmem>> -> memref<1x40xi32, #tpu.memory_space<vmem>>
        %dma_start3A_302 = tpu.memref_squeeze %dma_start3A_301 : memref<1x40xi32, #tpu.memory_space<vmem>> -> memref<40xi32, #tpu.memory_space<vmem>>
        %dma_start3A_303 = arith.constant 0 : i32
        %dma_start3A_304 = arith.constant 0 : i32
        %dma_start3A_305 = tpu.memref_slice %arg2[%dma_start3A_303, %dma_start3A_304] : memref<10240x128xf32, #tpu.memory_space<hbm>> -> memref<10240x128xf32, #tpu.memory_space<hbm>>
        tpu.enqueue_indirect_dma source(%dma_start3A_305 : memref<10240x128xf32, #tpu.memory_space<hbm>>) target(%arg12 : memref<40x128xf32, #tpu.memory_space<vmem>>) offsets(%dma_start3A_302 : memref<40xi32, #tpu.memory_space<vmem>>) semaphore(%arg17 : memref<!tpu.dma_semaphore, #tpu.memory_space<semaphore_mem>>)
        %add3A_306 = arith.constant 4 : i32
        %add3A_307 = arith.addi %mul3A_169, %add3A_306 : i32
        %dma_wait3A_308 = arith.constant 0 : i32
        %dma_wait3A_309 = tpu.memref_slice %arg6[%add3A_307, %dma_wait3A_308] : memref<250x40xi32, #tpu.memory_space<vmem>> -> memref<1x40xi32, #tpu.memory_space<vmem>>
        %dma_wait3A_310 = tpu.memref_squeeze %dma_wait3A_309 : memref<1x40xi32, #tpu.memory_space<vmem>> -> memref<40xi32, #tpu.memory_space<vmem>>
        %dma_wait3A_311 = arith.constant 0 : i32
        %dma_wait3A_312 = arith.constant 0 : i32
        %dma_wait3A_313 = tpu.memref_slice %arg2[%dma_wait3A_311, %dma_wait3A_312] : memref<10240x128xf32, #tpu.memory_space<hbm>> -> memref<10240x128xf32, #tpu.memory_space<hbm>>
        tpu.wait_indirect_dma semaphore(%arg18 : memref<!tpu.dma_semaphore, #tpu.memory_space<semaphore_mem>>) src(%dma_wait3A_313 : memref<10240x128xf32, #tpu.memory_space<hbm>>) dst(%arg13 : memref<40x128xf32, #tpu.memory_space<vmem>>)
        %add3A_314 = arith.constant 4 : i32
        %add3A_315 = arith.addi %mul3A_169, %add3A_314 : i32
        %dma_start3A_316 = arith.constant 0 : i32
        %dma_start3A_317 = tpu.memref_slice %arg7[%add3A_315, %dma_start3A_316] : memref<250x40xi32, #tpu.memory_space<vmem>> -> memref<1x40xi32, #tpu.memory_space<vmem>>
        %dma_start3A_318 = tpu.memref_squeeze %dma_start3A_317 : memref<1x40xi32, #tpu.memory_space<vmem>> -> memref<40xi32, #tpu.memory_space<vmem>>
        %dma_start3A_319 = arith.constant 0 : i32
        %dma_start3A_320 = arith.constant 0 : i32
        %dma_start3A_321 = tpu.memref_slice %arg8[%dma_start3A_319, %dma_start3A_320] : memref<10248x128xf32, #tpu.memory_space<vmem_shared>> -> memref<10248x128xf32, #tpu.memory_space<vmem_shared>>
        tpu.enqueue_indirect_dma source(%arg13 : memref<40x128xf32, #tpu.memory_space<vmem>>) target(%dma_start3A_321 : memref<10248x128xf32, #tpu.memory_space<vmem_shared>>) offsets(%dma_start3A_318 : memref<40xi32, #tpu.memory_space<vmem>>) semaphore(%arg23 : memref<!tpu.dma_semaphore, #tpu.memory_space<semaphore_mem>>) {add = true}
        %add3A_322 = arith.constant 4 : i32
        %add3A_323 = arith.addi %mul3A_169, %add3A_322 : i32
        %dma_wait3A_324 = arith.constant 0 : i32
        %dma_wait3A_325 = tpu.memref_slice %arg7[%add3A_323, %dma_wait3A_324] : memref<250x40xi32, #tpu.memory_space<vmem>> -> memref<1x40xi32, #tpu.memory_space<vmem>>
        %dma_wait3A_326 = tpu.memref_squeeze %dma_wait3A_325 : memref<1x40xi32, #tpu.memory_space<vmem>> -> memref<40xi32, #tpu.memory_space<vmem>>
        %dma_wait3A_327 = arith.constant 0 : i32
        %dma_wait3A_328 = arith.constant 0 : i32
        %dma_wait3A_329 = tpu.memref_slice %arg8[%dma_wait3A_327, %dma_wait3A_328] : memref<10248x128xf32, #tpu.memory_space<vmem_shared>> -> memref<10248x128xf32, #tpu.memory_space<vmem_shared>>
        tpu.wait_indirect_dma semaphore(%arg23 : memref<!tpu.dma_semaphore, #tpu.memory_space<semaphore_mem>>) src(%arg13 : memref<40x128xf32, #tpu.memory_space<vmem>>) dst(%dma_wait3A_329 : memref<10248x128xf32, #tpu.memory_space<vmem_shared>>)
        %add3A_330 = arith.constant 4 : i32
        %add3A_331 = arith.addi %mul3A_169, %add3A_330 : i32
        %add3A_332 = arith.constant 5 : i32
        %add3A_333 = arith.addi %add3A_331, %add3A_332 : i32
        %dma_start3A_334 = arith.constant 0 : i32
        %dma_start3A_335 = tpu.memref_slice %arg6[%add3A_333, %dma_start3A_334] : memref<250x40xi32, #tpu.memory_space<vmem>> -> memref<1x40xi32, #tpu.memory_space<vmem>>
        %dma_start3A_336 = tpu.memref_squeeze %dma_start3A_335 : memref<1x40xi32, #tpu.memory_space<vmem>> -> memref<40xi32, #tpu.memory_space<vmem>>
        %dma_start3A_337 = arith.constant 0 : i32
        %dma_start3A_338 = arith.constant 0 : i32
        %dma_start3A_339 = tpu.memref_slice %arg2[%dma_start3A_337, %dma_start3A_338] : memref<10240x128xf32, #tpu.memory_space<hbm>> -> memref<10240x128xf32, #tpu.memory_space<hbm>>
        tpu.enqueue_indirect_dma source(%dma_start3A_339 : memref<10240x128xf32, #tpu.memory_space<hbm>>) target(%arg13 : memref<40x128xf32, #tpu.memory_space<vmem>>) offsets(%dma_start3A_336 : memref<40xi32, #tpu.memory_space<vmem>>) semaphore(%arg18 : memref<!tpu.dma_semaphore, #tpu.memory_space<semaphore_mem>>)
      }
      %scan3A_58 = arith.constant 49 : i32
      %dma_wait3A = arith.constant 245 : i32
      %dma_wait3A_59 = arith.constant 0 : i32
      %dma_wait3A_60 = tpu.memref_slice %arg6[%dma_wait3A, %dma_wait3A_59] : memref<250x40xi32, #tpu.memory_space<vmem>> -> memref<1x40xi32, #tpu.memory_space<vmem>>
      %dma_wait3A_61 = tpu.memref_squeeze %dma_wait3A_60 : memref<1x40xi32, #tpu.memory_space<vmem>> -> memref<40xi32, #tpu.memory_space<vmem>>
      %dma_wait3A_62 = arith.constant 0 : i32
      %dma_wait3A_63 = arith.constant 0 : i32
      %dma_wait3A_64 = tpu.memref_slice %arg2[%dma_wait3A_62, %dma_wait3A_63] : memref<10240x128xf32, #tpu.memory_space<hbm>> -> memref<10240x128xf32, #tpu.memory_space<hbm>>
      tpu.wait_indirect_dma semaphore(%arg14 : memref<!tpu.dma_semaphore, #tpu.memory_space<semaphore_mem>>) src(%dma_wait3A_64 : memref<10240x128xf32, #tpu.memory_space<hbm>>) dst(%arg9 : memref<40x128xf32, #tpu.memory_space<vmem>>)
      %dma_start3A_65 = arith.constant 245 : i32
      %dma_start3A_66 = arith.constant 0 : i32
      %dma_start3A_67 = tpu.memref_slice %arg7[%dma_start3A_65, %dma_start3A_66] : memref<250x40xi32, #tpu.memory_space<vmem>> -> memref<1x40xi32, #tpu.memory_space<vmem>>
      %dma_start3A_68 = tpu.memref_squeeze %dma_start3A_67 : memref<1x40xi32, #tpu.memory_space<vmem>> -> memref<40xi32, #tpu.memory_space<vmem>>
      %dma_start3A_69 = arith.constant 0 : i32
      %dma_start3A_70 = arith.constant 0 : i32
      %dma_start3A_71 = tpu.memref_slice %arg8[%dma_start3A_69, %dma_start3A_70] : memref<10248x128xf32, #tpu.memory_space<vmem_shared>> -> memref<10248x128xf32, #tpu.memory_space<vmem_shared>>
      tpu.enqueue_indirect_dma source(%arg9 : memref<40x128xf32, #tpu.memory_space<vmem>>) target(%dma_start3A_71 : memref<10248x128xf32, #tpu.memory_space<vmem_shared>>) offsets(%dma_start3A_68 : memref<40xi32, #tpu.memory_space<vmem>>) semaphore(%arg19 : memref<!tpu.dma_semaphore, #tpu.memory_space<semaphore_mem>>) {add = true}
      %dma_wait3A_72 = arith.constant 246 : i32
      %dma_wait3A_73 = arith.constant 0 : i32
      %dma_wait3A_74 = tpu.memref_slice %arg6[%dma_wait3A_72, %dma_wait3A_73] : memref<250x40xi32, #tpu.memory_space<vmem>> -> memref<1x40xi32, #tpu.memory_space<vmem>>
      %dma_wait3A_75 = tpu.memref_squeeze %dma_wait3A_74 : memref<1x40xi32, #tpu.memory_space<vmem>> -> memref<40xi32, #tpu.memory_space<vmem>>
      %dma_wait3A_76 = arith.constant 0 : i32
      %dma_wait3A_77 = arith.constant 0 : i32
      %dma_wait3A_78 = tpu.memref_slice %arg2[%dma_wait3A_76, %dma_wait3A_77] : memref<10240x128xf32, #tpu.memory_space<hbm>> -> memref<10240x128xf32, #tpu.memory_space<hbm>>
      tpu.wait_indirect_dma semaphore(%arg15 : memref<!tpu.dma_semaphore, #tpu.memory_space<semaphore_mem>>) src(%dma_wait3A_78 : memref<10240x128xf32, #tpu.memory_space<hbm>>) dst(%arg10 : memref<40x128xf32, #tpu.memory_space<vmem>>)
      %dma_start3A_79 = arith.constant 246 : i32
      %dma_start3A_80 = arith.constant 0 : i32
      %dma_start3A_81 = tpu.memref_slice %arg7[%dma_start3A_79, %dma_start3A_80] : memref<250x40xi32, #tpu.memory_space<vmem>> -> memref<1x40xi32, #tpu.memory_space<vmem>>
      %dma_start3A_82 = tpu.memref_squeeze %dma_start3A_81 : memref<1x40xi32, #tpu.memory_space<vmem>> -> memref<40xi32, #tpu.memory_space<vmem>>
      %dma_start3A_83 = arith.constant 0 : i32
      %dma_start3A_84 = arith.constant 0 : i32
      %dma_start3A_85 = tpu.memref_slice %arg8[%dma_start3A_83, %dma_start3A_84] : memref<10248x128xf32, #tpu.memory_space<vmem_shared>> -> memref<10248x128xf32, #tpu.memory_space<vmem_shared>>
      tpu.enqueue_indirect_dma source(%arg10 : memref<40x128xf32, #tpu.memory_space<vmem>>) target(%dma_start3A_85 : memref<10248x128xf32, #tpu.memory_space<vmem_shared>>) offsets(%dma_start3A_82 : memref<40xi32, #tpu.memory_space<vmem>>) semaphore(%arg20 : memref<!tpu.dma_semaphore, #tpu.memory_space<semaphore_mem>>) {add = true}
      %dma_wait3A_86 = arith.constant 247 : i32
      %dma_wait3A_87 = arith.constant 0 : i32
      %dma_wait3A_88 = tpu.memref_slice %arg6[%dma_wait3A_86, %dma_wait3A_87] : memref<250x40xi32, #tpu.memory_space<vmem>> -> memref<1x40xi32, #tpu.memory_space<vmem>>
      %dma_wait3A_89 = tpu.memref_squeeze %dma_wait3A_88 : memref<1x40xi32, #tpu.memory_space<vmem>> -> memref<40xi32, #tpu.memory_space<vmem>>
      %dma_wait3A_90 = arith.constant 0 : i32
      %dma_wait3A_91 = arith.constant 0 : i32
      %dma_wait3A_92 = tpu.memref_slice %arg2[%dma_wait3A_90, %dma_wait3A_91] : memref<10240x128xf32, #tpu.memory_space<hbm>> -> memref<10240x128xf32, #tpu.memory_space<hbm>>
      tpu.wait_indirect_dma semaphore(%arg16 : memref<!tpu.dma_semaphore, #tpu.memory_space<semaphore_mem>>) src(%dma_wait3A_92 : memref<10240x128xf32, #tpu.memory_space<hbm>>) dst(%arg11 : memref<40x128xf32, #tpu.memory_space<vmem>>)
      %dma_start3A_93 = arith.constant 247 : i32
      %dma_start3A_94 = arith.constant 0 : i32
      %dma_start3A_95 = tpu.memref_slice %arg7[%dma_start3A_93, %dma_start3A_94] : memref<250x40xi32, #tpu.memory_space<vmem>> -> memref<1x40xi32, #tpu.memory_space<vmem>>
      %dma_start3A_96 = tpu.memref_squeeze %dma_start3A_95 : memref<1x40xi32, #tpu.memory_space<vmem>> -> memref<40xi32, #tpu.memory_space<vmem>>
      %dma_start3A_97 = arith.constant 0 : i32
      %dma_start3A_98 = arith.constant 0 : i32
      %dma_start3A_99 = tpu.memref_slice %arg8[%dma_start3A_97, %dma_start3A_98] : memref<10248x128xf32, #tpu.memory_space<vmem_shared>> -> memref<10248x128xf32, #tpu.memory_space<vmem_shared>>
      tpu.enqueue_indirect_dma source(%arg11 : memref<40x128xf32, #tpu.memory_space<vmem>>) target(%dma_start3A_99 : memref<10248x128xf32, #tpu.memory_space<vmem_shared>>) offsets(%dma_start3A_96 : memref<40xi32, #tpu.memory_space<vmem>>) semaphore(%arg21 : memref<!tpu.dma_semaphore, #tpu.memory_space<semaphore_mem>>) {add = true}
      %dma_wait3A_100 = arith.constant 248 : i32
      %dma_wait3A_101 = arith.constant 0 : i32
      %dma_wait3A_102 = tpu.memref_slice %arg6[%dma_wait3A_100, %dma_wait3A_101] : memref<250x40xi32, #tpu.memory_space<vmem>> -> memref<1x40xi32, #tpu.memory_space<vmem>>
      %dma_wait3A_103 = tpu.memref_squeeze %dma_wait3A_102 : memref<1x40xi32, #tpu.memory_space<vmem>> -> memref<40xi32, #tpu.memory_space<vmem>>
      %dma_wait3A_104 = arith.constant 0 : i32
      %dma_wait3A_105 = arith.constant 0 : i32
      %dma_wait3A_106 = tpu.memref_slice %arg2[%dma_wait3A_104, %dma_wait3A_105] : memref<10240x128xf32, #tpu.memory_space<hbm>> -> memref<10240x128xf32, #tpu.memory_space<hbm>>
      tpu.wait_indirect_dma semaphore(%arg17 : memref<!tpu.dma_semaphore, #tpu.memory_space<semaphore_mem>>) src(%dma_wait3A_106 : memref<10240x128xf32, #tpu.memory_space<hbm>>) dst(%arg12 : memref<40x128xf32, #tpu.memory_space<vmem>>)
      %dma_start3A_107 = arith.constant 248 : i32
      %dma_start3A_108 = arith.constant 0 : i32
      %dma_start3A_109 = tpu.memref_slice %arg7[%dma_start3A_107, %dma_start3A_108] : memref<250x40xi32, #tpu.memory_space<vmem>> -> memref<1x40xi32, #tpu.memory_space<vmem>>
      %dma_start3A_110 = tpu.memref_squeeze %dma_start3A_109 : memref<1x40xi32, #tpu.memory_space<vmem>> -> memref<40xi32, #tpu.memory_space<vmem>>
      %dma_start3A_111 = arith.constant 0 : i32
      %dma_start3A_112 = arith.constant 0 : i32
      %dma_start3A_113 = tpu.memref_slice %arg8[%dma_start3A_111, %dma_start3A_112] : memref<10248x128xf32, #tpu.memory_space<vmem_shared>> -> memref<10248x128xf32, #tpu.memory_space<vmem_shared>>
      tpu.enqueue_indirect_dma source(%arg12 : memref<40x128xf32, #tpu.memory_space<vmem>>) target(%dma_start3A_113 : memref<10248x128xf32, #tpu.memory_space<vmem_shared>>) offsets(%dma_start3A_110 : memref<40xi32, #tpu.memory_space<vmem>>) semaphore(%arg22 : memref<!tpu.dma_semaphore, #tpu.memory_space<semaphore_mem>>) {add = true}
      %dma_wait3A_114 = arith.constant 249 : i32
      %dma_wait3A_115 = arith.constant 0 : i32
      %dma_wait3A_116 = tpu.memref_slice %arg6[%dma_wait3A_114, %dma_wait3A_115] : memref<250x40xi32, #tpu.memory_space<vmem>> -> memref<1x40xi32, #tpu.memory_space<vmem>>
      %dma_wait3A_117 = tpu.memref_squeeze %dma_wait3A_116 : memref<1x40xi32, #tpu.memory_space<vmem>> -> memref<40xi32, #tpu.memory_space<vmem>>
      %dma_wait3A_118 = arith.constant 0 : i32
      %dma_wait3A_119 = arith.constant 0 : i32
      %dma_wait3A_120 = tpu.memref_slice %arg2[%dma_wait3A_118, %dma_wait3A_119] : memref<10240x128xf32, #tpu.memory_space<hbm>> -> memref<10240x128xf32, #tpu.memory_space<hbm>>
      tpu.wait_indirect_dma semaphore(%arg18 : memref<!tpu.dma_semaphore, #tpu.memory_space<semaphore_mem>>) src(%dma_wait3A_120 : memref<10240x128xf32, #tpu.memory_space<hbm>>) dst(%arg13 : memref<40x128xf32, #tpu.memory_space<vmem>>)
      %dma_start3A_121 = arith.constant 249 : i32
      %dma_start3A_122 = arith.constant 0 : i32
      %dma_start3A_123 = tpu.memref_slice %arg7[%dma_start3A_121, %dma_start3A_122] : memref<250x40xi32, #tpu.memory_space<vmem>> -> memref<1x40xi32, #tpu.memory_space<vmem>>
      %dma_start3A_124 = tpu.memref_squeeze %dma_start3A_123 : memref<1x40xi32, #tpu.memory_space<vmem>> -> memref<40xi32, #tpu.memory_space<vmem>>
      %dma_start3A_125 = arith.constant 0 : i32
      %dma_start3A_126 = arith.constant 0 : i32
      %dma_start3A_127 = tpu.memref_slice %arg8[%dma_start3A_125, %dma_start3A_126] : memref<10248x128xf32, #tpu.memory_space<vmem_shared>> -> memref<10248x128xf32, #tpu.memory_space<vmem_shared>>
      tpu.enqueue_indirect_dma source(%arg13 : memref<40x128xf32, #tpu.memory_space<vmem>>) target(%dma_start3A_127 : memref<10248x128xf32, #tpu.memory_space<vmem_shared>>) offsets(%dma_start3A_124 : memref<40xi32, #tpu.memory_space<vmem>>) semaphore(%arg23 : memref<!tpu.dma_semaphore, #tpu.memory_space<semaphore_mem>>) {add = true}
      %dma_wait3A_128 = arith.constant 245 : i32
      %dma_wait3A_129 = arith.constant 0 : i32
      %dma_wait3A_130 = tpu.memref_slice %arg7[%dma_wait3A_128, %dma_wait3A_129] : memref<250x40xi32, #tpu.memory_space<vmem>> -> memref<1x40xi32, #tpu.memory_space<vmem>>
      %dma_wait3A_131 = tpu.memref_squeeze %dma_wait3A_130 : memref<1x40xi32, #tpu.memory_space<vmem>> -> memref<40xi32, #tpu.memory_space<vmem>>
      %dma_wait3A_132 = arith.constant 0 : i32
      %dma_wait3A_133 = arith.constant 0 : i32
      %dma_wait3A_134 = tpu.memref_slice %arg8[%dma_wait3A_132, %dma_wait3A_133] : memref<10248x128xf32, #tpu.memory_space<vmem_shared>> -> memref<10248x128xf32, #tpu.memory_space<vmem_shared>>
      tpu.wait_indirect_dma semaphore(%arg19 : memref<!tpu.dma_semaphore, #tpu.memory_space<semaphore_mem>>) src(%arg9 : memref<40x128xf32, #tpu.memory_space<vmem>>) dst(%dma_wait3A_134 : memref<10248x128xf32, #tpu.memory_space<vmem_shared>>)
      %dma_wait3A_135 = arith.constant 246 : i32
      %dma_wait3A_136 = arith.constant 0 : i32
      %dma_wait3A_137 = tpu.memref_slice %arg7[%dma_wait3A_135, %dma_wait3A_136] : memref<250x40xi32, #tpu.memory_space<vmem>> -> memref<1x40xi32, #tpu.memory_space<vmem>>
      %dma_wait3A_138 = tpu.memref_squeeze %dma_wait3A_137 : memref<1x40xi32, #tpu.memory_space<vmem>> -> memref<40xi32, #tpu.memory_space<vmem>>
      %dma_wait3A_139 = arith.constant 0 : i32
      %dma_wait3A_140 = arith.constant 0 : i32
      %dma_wait3A_141 = tpu.memref_slice %arg8[%dma_wait3A_139, %dma_wait3A_140] : memref<10248x128xf32, #tpu.memory_space<vmem_shared>> -> memref<10248x128xf32, #tpu.memory_space<vmem_shared>>
      tpu.wait_indirect_dma semaphore(%arg20 : memref<!tpu.dma_semaphore, #tpu.memory_space<semaphore_mem>>) src(%arg10 : memref<40x128xf32, #tpu.memory_space<vmem>>) dst(%dma_wait3A_141 : memref<10248x128xf32, #tpu.memory_space<vmem_shared>>)
      %dma_wait3A_142 = arith.constant 247 : i32
      %dma_wait3A_143 = arith.constant 0 : i32
      %dma_wait3A_144 = tpu.memref_slice %arg7[%dma_wait3A_142, %dma_wait3A_143] : memref<250x40xi32, #tpu.memory_space<vmem>> -> memref<1x40xi32, #tpu.memory_space<vmem>>
      %dma_wait3A_145 = tpu.memref_squeeze %dma_wait3A_144 : memref<1x40xi32, #tpu.memory_space<vmem>> -> memref<40xi32, #tpu.memory_space<vmem>>
      %dma_wait3A_146 = arith.constant 0 : i32
      %dma_wait3A_147 = arith.constant 0 : i32
      %dma_wait3A_148 = tpu.memref_slice %arg8[%dma_wait3A_146, %dma_wait3A_147] : memref<10248x128xf32, #tpu.memory_space<vmem_shared>> -> memref<10248x128xf32, #tpu.memory_space<vmem_shared>>
      tpu.wait_indirect_dma semaphore(%arg21 : memref<!tpu.dma_semaphore, #tpu.memory_space<semaphore_mem>>) src(%arg11 : memref<40x128xf32, #tpu.memory_space<vmem>>) dst(%dma_wait3A_148 : memref<10248x128xf32, #tpu.memory_space<vmem_shared>>)
      %dma_wait3A_149 = arith.constant 248 : i32
      %dma_wait3A_150 = arith.constant 0 : i32
      %dma_wait3A_151 = tpu.memref_slice %arg7[%dma_wait3A_149, %dma_wait3A_150] : memref<250x40xi32, #tpu.memory_space<vmem>> -> memref<1x40xi32, #tpu.memory_space<vmem>>
      %dma_wait3A_152 = tpu.memref_squeeze %dma_wait3A_151 : memref<1x40xi32, #tpu.memory_space<vmem>> -> memref<40xi32, #tpu.memory_space<vmem>>
      %dma_wait3A_153 = arith.constant 0 : i32
      %dma_wait3A_154 = arith.constant 0 : i32
      %dma_wait3A_155 = tpu.memref_slice %arg8[%dma_wait3A_153, %dma_wait3A_154] : memref<10248x128xf32, #tpu.memory_space<vmem_shared>> -> memref<10248x128xf32, #tpu.memory_space<vmem_shared>>
      tpu.wait_indirect_dma semaphore(%arg22 : memref<!tpu.dma_semaphore, #tpu.memory_space<semaphore_mem>>) src(%arg12 : memref<40x128xf32, #tpu.memory_space<vmem>>) dst(%dma_wait3A_155 : memref<10248x128xf32, #tpu.memory_space<vmem_shared>>)
      %dma_wait3A_156 = arith.constant 249 : i32
      %dma_wait3A_157 = arith.constant 0 : i32
      %dma_wait3A_158 = tpu.memref_slice %arg7[%dma_wait3A_156, %dma_wait3A_157] : memref<250x40xi32, #tpu.memory_space<vmem>> -> memref<1x40xi32, #tpu.memory_space<vmem>>
      %dma_wait3A_159 = tpu.memref_squeeze %dma_wait3A_158 : memref<1x40xi32, #tpu.memory_space<vmem>> -> memref<40xi32, #tpu.memory_space<vmem>>
      %dma_wait3A_160 = arith.constant 0 : i32
      %dma_wait3A_161 = arith.constant 0 : i32
      %dma_wait3A_162 = tpu.memref_slice %arg8[%dma_wait3A_160, %dma_wait3A_161] : memref<10248x128xf32, #tpu.memory_space<vmem_shared>> -> memref<10248x128xf32, #tpu.memory_space<vmem_shared>>
      tpu.wait_indirect_dma semaphore(%arg23 : memref<!tpu.dma_semaphore, #tpu.memory_space<semaphore_mem>>) src(%arg13 : memref<40x128xf32, #tpu.memory_space<vmem>>) dst(%dma_wait3A_162 : memref<10248x128xf32, #tpu.memory_space<vmem_shared>>)
    }
    %scan3A_6 = arith.constant 2 : i32
    %barrier3A_7 = arith.constant 0 : index
    tpu.barrier barrier_id(%barrier3A_7)
    %mul3A_8 = arith.constant 640 : i32
    %mul3A_9 = arith.muli %arg1, %mul3A_8 : i32
    %mul3A_10 = arith.constant 640 : i32
    %mul3A_11 = arith.muli %arg1, %mul3A_10 : i32
    "tpu.region"() ({
      %run_scoped3A = tpu.sem_alloc : memref<!tpu.dma_semaphore, #tpu.memory_space<semaphore_mem>>
      %dma_start3A = arith.constant 0 : i32
      %dma_start3A_12 = arith.constant 0 : i32
      %dma_start3A_13 = tpu.memref_slice %arg5[%arg0, %dma_start3A, %dma_start3A_12] : memref<2x10240x128xf32, #tpu.memory_space<hbm>> -> memref<1x10240x128xf32, #tpu.memory_space<hbm>>
      %dma_start3A_14 = tpu.memref_squeeze %dma_start3A_13 : memref<1x10240x128xf32, #tpu.memory_space<hbm>> -> memref<10240x128xf32, #tpu.memory_space<hbm>>
      %dma_start3A_15 = arith.constant 0 : i32
      %dma_start3A_16 = tpu.memref_slice %dma_start3A_14[%mul3A_11, %dma_start3A_15] : memref<10240x128xf32, #tpu.memory_space<hbm>> -> memref<640x128xf32, #tpu.memory_space<hbm>>
      %dma_start3A_17 = arith.constant 0 : i32
      %dma_start3A_18 = tpu.memref_slice %arg8[%mul3A_9, %dma_start3A_17] : memref<10248x128xf32, #tpu.memory_space<vmem_shared>> -> memref<640x128xf32, #tpu.memory_space<vmem_shared>>
      tpu.enqueue_dma source(%dma_start3A_18 : memref<640x128xf32, #tpu.memory_space<vmem_shared>>) target(%dma_start3A_16 : memref<640x128xf32, #tpu.memory_space<hbm>>) target_semaphore(%run_scoped3A : memref<!tpu.dma_semaphore, #tpu.memory_space<semaphore_mem>>)
      %dma_wait3A = arith.constant 0 : i32
      %dma_wait3A_19 = arith.constant 0 : i32
      %dma_wait3A_20 = tpu.memref_slice %arg5[%arg0, %dma_wait3A, %dma_wait3A_19] : memref<2x10240x128xf32, #tpu.memory_space<hbm>> -> memref<1x10240x128xf32, #tpu.memory_space<hbm>>
      %dma_wait3A_21 = tpu.memref_squeeze %dma_wait3A_20 : memref<1x10240x128xf32, #tpu.memory_space<hbm>> -> memref<10240x128xf32, #tpu.memory_space<hbm>>
      %dma_wait3A_22 = arith.constant 0 : i32
      %dma_wait3A_23 = tpu.memref_slice %dma_wait3A_21[%mul3A_11, %dma_wait3A_22] : memref<10240x128xf32, #tpu.memory_space<hbm>> -> memref<640x128xf32, #tpu.memory_space<hbm>>
      %dma_wait3A_24 = arith.constant 0 : i32
      %dma_wait3A_25 = tpu.memref_slice %arg8[%mul3A_9, %dma_wait3A_24] : memref<10248x128xf32, #tpu.memory_space<vmem_shared>> -> memref<640x128xf32, #tpu.memory_space<vmem_shared>>
      tpu.wait_dma2 semaphore(%run_scoped3A : memref<!tpu.dma_semaphore, #tpu.memory_space<semaphore_mem>>) src(%dma_wait3A_25 : memref<640x128xf32, #tpu.memory_space<vmem_shared>>) dst(%dma_wait3A_23 : memref<640x128xf32, #tpu.memory_space<hbm>>)
      tpu.yield
    }) : () -> ()
    return
  }
}

#map = affine_map<(d0, d1) -> (0, 0)>
#map1 = affine_map<(d0, d1) -> (0, 0, 0, 0)>
#map2 = affine_map<(d0, d1) -> (0, 0, 0)>
module attributes {stable_mosaic.version = 14 : i64} {
  func.func @_sc_aggregate_body(%arg0: i32, %arg1: i32, %arg2: memref<10240x128xf32, #tpu.memory_space<hbm>>, %arg3: memref<2x16x500x40xi32, #tpu.memory_space<hbm>>, %arg4: memref<2x16x500x40xi32, #tpu.memory_space<hbm>>, %arg5: memref<2x10240x128xf32, #tpu.memory_space<hbm>>, %arg6: memref<250x40xi32, #tpu.memory_space<vmem>>, %arg7: memref<250x40xi32, #tpu.memory_space<vmem>>, %arg8: memref<10248x128xf32, #tpu.memory_space<vmem_shared>>, %arg9: memref<40x128xf32, #tpu.memory_space<vmem>>, %arg10: memref<40x128xf32, #tpu.memory_space<vmem>>, %arg11: memref<40x128xf32, #tpu.memory_space<vmem>>, %arg12: memref<40x128xf32, #tpu.memory_space<vmem>>, %arg13: memref<40x128xf32, #tpu.memory_space<vmem>>, %arg14: memref<!tpu.dma_semaphore, #tpu.memory_space<semaphore_mem>>, %arg15: memref<!tpu.dma_semaphore, #tpu.memory_space<semaphore_mem>>, %arg16: memref<!tpu.dma_semaphore, #tpu.memory_space<semaphore_mem>>, %arg17: memref<!tpu.dma_semaphore, #tpu.memory_space<semaphore_mem>>, %arg18: memref<!tpu.dma_semaphore, #tpu.memory_space<semaphore_mem>>, %arg19: memref<!tpu.dma_semaphore, #tpu.memory_space<semaphore_mem>>, %arg20: memref<!tpu.dma_semaphore, #tpu.memory_space<semaphore_mem>>, %arg21: memref<!tpu.dma_semaphore, #tpu.memory_space<semaphore_mem>>, %arg22: memref<!tpu.dma_semaphore, #tpu.memory_space<semaphore_mem>>, %arg23: memref<!tpu.dma_semaphore, #tpu.memory_space<semaphore_mem>>) attributes {dimension_semantics = [#tpu.dimension_semantics<core_parallel>, #tpu.dimension_semantics<subcore_parallel>], iteration_bounds = array<i64: 2, 16>, scalar_prefetch = 0 : i64, scratch_operands = 18 : i64, tpu.core_type = #tpu.core_type<sc_vector_subcore>, window_params = [{transform_indices = #map}, {transform_indices = #map1}, {transform_indices = #map1}, {transform_indices = #map2}]} {
    %mul3A = arith.constant 640 : i32
    %mul3A_0 = arith.muli %arg1, %mul3A : i32
    %mul3A_1 = arith.constant 640 : i32
    %mul3A_2 = arith.muli %arg1, %mul3A_1 : i32
    "tpu.region"() ({
      %run_scoped3A = tpu.sem_alloc : memref<!tpu.dma_semaphore, #tpu.memory_space<semaphore_mem>>
      %dma_start3A = arith.constant 0 : i32
      %dma_start3A_12 = tpu.memref_slice %arg8[%mul3A_2, %dma_start3A] : memref<10248x128xf32, #tpu.memory_space<vmem_shared>> -> memref<640x128xf32, #tpu.memory_space<vmem_shared>>
      %dma_start3A_13 = arith.constant 0 : i32
      %dma_start3A_14 = tpu.memref_slice %arg2[%mul3A_0, %dma_start3A_13] : memref<10240x128xf32, #tpu.memory_space<hbm>> -> memref<640x128xf32, #tpu.memory_space<hbm>>
      tpu.enqueue_dma source(%dma_start3A_14 : memref<640x128xf32, #tpu.memory_space<hbm>>) target(%dma_start3A_12 : memref<640x128xf32, #tpu.memory_space<vmem_shared>>) target_semaphore(%run_scoped3A : memref<!tpu.dma_semaphore, #tpu.memory_space<semaphore_mem>>)
      %dma_wait3A = arith.constant 0 : i32
      %dma_wait3A_15 = tpu.memref_slice %arg8[%mul3A_2, %dma_wait3A] : memref<10248x128xf32, #tpu.memory_space<vmem_shared>> -> memref<640x128xf32, #tpu.memory_space<vmem_shared>>
      %dma_wait3A_16 = arith.constant 0 : i32
      %dma_wait3A_17 = tpu.memref_slice %arg2[%mul3A_0, %dma_wait3A_16] : memref<10240x128xf32, #tpu.memory_space<hbm>> -> memref<640x128xf32, #tpu.memory_space<hbm>>
      tpu.wait_dma2 semaphore(%run_scoped3A : memref<!tpu.dma_semaphore, #tpu.memory_space<semaphore_mem>>) src(%dma_wait3A_17 : memref<640x128xf32, #tpu.memory_space<hbm>>) dst(%dma_wait3A_15 : memref<640x128xf32, #tpu.memory_space<vmem_shared>>)
      tpu.yield
    }) : () -> ()
    %barrier3A = arith.constant 0 : index
    tpu.barrier barrier_id(%barrier3A)
    %scan3A = arith.constant 0 : i32
    %scan3A_3 = arith.constant 2 : i32
    %scan3A_4 = arith.addi %scan3A, %scan3A_3 : i32
    %scan3A_5 = arith.constant 1 : i32
    scf.for %scan3A_12 = %scan3A to %scan3A_4 step %scan3A_5  : i32 {
      %mul3A_13 = arith.constant 1 : i32
      %mul3A_14 = arith.muli %scan3A_12, %mul3A_13 : i32
      %add3A = arith.constant 0 : i32
      %add3A_15 = arith.addi %add3A, %mul3A_14 : i32
      %mul3A_16 = arith.constant 250 : i32
      %mul3A_17 = arith.muli %add3A_15, %mul3A_16 : i32
      "tpu.region"() ({
        %run_scoped3A = tpu.sem_alloc : memref<!tpu.dma_semaphore, #tpu.memory_space<semaphore_mem>>
        %dma_start3A_163 = arith.constant 0 : i32
        %dma_start3A_164 = arith.constant 0 : i32
        %dma_start3A_165 = tpu.memref_slice %arg3[%arg0, %arg1, %dma_start3A_163, %dma_start3A_164] : memref<2x16x500x40xi32, #tpu.memory_space<hbm>> -> memref<1x1x500x40xi32, #tpu.memory_space<hbm>>
        %dma_start3A_166 = tpu.memref_squeeze %dma_start3A_165 : memref<1x1x500x40xi32, #tpu.memory_space<hbm>> -> memref<500x40xi32, #tpu.memory_space<hbm>>
        %dma_start3A_167 = arith.constant 0 : i32
        %dma_start3A_168 = tpu.memref_slice %dma_start3A_166[%mul3A_17, %dma_start3A_167] : memref<500x40xi32, #tpu.memory_space<hbm>> -> memref<250x40xi32, #tpu.memory_space<hbm>>
        %dma_start3A_169 = arith.constant 0 : i32
        %dma_start3A_170 = arith.constant 0 : i32
        %dma_start3A_171 = tpu.memref_slice %arg3[%arg0, %arg1, %dma_start3A_169, %dma_start3A_170] : memref<2x16x500x40xi32, #tpu.memory_space<hbm>> -> memref<1x1x500x40xi32, #tpu.memory_space<hbm>>
        %dma_start3A_172 = tpu.memref_squeeze %dma_start3A_171 : memref<1x1x500x40xi32, #tpu.memory_space<hbm>> -> memref<500x40xi32, #tpu.memory_space<hbm>>
        %dma_start3A_173 = arith.constant 0 : i32
        %dma_start3A_174 = tpu.memref_slice %dma_start3A_172[%mul3A_17, %dma_start3A_173] : memref<500x40xi32, #tpu.memory_space<hbm>> -> memref<250x40xi32, #tpu.memory_space<hbm>>
        tpu.enqueue_dma source(%dma_start3A_174 : memref<250x40xi32, #tpu.memory_space<hbm>>) target(%arg6 : memref<250x40xi32, #tpu.memory_space<vmem>>) target_semaphore(%run_scoped3A : memref<!tpu.dma_semaphore, #tpu.memory_space<semaphore_mem>>)
        %dma_wait3A_175 = arith.constant 0 : i32
        %dma_wait3A_176 = arith.constant 0 : i32
        %dma_wait3A_177 = tpu.memref_slice %arg3[%arg0, %arg1, %dma_wait3A_175, %dma_wait3A_176] : memref<2x16x500x40xi32, #tpu.memory_space<hbm>> -> memref<1x1x500x40xi32, #tpu.memory_space<hbm>>
        %dma_wait3A_178 = tpu.memref_squeeze %dma_wait3A_177 : memref<1x1x500x40xi32, #tpu.memory_space<hbm>> -> memref<500x40xi32, #tpu.memory_space<hbm>>
        %dma_wait3A_179 = arith.constant 0 : i32
        %dma_wait3A_180 = tpu.memref_slice %dma_wait3A_178[%mul3A_17, %dma_wait3A_179] : memref<500x40xi32, #tpu.memory_space<hbm>> -> memref<250x40xi32, #tpu.memory_space<hbm>>
        %dma_wait3A_181 = arith.constant 0 : i32
        %dma_wait3A_182 = arith.constant 0 : i32
        %dma_wait3A_183 = tpu.memref_slice %arg3[%arg0, %arg1, %dma_wait3A_181, %dma_wait3A_182] : memref<2x16x500x40xi32, #tpu.memory_space<hbm>> -> memref<1x1x500x40xi32, #tpu.memory_space<hbm>>
        %dma_wait3A_184 = tpu.memref_squeeze %dma_wait3A_183 : memref<1x1x500x40xi32, #tpu.memory_space<hbm>> -> memref<500x40xi32, #tpu.memory_space<hbm>>
        %dma_wait3A_185 = arith.constant 0 : i32
        %dma_wait3A_186 = tpu.memref_slice %dma_wait3A_184[%mul3A_17, %dma_wait3A_185] : memref<500x40xi32, #tpu.memory_space<hbm>> -> memref<250x40xi32, #tpu.memory_space<hbm>>
        tpu.wait_dma2 semaphore(%run_scoped3A : memref<!tpu.dma_semaphore, #tpu.memory_space<semaphore_mem>>) src(%dma_wait3A_186 : memref<250x40xi32, #tpu.memory_space<hbm>>) dst(%arg6 : memref<250x40xi32, #tpu.memory_space<vmem>>)
        tpu.yield
      }) : () -> ()
      %mul3A_18 = arith.constant 250 : i32
      %mul3A_19 = arith.muli %add3A_15, %mul3A_18 : i32
      "tpu.region"() ({
        %run_scoped3A = tpu.sem_alloc : memref<!tpu.dma_semaphore, #tpu.memory_space<semaphore_mem>>
        %dma_start3A_163 = arith.constant 0 : i32
        %dma_start3A_164 = arith.constant 0 : i32
        %dma_start3A_165 = tpu.memref_slice %arg4[%arg0, %arg1, %dma_start3A_163, %dma_start3A_164] : memref<2x16x500x40xi32, #tpu.memory_space<hbm>> -> memref<1x1x500x40xi32, #tpu.memory_space<hbm>>
        %dma_start3A_166 = tpu.memref_squeeze %dma_start3A_165 : memref<1x1x500x40xi32, #tpu.memory_space<hbm>> -> memref<500x40xi32, #tpu.memory_space<hbm>>
        %dma_start3A_167 = arith.constant 0 : i32
        %dma_start3A_168 = tpu.memref_slice %dma_start3A_166[%mul3A_19, %dma_start3A_167] : memref<500x40xi32, #tpu.memory_space<hbm>> -> memref<250x40xi32, #tpu.memory_space<hbm>>
        %dma_start3A_169 = arith.constant 0 : i32
        %dma_start3A_170 = arith.constant 0 : i32
        %dma_start3A_171 = tpu.memref_slice %arg4[%arg0, %arg1, %dma_start3A_169, %dma_start3A_170] : memref<2x16x500x40xi32, #tpu.memory_space<hbm>> -> memref<1x1x500x40xi32, #tpu.memory_space<hbm>>
        %dma_start3A_172 = tpu.memref_squeeze %dma_start3A_171 : memref<1x1x500x40xi32, #tpu.memory_space<hbm>> -> memref<500x40xi32, #tpu.memory_space<hbm>>
        %dma_start3A_173 = arith.constant 0 : i32
        %dma_start3A_174 = tpu.memref_slice %dma_start3A_172[%mul3A_19, %dma_start3A_173] : memref<500x40xi32, #tpu.memory_space<hbm>> -> memref<250x40xi32, #tpu.memory_space<hbm>>
        tpu.enqueue_dma source(%dma_start3A_174 : memref<250x40xi32, #tpu.memory_space<hbm>>) target(%arg7 : memref<250x40xi32, #tpu.memory_space<vmem>>) target_semaphore(%run_scoped3A : memref<!tpu.dma_semaphore, #tpu.memory_space<semaphore_mem>>)
        %dma_wait3A_175 = arith.constant 0 : i32
        %dma_wait3A_176 = arith.constant 0 : i32
        %dma_wait3A_177 = tpu.memref_slice %arg4[%arg0, %arg1, %dma_wait3A_175, %dma_wait3A_176] : memref<2x16x500x40xi32, #tpu.memory_space<hbm>> -> memref<1x1x500x40xi32, #tpu.memory_space<hbm>>
        %dma_wait3A_178 = tpu.memref_squeeze %dma_wait3A_177 : memref<1x1x500x40xi32, #tpu.memory_space<hbm>> -> memref<500x40xi32, #tpu.memory_space<hbm>>
        %dma_wait3A_179 = arith.constant 0 : i32
        %dma_wait3A_180 = tpu.memref_slice %dma_wait3A_178[%mul3A_19, %dma_wait3A_179] : memref<500x40xi32, #tpu.memory_space<hbm>> -> memref<250x40xi32, #tpu.memory_space<hbm>>
        %dma_wait3A_181 = arith.constant 0 : i32
        %dma_wait3A_182 = arith.constant 0 : i32
        %dma_wait3A_183 = tpu.memref_slice %arg4[%arg0, %arg1, %dma_wait3A_181, %dma_wait3A_182] : memref<2x16x500x40xi32, #tpu.memory_space<hbm>> -> memref<1x1x500x40xi32, #tpu.memory_space<hbm>>
        %dma_wait3A_184 = tpu.memref_squeeze %dma_wait3A_183 : memref<1x1x500x40xi32, #tpu.memory_space<hbm>> -> memref<500x40xi32, #tpu.memory_space<hbm>>
        %dma_wait3A_185 = arith.constant 0 : i32
        %dma_wait3A_186 = tpu.memref_slice %dma_wait3A_184[%mul3A_19, %dma_wait3A_185] : memref<500x40xi32, #tpu.memory_space<hbm>> -> memref<250x40xi32, #tpu.memory_space<hbm>>
        tpu.wait_dma2 semaphore(%run_scoped3A : memref<!tpu.dma_semaphore, #tpu.memory_space<semaphore_mem>>) src(%dma_wait3A_186 : memref<250x40xi32, #tpu.memory_space<hbm>>) dst(%arg7 : memref<250x40xi32, #tpu.memory_space<vmem>>)
        tpu.yield
      }) : () -> ()
      %dma_start3A = arith.constant 0 : i32
      %dma_start3A_20 = arith.constant 0 : i32
      %dma_start3A_21 = tpu.memref_slice %arg6[%dma_start3A, %dma_start3A_20] : memref<250x40xi32, #tpu.memory_space<vmem>> -> memref<1x40xi32, #tpu.memory_space<vmem>>
      %dma_start3A_22 = tpu.memref_squeeze %dma_start3A_21 : memref<1x40xi32, #tpu.memory_space<vmem>> -> memref<40xi32, #tpu.memory_space<vmem>>
      %dma_start3A_23 = arith.constant 0 : i32
      %dma_start3A_24 = arith.constant 0 : i32
      %dma_start3A_25 = tpu.memref_slice %arg2[%dma_start3A_23, %dma_start3A_24] : memref<10240x128xf32, #tpu.memory_space<hbm>> -> memref<10240x128xf32, #tpu.memory_space<hbm>>
      tpu.enqueue_indirect_dma source(%dma_start3A_25 : memref<10240x128xf32, #tpu.memory_space<hbm>>) target(%arg9 : memref<40x128xf32, #tpu.memory_space<vmem>>) offsets(%dma_start3A_22 : memref<40xi32, #tpu.memory_space<vmem>>) semaphore(%arg14 : memref<!tpu.dma_semaphore, #tpu.memory_space<semaphore_mem>>)
      %dma_start3A_26 = arith.constant 1 : i32
      %dma_start3A_27 = arith.constant 0 : i32
      %dma_start3A_28 = tpu.memref_slice %arg6[%dma_start3A_26, %dma_start3A_27] : memref<250x40xi32, #tpu.memory_space<vmem>> -> memref<1x40xi32, #tpu.memory_space<vmem>>
      %dma_start3A_29 = tpu.memref_squeeze %dma_start3A_28 : memref<1x40xi32, #tpu.memory_space<vmem>> -> memref<40xi32, #tpu.memory_space<vmem>>
      %dma_start3A_30 = arith.constant 0 : i32
      %dma_start3A_31 = arith.constant 0 : i32
      %dma_start3A_32 = tpu.memref_slice %arg2[%dma_start3A_30, %dma_start3A_31] : memref<10240x128xf32, #tpu.memory_space<hbm>> -> memref<10240x128xf32, #tpu.memory_space<hbm>>
      tpu.enqueue_indirect_dma source(%dma_start3A_32 : memref<10240x128xf32, #tpu.memory_space<hbm>>) target(%arg10 : memref<40x128xf32, #tpu.memory_space<vmem>>) offsets(%dma_start3A_29 : memref<40xi32, #tpu.memory_space<vmem>>) semaphore(%arg15 : memref<!tpu.dma_semaphore, #tpu.memory_space<semaphore_mem>>)
      %dma_start3A_33 = arith.constant 2 : i32
      %dma_start3A_34 = arith.constant 0 : i32
      %dma_start3A_35 = tpu.memref_slice %arg6[%dma_start3A_33, %dma_start3A_34] : memref<250x40xi32, #tpu.memory_space<vmem>> -> memref<1x40xi32, #tpu.memory_space<vmem>>
      %dma_start3A_36 = tpu.memref_squeeze %dma_start3A_35 : memref<1x40xi32, #tpu.memory_space<vmem>> -> memref<40xi32, #tpu.memory_space<vmem>>
      %dma_start3A_37 = arith.constant 0 : i32
      %dma_start3A_38 = arith.constant 0 : i32
      %dma_start3A_39 = tpu.memref_slice %arg2[%dma_start3A_37, %dma_start3A_38] : memref<10240x128xf32, #tpu.memory_space<hbm>> -> memref<10240x128xf32, #tpu.memory_space<hbm>>
      tpu.enqueue_indirect_dma source(%dma_start3A_39 : memref<10240x128xf32, #tpu.memory_space<hbm>>) target(%arg11 : memref<40x128xf32, #tpu.memory_space<vmem>>) offsets(%dma_start3A_36 : memref<40xi32, #tpu.memory_space<vmem>>) semaphore(%arg16 : memref<!tpu.dma_semaphore, #tpu.memory_space<semaphore_mem>>)
      %dma_start3A_40 = arith.constant 3 : i32
      %dma_start3A_41 = arith.constant 0 : i32
      %dma_start3A_42 = tpu.memref_slice %arg6[%dma_start3A_40, %dma_start3A_41] : memref<250x40xi32, #tpu.memory_space<vmem>> -> memref<1x40xi32, #tpu.memory_space<vmem>>
      %dma_start3A_43 = tpu.memref_squeeze %dma_start3A_42 : memref<1x40xi32, #tpu.memory_space<vmem>> -> memref<40xi32, #tpu.memory_space<vmem>>
      %dma_start3A_44 = arith.constant 0 : i32
      %dma_start3A_45 = arith.constant 0 : i32
      %dma_start3A_46 = tpu.memref_slice %arg2[%dma_start3A_44, %dma_start3A_45] : memref<10240x128xf32, #tpu.memory_space<hbm>> -> memref<10240x128xf32, #tpu.memory_space<hbm>>
      tpu.enqueue_indirect_dma source(%dma_start3A_46 : memref<10240x128xf32, #tpu.memory_space<hbm>>) target(%arg12 : memref<40x128xf32, #tpu.memory_space<vmem>>) offsets(%dma_start3A_43 : memref<40xi32, #tpu.memory_space<vmem>>) semaphore(%arg17 : memref<!tpu.dma_semaphore, #tpu.memory_space<semaphore_mem>>)
      %dma_start3A_47 = arith.constant 4 : i32
      %dma_start3A_48 = arith.constant 0 : i32
      %dma_start3A_49 = tpu.memref_slice %arg6[%dma_start3A_47, %dma_start3A_48] : memref<250x40xi32, #tpu.memory_space<vmem>> -> memref<1x40xi32, #tpu.memory_space<vmem>>
      %dma_start3A_50 = tpu.memref_squeeze %dma_start3A_49 : memref<1x40xi32, #tpu.memory_space<vmem>> -> memref<40xi32, #tpu.memory_space<vmem>>
      %dma_start3A_51 = arith.constant 0 : i32
      %dma_start3A_52 = arith.constant 0 : i32
      %dma_start3A_53 = tpu.memref_slice %arg2[%dma_start3A_51, %dma_start3A_52] : memref<10240x128xf32, #tpu.memory_space<hbm>> -> memref<10240x128xf32, #tpu.memory_space<hbm>>
      tpu.enqueue_indirect_dma source(%dma_start3A_53 : memref<10240x128xf32, #tpu.memory_space<hbm>>) target(%arg13 : memref<40x128xf32, #tpu.memory_space<vmem>>) offsets(%dma_start3A_50 : memref<40xi32, #tpu.memory_space<vmem>>) semaphore(%arg18 : memref<!tpu.dma_semaphore, #tpu.memory_space<semaphore_mem>>)
      %scan3A_54 = arith.constant 0 : i32
      %scan3A_55 = arith.constant 49 : i32
      %scan3A_56 = arith.addi %scan3A_54, %scan3A_55 : i32
      %scan3A_57 = arith.constant 1 : i32
      scf.for %scan3A_163 = %scan3A_54 to %scan3A_56 step %scan3A_57  : i32 {
        %mul3A_164 = arith.constant 1 : i32
        %mul3A_165 = arith.muli %scan3A_163, %mul3A_164 : i32
        %add3A_166 = arith.constant 0 : i32
        %add3A_167 = arith.addi %add3A_166, %mul3A_165 : i32
        %mul3A_168 = arith.constant 5 : i32
        %mul3A_169 = arith.muli %add3A_167, %mul3A_168 : i32
        %add3A_170 = arith.constant 0 : i32
        %add3A_171 = arith.addi %mul3A_169, %add3A_170 : i32
        %dma_wait3A_172 = arith.constant 0 : i32
        %dma_wait3A_173 = tpu.memref_slice %arg6[%add3A_171, %dma_wait3A_172] : memref<250x40xi32, #tpu.memory_space<vmem>> -> memref<1x40xi32, #tpu.memory_space<vmem>>
        %dma_wait3A_174 = tpu.memref_squeeze %dma_wait3A_173 : memref<1x40xi32, #tpu.memory_space<vmem>> -> memref<40xi32, #tpu.memory_space<vmem>>
        %dma_wait3A_175 = arith.constant 0 : i32
        %dma_wait3A_176 = arith.constant 0 : i32
        %dma_wait3A_177 = tpu.memref_slice %arg2[%dma_wait3A_175, %dma_wait3A_176] : memref<10240x128xf32, #tpu.memory_space<hbm>> -> memref<10240x128xf32, #tpu.memory_space<hbm>>
        tpu.wait_indirect_dma semaphore(%arg14 : memref<!tpu.dma_semaphore, #tpu.memory_space<semaphore_mem>>) src(%dma_wait3A_177 : memref<10240x128xf32, #tpu.memory_space<hbm>>) dst(%arg9 : memref<40x128xf32, #tpu.memory_space<vmem>>)
        %add3A_178 = arith.constant 0 : i32
        %add3A_179 = arith.addi %mul3A_169, %add3A_178 : i32
        %dma_start3A_180 = arith.constant 0 : i32
        %dma_start3A_181 = tpu.memref_slice %arg7[%add3A_179, %dma_start3A_180] : memref<250x40xi32, #tpu.memory_space<vmem>> -> memref<1x40xi32, #tpu.memory_space<vmem>>
        %dma_start3A_182 = tpu.memref_squeeze %dma_start3A_181 : memref<1x40xi32, #tpu.memory_space<vmem>> -> memref<40xi32, #tpu.memory_space<vmem>>
        %dma_start3A_183 = arith.constant 0 : i32
        %dma_start3A_184 = arith.constant 0 : i32
        %dma_start3A_185 = tpu.memref_slice %arg8[%dma_start3A_183, %dma_start3A_184] : memref<10248x128xf32, #tpu.memory_space<vmem_shared>> -> memref<10248x128xf32, #tpu.memory_space<vmem_shared>>
        tpu.enqueue_indirect_dma source(%arg9 : memref<40x128xf32, #tpu.memory_space<vmem>>) target(%dma_start3A_185 : memref<10248x128xf32, #tpu.memory_space<vmem_shared>>) offsets(%dma_start3A_182 : memref<40xi32, #tpu.memory_space<vmem>>) semaphore(%arg19 : memref<!tpu.dma_semaphore, #tpu.memory_space<semaphore_mem>>) {add = true}
        %add3A_186 = arith.constant 0 : i32
        %add3A_187 = arith.addi %mul3A_169, %add3A_186 : i32
        %dma_wait3A_188 = arith.constant 0 : i32
        %dma_wait3A_189 = tpu.memref_slice %arg7[%add3A_187, %dma_wait3A_188] : memref<250x40xi32, #tpu.memory_space<vmem>> -> memref<1x40xi32, #tpu.memory_space<vmem>>
        %dma_wait3A_190 = tpu.memref_squeeze %dma_wait3A_189 : memref<1x40xi32, #tpu.memory_space<vmem>> -> memref<40xi32, #tpu.memory_space<vmem>>
        %dma_wait3A_191 = arith.constant 0 : i32
        %dma_wait3A_192 = arith.constant 0 : i32
        %dma_wait3A_193 = tpu.memref_slice %arg8[%dma_wait3A_191, %dma_wait3A_192] : memref<10248x128xf32, #tpu.memory_space<vmem_shared>> -> memref<10248x128xf32, #tpu.memory_space<vmem_shared>>
        tpu.wait_indirect_dma semaphore(%arg19 : memref<!tpu.dma_semaphore, #tpu.memory_space<semaphore_mem>>) src(%arg9 : memref<40x128xf32, #tpu.memory_space<vmem>>) dst(%dma_wait3A_193 : memref<10248x128xf32, #tpu.memory_space<vmem_shared>>)
        %add3A_194 = arith.constant 0 : i32
        %add3A_195 = arith.addi %mul3A_169, %add3A_194 : i32
        %add3A_196 = arith.constant 5 : i32
        %add3A_197 = arith.addi %add3A_195, %add3A_196 : i32
        %dma_start3A_198 = arith.constant 0 : i32
        %dma_start3A_199 = tpu.memref_slice %arg6[%add3A_197, %dma_start3A_198] : memref<250x40xi32, #tpu.memory_space<vmem>> -> memref<1x40xi32, #tpu.memory_space<vmem>>
        %dma_start3A_200 = tpu.memref_squeeze %dma_start3A_199 : memref<1x40xi32, #tpu.memory_space<vmem>> -> memref<40xi32, #tpu.memory_space<vmem>>
        %dma_start3A_201 = arith.constant 0 : i32
        %dma_start3A_202 = arith.constant 0 : i32
        %dma_start3A_203 = tpu.memref_slice %arg2[%dma_start3A_201, %dma_start3A_202] : memref<10240x128xf32, #tpu.memory_space<hbm>> -> memref<10240x128xf32, #tpu.memory_space<hbm>>
        tpu.enqueue_indirect_dma source(%dma_start3A_203 : memref<10240x128xf32, #tpu.memory_space<hbm>>) target(%arg9 : memref<40x128xf32, #tpu.memory_space<vmem>>) offsets(%dma_start3A_200 : memref<40xi32, #tpu.memory_space<vmem>>) semaphore(%arg14 : memref<!tpu.dma_semaphore, #tpu.memory_space<semaphore_mem>>)
        %add3A_204 = arith.constant 1 : i32
        %add3A_205 = arith.addi %mul3A_169, %add3A_204 : i32
        %dma_wait3A_206 = arith.constant 0 : i32
        %dma_wait3A_207 = tpu.memref_slice %arg6[%add3A_205, %dma_wait3A_206] : memref<250x40xi32, #tpu.memory_space<vmem>> -> memref<1x40xi32, #tpu.memory_space<vmem>>
        %dma_wait3A_208 = tpu.memref_squeeze %dma_wait3A_207 : memref<1x40xi32, #tpu.memory_space<vmem>> -> memref<40xi32, #tpu.memory_space<vmem>>
        %dma_wait3A_209 = arith.constant 0 : i32
        %dma_wait3A_210 = arith.constant 0 : i32
        %dma_wait3A_211 = tpu.memref_slice %arg2[%dma_wait3A_209, %dma_wait3A_210] : memref<10240x128xf32, #tpu.memory_space<hbm>> -> memref<10240x128xf32, #tpu.memory_space<hbm>>
        tpu.wait_indirect_dma semaphore(%arg15 : memref<!tpu.dma_semaphore, #tpu.memory_space<semaphore_mem>>) src(%dma_wait3A_211 : memref<10240x128xf32, #tpu.memory_space<hbm>>) dst(%arg10 : memref<40x128xf32, #tpu.memory_space<vmem>>)
        %add3A_212 = arith.constant 1 : i32
        %add3A_213 = arith.addi %mul3A_169, %add3A_212 : i32
        %dma_start3A_214 = arith.constant 0 : i32
        %dma_start3A_215 = tpu.memref_slice %arg7[%add3A_213, %dma_start3A_214] : memref<250x40xi32, #tpu.memory_space<vmem>> -> memref<1x40xi32, #tpu.memory_space<vmem>>
        %dma_start3A_216 = tpu.memref_squeeze %dma_start3A_215 : memref<1x40xi32, #tpu.memory_space<vmem>> -> memref<40xi32, #tpu.memory_space<vmem>>
        %dma_start3A_217 = arith.constant 0 : i32
        %dma_start3A_218 = arith.constant 0 : i32
        %dma_start3A_219 = tpu.memref_slice %arg8[%dma_start3A_217, %dma_start3A_218] : memref<10248x128xf32, #tpu.memory_space<vmem_shared>> -> memref<10248x128xf32, #tpu.memory_space<vmem_shared>>
        tpu.enqueue_indirect_dma source(%arg10 : memref<40x128xf32, #tpu.memory_space<vmem>>) target(%dma_start3A_219 : memref<10248x128xf32, #tpu.memory_space<vmem_shared>>) offsets(%dma_start3A_216 : memref<40xi32, #tpu.memory_space<vmem>>) semaphore(%arg20 : memref<!tpu.dma_semaphore, #tpu.memory_space<semaphore_mem>>) {add = true}
        %add3A_220 = arith.constant 1 : i32
        %add3A_221 = arith.addi %mul3A_169, %add3A_220 : i32
        %dma_wait3A_222 = arith.constant 0 : i32
        %dma_wait3A_223 = tpu.memref_slice %arg7[%add3A_221, %dma_wait3A_222] : memref<250x40xi32, #tpu.memory_space<vmem>> -> memref<1x40xi32, #tpu.memory_space<vmem>>
        %dma_wait3A_224 = tpu.memref_squeeze %dma_wait3A_223 : memref<1x40xi32, #tpu.memory_space<vmem>> -> memref<40xi32, #tpu.memory_space<vmem>>
        %dma_wait3A_225 = arith.constant 0 : i32
        %dma_wait3A_226 = arith.constant 0 : i32
        %dma_wait3A_227 = tpu.memref_slice %arg8[%dma_wait3A_225, %dma_wait3A_226] : memref<10248x128xf32, #tpu.memory_space<vmem_shared>> -> memref<10248x128xf32, #tpu.memory_space<vmem_shared>>
        tpu.wait_indirect_dma semaphore(%arg20 : memref<!tpu.dma_semaphore, #tpu.memory_space<semaphore_mem>>) src(%arg10 : memref<40x128xf32, #tpu.memory_space<vmem>>) dst(%dma_wait3A_227 : memref<10248x128xf32, #tpu.memory_space<vmem_shared>>)
        %add3A_228 = arith.constant 1 : i32
        %add3A_229 = arith.addi %mul3A_169, %add3A_228 : i32
        %add3A_230 = arith.constant 5 : i32
        %add3A_231 = arith.addi %add3A_229, %add3A_230 : i32
        %dma_start3A_232 = arith.constant 0 : i32
        %dma_start3A_233 = tpu.memref_slice %arg6[%add3A_231, %dma_start3A_232] : memref<250x40xi32, #tpu.memory_space<vmem>> -> memref<1x40xi32, #tpu.memory_space<vmem>>
        %dma_start3A_234 = tpu.memref_squeeze %dma_start3A_233 : memref<1x40xi32, #tpu.memory_space<vmem>> -> memref<40xi32, #tpu.memory_space<vmem>>
        %dma_start3A_235 = arith.constant 0 : i32
        %dma_start3A_236 = arith.constant 0 : i32
        %dma_start3A_237 = tpu.memref_slice %arg2[%dma_start3A_235, %dma_start3A_236] : memref<10240x128xf32, #tpu.memory_space<hbm>> -> memref<10240x128xf32, #tpu.memory_space<hbm>>
        tpu.enqueue_indirect_dma source(%dma_start3A_237 : memref<10240x128xf32, #tpu.memory_space<hbm>>) target(%arg10 : memref<40x128xf32, #tpu.memory_space<vmem>>) offsets(%dma_start3A_234 : memref<40xi32, #tpu.memory_space<vmem>>) semaphore(%arg15 : memref<!tpu.dma_semaphore, #tpu.memory_space<semaphore_mem>>)
        %add3A_238 = arith.constant 2 : i32
        %add3A_239 = arith.addi %mul3A_169, %add3A_238 : i32
        %dma_wait3A_240 = arith.constant 0 : i32
        %dma_wait3A_241 = tpu.memref_slice %arg6[%add3A_239, %dma_wait3A_240] : memref<250x40xi32, #tpu.memory_space<vmem>> -> memref<1x40xi32, #tpu.memory_space<vmem>>
        %dma_wait3A_242 = tpu.memref_squeeze %dma_wait3A_241 : memref<1x40xi32, #tpu.memory_space<vmem>> -> memref<40xi32, #tpu.memory_space<vmem>>
        %dma_wait3A_243 = arith.constant 0 : i32
        %dma_wait3A_244 = arith.constant 0 : i32
        %dma_wait3A_245 = tpu.memref_slice %arg2[%dma_wait3A_243, %dma_wait3A_244] : memref<10240x128xf32, #tpu.memory_space<hbm>> -> memref<10240x128xf32, #tpu.memory_space<hbm>>
        tpu.wait_indirect_dma semaphore(%arg16 : memref<!tpu.dma_semaphore, #tpu.memory_space<semaphore_mem>>) src(%dma_wait3A_245 : memref<10240x128xf32, #tpu.memory_space<hbm>>) dst(%arg11 : memref<40x128xf32, #tpu.memory_space<vmem>>)
        %add3A_246 = arith.constant 2 : i32
        %add3A_247 = arith.addi %mul3A_169, %add3A_246 : i32
        %dma_start3A_248 = arith.constant 0 : i32
        %dma_start3A_249 = tpu.memref_slice %arg7[%add3A_247, %dma_start3A_248] : memref<250x40xi32, #tpu.memory_space<vmem>> -> memref<1x40xi32, #tpu.memory_space<vmem>>
        %dma_start3A_250 = tpu.memref_squeeze %dma_start3A_249 : memref<1x40xi32, #tpu.memory_space<vmem>> -> memref<40xi32, #tpu.memory_space<vmem>>
        %dma_start3A_251 = arith.constant 0 : i32
        %dma_start3A_252 = arith.constant 0 : i32
        %dma_start3A_253 = tpu.memref_slice %arg8[%dma_start3A_251, %dma_start3A_252] : memref<10248x128xf32, #tpu.memory_space<vmem_shared>> -> memref<10248x128xf32, #tpu.memory_space<vmem_shared>>
        tpu.enqueue_indirect_dma source(%arg11 : memref<40x128xf32, #tpu.memory_space<vmem>>) target(%dma_start3A_253 : memref<10248x128xf32, #tpu.memory_space<vmem_shared>>) offsets(%dma_start3A_250 : memref<40xi32, #tpu.memory_space<vmem>>) semaphore(%arg21 : memref<!tpu.dma_semaphore, #tpu.memory_space<semaphore_mem>>) {add = true}
        %add3A_254 = arith.constant 2 : i32
        %add3A_255 = arith.addi %mul3A_169, %add3A_254 : i32
        %dma_wait3A_256 = arith.constant 0 : i32
        %dma_wait3A_257 = tpu.memref_slice %arg7[%add3A_255, %dma_wait3A_256] : memref<250x40xi32, #tpu.memory_space<vmem>> -> memref<1x40xi32, #tpu.memory_space<vmem>>
        %dma_wait3A_258 = tpu.memref_squeeze %dma_wait3A_257 : memref<1x40xi32, #tpu.memory_space<vmem>> -> memref<40xi32, #tpu.memory_space<vmem>>
        %dma_wait3A_259 = arith.constant 0 : i32
        %dma_wait3A_260 = arith.constant 0 : i32
        %dma_wait3A_261 = tpu.memref_slice %arg8[%dma_wait3A_259, %dma_wait3A_260] : memref<10248x128xf32, #tpu.memory_space<vmem_shared>> -> memref<10248x128xf32, #tpu.memory_space<vmem_shared>>
        tpu.wait_indirect_dma semaphore(%arg21 : memref<!tpu.dma_semaphore, #tpu.memory_space<semaphore_mem>>) src(%arg11 : memref<40x128xf32, #tpu.memory_space<vmem>>) dst(%dma_wait3A_261 : memref<10248x128xf32, #tpu.memory_space<vmem_shared>>)
        %add3A_262 = arith.constant 2 : i32
        %add3A_263 = arith.addi %mul3A_169, %add3A_262 : i32
        %add3A_264 = arith.constant 5 : i32
        %add3A_265 = arith.addi %add3A_263, %add3A_264 : i32
        %dma_start3A_266 = arith.constant 0 : i32
        %dma_start3A_267 = tpu.memref_slice %arg6[%add3A_265, %dma_start3A_266] : memref<250x40xi32, #tpu.memory_space<vmem>> -> memref<1x40xi32, #tpu.memory_space<vmem>>
        %dma_start3A_268 = tpu.memref_squeeze %dma_start3A_267 : memref<1x40xi32, #tpu.memory_space<vmem>> -> memref<40xi32, #tpu.memory_space<vmem>>
        %dma_start3A_269 = arith.constant 0 : i32
        %dma_start3A_270 = arith.constant 0 : i32
        %dma_start3A_271 = tpu.memref_slice %arg2[%dma_start3A_269, %dma_start3A_270] : memref<10240x128xf32, #tpu.memory_space<hbm>> -> memref<10240x128xf32, #tpu.memory_space<hbm>>
        tpu.enqueue_indirect_dma source(%dma_start3A_271 : memref<10240x128xf32, #tpu.memory_space<hbm>>) target(%arg11 : memref<40x128xf32, #tpu.memory_space<vmem>>) offsets(%dma_start3A_268 : memref<40xi32, #tpu.memory_space<vmem>>) semaphore(%arg16 : memref<!tpu.dma_semaphore, #tpu.memory_space<semaphore_mem>>)
        %add3A_272 = arith.constant 3 : i32
        %add3A_273 = arith.addi %mul3A_169, %add3A_272 : i32
        %dma_wait3A_274 = arith.constant 0 : i32
        %dma_wait3A_275 = tpu.memref_slice %arg6[%add3A_273, %dma_wait3A_274] : memref<250x40xi32, #tpu.memory_space<vmem>> -> memref<1x40xi32, #tpu.memory_space<vmem>>
        %dma_wait3A_276 = tpu.memref_squeeze %dma_wait3A_275 : memref<1x40xi32, #tpu.memory_space<vmem>> -> memref<40xi32, #tpu.memory_space<vmem>>
        %dma_wait3A_277 = arith.constant 0 : i32
        %dma_wait3A_278 = arith.constant 0 : i32
        %dma_wait3A_279 = tpu.memref_slice %arg2[%dma_wait3A_277, %dma_wait3A_278] : memref<10240x128xf32, #tpu.memory_space<hbm>> -> memref<10240x128xf32, #tpu.memory_space<hbm>>
        tpu.wait_indirect_dma semaphore(%arg17 : memref<!tpu.dma_semaphore, #tpu.memory_space<semaphore_mem>>) src(%dma_wait3A_279 : memref<10240x128xf32, #tpu.memory_space<hbm>>) dst(%arg12 : memref<40x128xf32, #tpu.memory_space<vmem>>)
        %add3A_280 = arith.constant 3 : i32
        %add3A_281 = arith.addi %mul3A_169, %add3A_280 : i32
        %dma_start3A_282 = arith.constant 0 : i32
        %dma_start3A_283 = tpu.memref_slice %arg7[%add3A_281, %dma_start3A_282] : memref<250x40xi32, #tpu.memory_space<vmem>> -> memref<1x40xi32, #tpu.memory_space<vmem>>
        %dma_start3A_284 = tpu.memref_squeeze %dma_start3A_283 : memref<1x40xi32, #tpu.memory_space<vmem>> -> memref<40xi32, #tpu.memory_space<vmem>>
        %dma_start3A_285 = arith.constant 0 : i32
        %dma_start3A_286 = arith.constant 0 : i32
        %dma_start3A_287 = tpu.memref_slice %arg8[%dma_start3A_285, %dma_start3A_286] : memref<10248x128xf32, #tpu.memory_space<vmem_shared>> -> memref<10248x128xf32, #tpu.memory_space<vmem_shared>>
        tpu.enqueue_indirect_dma source(%arg12 : memref<40x128xf32, #tpu.memory_space<vmem>>) target(%dma_start3A_287 : memref<10248x128xf32, #tpu.memory_space<vmem_shared>>) offsets(%dma_start3A_284 : memref<40xi32, #tpu.memory_space<vmem>>) semaphore(%arg22 : memref<!tpu.dma_semaphore, #tpu.memory_space<semaphore_mem>>) {add = true}
        %add3A_288 = arith.constant 3 : i32
        %add3A_289 = arith.addi %mul3A_169, %add3A_288 : i32
        %dma_wait3A_290 = arith.constant 0 : i32
        %dma_wait3A_291 = tpu.memref_slice %arg7[%add3A_289, %dma_wait3A_290] : memref<250x40xi32, #tpu.memory_space<vmem>> -> memref<1x40xi32, #tpu.memory_space<vmem>>
        %dma_wait3A_292 = tpu.memref_squeeze %dma_wait3A_291 : memref<1x40xi32, #tpu.memory_space<vmem>> -> memref<40xi32, #tpu.memory_space<vmem>>
        %dma_wait3A_293 = arith.constant 0 : i32
        %dma_wait3A_294 = arith.constant 0 : i32
        %dma_wait3A_295 = tpu.memref_slice %arg8[%dma_wait3A_293, %dma_wait3A_294] : memref<10248x128xf32, #tpu.memory_space<vmem_shared>> -> memref<10248x128xf32, #tpu.memory_space<vmem_shared>>
        tpu.wait_indirect_dma semaphore(%arg22 : memref<!tpu.dma_semaphore, #tpu.memory_space<semaphore_mem>>) src(%arg12 : memref<40x128xf32, #tpu.memory_space<vmem>>) dst(%dma_wait3A_295 : memref<10248x128xf32, #tpu.memory_space<vmem_shared>>)
        %add3A_296 = arith.constant 3 : i32
        %add3A_297 = arith.addi %mul3A_169, %add3A_296 : i32
        %add3A_298 = arith.constant 5 : i32
        %add3A_299 = arith.addi %add3A_297, %add3A_298 : i32
        %dma_start3A_300 = arith.constant 0 : i32
        %dma_start3A_301 = tpu.memref_slice %arg6[%add3A_299, %dma_start3A_300] : memref<250x40xi32, #tpu.memory_space<vmem>> -> memref<1x40xi32, #tpu.memory_space<vmem>>
        %dma_start3A_302 = tpu.memref_squeeze %dma_start3A_301 : memref<1x40xi32, #tpu.memory_space<vmem>> -> memref<40xi32, #tpu.memory_space<vmem>>
        %dma_start3A_303 = arith.constant 0 : i32
        %dma_start3A_304 = arith.constant 0 : i32
        %dma_start3A_305 = tpu.memref_slice %arg2[%dma_start3A_303, %dma_start3A_304] : memref<10240x128xf32, #tpu.memory_space<hbm>> -> memref<10240x128xf32, #tpu.memory_space<hbm>>
        tpu.enqueue_indirect_dma source(%dma_start3A_305 : memref<10240x128xf32, #tpu.memory_space<hbm>>) target(%arg12 : memref<40x128xf32, #tpu.memory_space<vmem>>) offsets(%dma_start3A_302 : memref<40xi32, #tpu.memory_space<vmem>>) semaphore(%arg17 : memref<!tpu.dma_semaphore, #tpu.memory_space<semaphore_mem>>)
        %add3A_306 = arith.constant 4 : i32
        %add3A_307 = arith.addi %mul3A_169, %add3A_306 : i32
        %dma_wait3A_308 = arith.constant 0 : i32
        %dma_wait3A_309 = tpu.memref_slice %arg6[%add3A_307, %dma_wait3A_308] : memref<250x40xi32, #tpu.memory_space<vmem>> -> memref<1x40xi32, #tpu.memory_space<vmem>>
        %dma_wait3A_310 = tpu.memref_squeeze %dma_wait3A_309 : memref<1x40xi32, #tpu.memory_space<vmem>> -> memref<40xi32, #tpu.memory_space<vmem>>
        %dma_wait3A_311 = arith.constant 0 : i32
        %dma_wait3A_312 = arith.constant 0 : i32
        %dma_wait3A_313 = tpu.memref_slice %arg2[%dma_wait3A_311, %dma_wait3A_312] : memref<10240x128xf32, #tpu.memory_space<hbm>> -> memref<10240x128xf32, #tpu.memory_space<hbm>>
        tpu.wait_indirect_dma semaphore(%arg18 : memref<!tpu.dma_semaphore, #tpu.memory_space<semaphore_mem>>) src(%dma_wait3A_313 : memref<10240x128xf32, #tpu.memory_space<hbm>>) dst(%arg13 : memref<40x128xf32, #tpu.memory_space<vmem>>)
        %add3A_314 = arith.constant 4 : i32
        %add3A_315 = arith.addi %mul3A_169, %add3A_314 : i32
        %dma_start3A_316 = arith.constant 0 : i32
        %dma_start3A_317 = tpu.memref_slice %arg7[%add3A_315, %dma_start3A_316] : memref<250x40xi32, #tpu.memory_space<vmem>> -> memref<1x40xi32, #tpu.memory_space<vmem>>
        %dma_start3A_318 = tpu.memref_squeeze %dma_start3A_317 : memref<1x40xi32, #tpu.memory_space<vmem>> -> memref<40xi32, #tpu.memory_space<vmem>>
        %dma_start3A_319 = arith.constant 0 : i32
        %dma_start3A_320 = arith.constant 0 : i32
        %dma_start3A_321 = tpu.memref_slice %arg8[%dma_start3A_319, %dma_start3A_320] : memref<10248x128xf32, #tpu.memory_space<vmem_shared>> -> memref<10248x128xf32, #tpu.memory_space<vmem_shared>>
        tpu.enqueue_indirect_dma source(%arg13 : memref<40x128xf32, #tpu.memory_space<vmem>>) target(%dma_start3A_321 : memref<10248x128xf32, #tpu.memory_space<vmem_shared>>) offsets(%dma_start3A_318 : memref<40xi32, #tpu.memory_space<vmem>>) semaphore(%arg23 : memref<!tpu.dma_semaphore, #tpu.memory_space<semaphore_mem>>) {add = true}
        %add3A_322 = arith.constant 4 : i32
        %add3A_323 = arith.addi %mul3A_169, %add3A_322 : i32
        %dma_wait3A_324 = arith.constant 0 : i32
        %dma_wait3A_325 = tpu.memref_slice %arg7[%add3A_323, %dma_wait3A_324] : memref<250x40xi32, #tpu.memory_space<vmem>> -> memref<1x40xi32, #tpu.memory_space<vmem>>
        %dma_wait3A_326 = tpu.memref_squeeze %dma_wait3A_325 : memref<1x40xi32, #tpu.memory_space<vmem>> -> memref<40xi32, #tpu.memory_space<vmem>>
        %dma_wait3A_327 = arith.constant 0 : i32
        %dma_wait3A_328 = arith.constant 0 : i32
        %dma_wait3A_329 = tpu.memref_slice %arg8[%dma_wait3A_327, %dma_wait3A_328] : memref<10248x128xf32, #tpu.memory_space<vmem_shared>> -> memref<10248x128xf32, #tpu.memory_space<vmem_shared>>
        tpu.wait_indirect_dma semaphore(%arg23 : memref<!tpu.dma_semaphore, #tpu.memory_space<semaphore_mem>>) src(%arg13 : memref<40x128xf32, #tpu.memory_space<vmem>>) dst(%dma_wait3A_329 : memref<10248x128xf32, #tpu.memory_space<vmem_shared>>)
        %add3A_330 = arith.constant 4 : i32
        %add3A_331 = arith.addi %mul3A_169, %add3A_330 : i32
        %add3A_332 = arith.constant 5 : i32
        %add3A_333 = arith.addi %add3A_331, %add3A_332 : i32
        %dma_start3A_334 = arith.constant 0 : i32
        %dma_start3A_335 = tpu.memref_slice %arg6[%add3A_333, %dma_start3A_334] : memref<250x40xi32, #tpu.memory_space<vmem>> -> memref<1x40xi32, #tpu.memory_space<vmem>>
        %dma_start3A_336 = tpu.memref_squeeze %dma_start3A_335 : memref<1x40xi32, #tpu.memory_space<vmem>> -> memref<40xi32, #tpu.memory_space<vmem>>
        %dma_start3A_337 = arith.constant 0 : i32
        %dma_start3A_338 = arith.constant 0 : i32
        %dma_start3A_339 = tpu.memref_slice %arg2[%dma_start3A_337, %dma_start3A_338] : memref<10240x128xf32, #tpu.memory_space<hbm>> -> memref<10240x128xf32, #tpu.memory_space<hbm>>
        tpu.enqueue_indirect_dma source(%dma_start3A_339 : memref<10240x128xf32, #tpu.memory_space<hbm>>) target(%arg13 : memref<40x128xf32, #tpu.memory_space<vmem>>) offsets(%dma_start3A_336 : memref<40xi32, #tpu.memory_space<vmem>>) semaphore(%arg18 : memref<!tpu.dma_semaphore, #tpu.memory_space<semaphore_mem>>)
      }
      %scan3A_58 = arith.constant 49 : i32
      %dma_wait3A = arith.constant 245 : i32
      %dma_wait3A_59 = arith.constant 0 : i32
      %dma_wait3A_60 = tpu.memref_slice %arg6[%dma_wait3A, %dma_wait3A_59] : memref<250x40xi32, #tpu.memory_space<vmem>> -> memref<1x40xi32, #tpu.memory_space<vmem>>
      %dma_wait3A_61 = tpu.memref_squeeze %dma_wait3A_60 : memref<1x40xi32, #tpu.memory_space<vmem>> -> memref<40xi32, #tpu.memory_space<vmem>>
      %dma_wait3A_62 = arith.constant 0 : i32
      %dma_wait3A_63 = arith.constant 0 : i32
      %dma_wait3A_64 = tpu.memref_slice %arg2[%dma_wait3A_62, %dma_wait3A_63] : memref<10240x128xf32, #tpu.memory_space<hbm>> -> memref<10240x128xf32, #tpu.memory_space<hbm>>
      tpu.wait_indirect_dma semaphore(%arg14 : memref<!tpu.dma_semaphore, #tpu.memory_space<semaphore_mem>>) src(%dma_wait3A_64 : memref<10240x128xf32, #tpu.memory_space<hbm>>) dst(%arg9 : memref<40x128xf32, #tpu.memory_space<vmem>>)
      %dma_start3A_65 = arith.constant 245 : i32
      %dma_start3A_66 = arith.constant 0 : i32
      %dma_start3A_67 = tpu.memref_slice %arg7[%dma_start3A_65, %dma_start3A_66] : memref<250x40xi32, #tpu.memory_space<vmem>> -> memref<1x40xi32, #tpu.memory_space<vmem>>
      %dma_start3A_68 = tpu.memref_squeeze %dma_start3A_67 : memref<1x40xi32, #tpu.memory_space<vmem>> -> memref<40xi32, #tpu.memory_space<vmem>>
      %dma_start3A_69 = arith.constant 0 : i32
      %dma_start3A_70 = arith.constant 0 : i32
      %dma_start3A_71 = tpu.memref_slice %arg8[%dma_start3A_69, %dma_start3A_70] : memref<10248x128xf32, #tpu.memory_space<vmem_shared>> -> memref<10248x128xf32, #tpu.memory_space<vmem_shared>>
      tpu.enqueue_indirect_dma source(%arg9 : memref<40x128xf32, #tpu.memory_space<vmem>>) target(%dma_start3A_71 : memref<10248x128xf32, #tpu.memory_space<vmem_shared>>) offsets(%dma_start3A_68 : memref<40xi32, #tpu.memory_space<vmem>>) semaphore(%arg19 : memref<!tpu.dma_semaphore, #tpu.memory_space<semaphore_mem>>) {add = true}
      %dma_wait3A_72 = arith.constant 246 : i32
      %dma_wait3A_73 = arith.constant 0 : i32
      %dma_wait3A_74 = tpu.memref_slice %arg6[%dma_wait3A_72, %dma_wait3A_73] : memref<250x40xi32, #tpu.memory_space<vmem>> -> memref<1x40xi32, #tpu.memory_space<vmem>>
      %dma_wait3A_75 = tpu.memref_squeeze %dma_wait3A_74 : memref<1x40xi32, #tpu.memory_space<vmem>> -> memref<40xi32, #tpu.memory_space<vmem>>
      %dma_wait3A_76 = arith.constant 0 : i32
      %dma_wait3A_77 = arith.constant 0 : i32
      %dma_wait3A_78 = tpu.memref_slice %arg2[%dma_wait3A_76, %dma_wait3A_77] : memref<10240x128xf32, #tpu.memory_space<hbm>> -> memref<10240x128xf32, #tpu.memory_space<hbm>>
      tpu.wait_indirect_dma semaphore(%arg15 : memref<!tpu.dma_semaphore, #tpu.memory_space<semaphore_mem>>) src(%dma_wait3A_78 : memref<10240x128xf32, #tpu.memory_space<hbm>>) dst(%arg10 : memref<40x128xf32, #tpu.memory_space<vmem>>)
      %dma_start3A_79 = arith.constant 246 : i32
      %dma_start3A_80 = arith.constant 0 : i32
      %dma_start3A_81 = tpu.memref_slice %arg7[%dma_start3A_79, %dma_start3A_80] : memref<250x40xi32, #tpu.memory_space<vmem>> -> memref<1x40xi32, #tpu.memory_space<vmem>>
      %dma_start3A_82 = tpu.memref_squeeze %dma_start3A_81 : memref<1x40xi32, #tpu.memory_space<vmem>> -> memref<40xi32, #tpu.memory_space<vmem>>
      %dma_start3A_83 = arith.constant 0 : i32
      %dma_start3A_84 = arith.constant 0 : i32
      %dma_start3A_85 = tpu.memref_slice %arg8[%dma_start3A_83, %dma_start3A_84] : memref<10248x128xf32, #tpu.memory_space<vmem_shared>> -> memref<10248x128xf32, #tpu.memory_space<vmem_shared>>
      tpu.enqueue_indirect_dma source(%arg10 : memref<40x128xf32, #tpu.memory_space<vmem>>) target(%dma_start3A_85 : memref<10248x128xf32, #tpu.memory_space<vmem_shared>>) offsets(%dma_start3A_82 : memref<40xi32, #tpu.memory_space<vmem>>) semaphore(%arg20 : memref<!tpu.dma_semaphore, #tpu.memory_space<semaphore_mem>>) {add = true}
      %dma_wait3A_86 = arith.constant 247 : i32
      %dma_wait3A_87 = arith.constant 0 : i32
      %dma_wait3A_88 = tpu.memref_slice %arg6[%dma_wait3A_86, %dma_wait3A_87] : memref<250x40xi32, #tpu.memory_space<vmem>> -> memref<1x40xi32, #tpu.memory_space<vmem>>
      %dma_wait3A_89 = tpu.memref_squeeze %dma_wait3A_88 : memref<1x40xi32, #tpu.memory_space<vmem>> -> memref<40xi32, #tpu.memory_space<vmem>>
      %dma_wait3A_90 = arith.constant 0 : i32
      %dma_wait3A_91 = arith.constant 0 : i32
      %dma_wait3A_92 = tpu.memref_slice %arg2[%dma_wait3A_90, %dma_wait3A_91] : memref<10240x128xf32, #tpu.memory_space<hbm>> -> memref<10240x128xf32, #tpu.memory_space<hbm>>
      tpu.wait_indirect_dma semaphore(%arg16 : memref<!tpu.dma_semaphore, #tpu.memory_space<semaphore_mem>>) src(%dma_wait3A_92 : memref<10240x128xf32, #tpu.memory_space<hbm>>) dst(%arg11 : memref<40x128xf32, #tpu.memory_space<vmem>>)
      %dma_start3A_93 = arith.constant 247 : i32
      %dma_start3A_94 = arith.constant 0 : i32
      %dma_start3A_95 = tpu.memref_slice %arg7[%dma_start3A_93, %dma_start3A_94] : memref<250x40xi32, #tpu.memory_space<vmem>> -> memref<1x40xi32, #tpu.memory_space<vmem>>
      %dma_start3A_96 = tpu.memref_squeeze %dma_start3A_95 : memref<1x40xi32, #tpu.memory_space<vmem>> -> memref<40xi32, #tpu.memory_space<vmem>>
      %dma_start3A_97 = arith.constant 0 : i32
      %dma_start3A_98 = arith.constant 0 : i32
      %dma_start3A_99 = tpu.memref_slice %arg8[%dma_start3A_97, %dma_start3A_98] : memref<10248x128xf32, #tpu.memory_space<vmem_shared>> -> memref<10248x128xf32, #tpu.memory_space<vmem_shared>>
      tpu.enqueue_indirect_dma source(%arg11 : memref<40x128xf32, #tpu.memory_space<vmem>>) target(%dma_start3A_99 : memref<10248x128xf32, #tpu.memory_space<vmem_shared>>) offsets(%dma_start3A_96 : memref<40xi32, #tpu.memory_space<vmem>>) semaphore(%arg21 : memref<!tpu.dma_semaphore, #tpu.memory_space<semaphore_mem>>) {add = true}
      %dma_wait3A_100 = arith.constant 248 : i32
      %dma_wait3A_101 = arith.constant 0 : i32
      %dma_wait3A_102 = tpu.memref_slice %arg6[%dma_wait3A_100, %dma_wait3A_101] : memref<250x40xi32, #tpu.memory_space<vmem>> -> memref<1x40xi32, #tpu.memory_space<vmem>>
      %dma_wait3A_103 = tpu.memref_squeeze %dma_wait3A_102 : memref<1x40xi32, #tpu.memory_space<vmem>> -> memref<40xi32, #tpu.memory_space<vmem>>
      %dma_wait3A_104 = arith.constant 0 : i32
      %dma_wait3A_105 = arith.constant 0 : i32
      %dma_wait3A_106 = tpu.memref_slice %arg2[%dma_wait3A_104, %dma_wait3A_105] : memref<10240x128xf32, #tpu.memory_space<hbm>> -> memref<10240x128xf32, #tpu.memory_space<hbm>>
      tpu.wait_indirect_dma semaphore(%arg17 : memref<!tpu.dma_semaphore, #tpu.memory_space<semaphore_mem>>) src(%dma_wait3A_106 : memref<10240x128xf32, #tpu.memory_space<hbm>>) dst(%arg12 : memref<40x128xf32, #tpu.memory_space<vmem>>)
      %dma_start3A_107 = arith.constant 248 : i32
      %dma_start3A_108 = arith.constant 0 : i32
      %dma_start3A_109 = tpu.memref_slice %arg7[%dma_start3A_107, %dma_start3A_108] : memref<250x40xi32, #tpu.memory_space<vmem>> -> memref<1x40xi32, #tpu.memory_space<vmem>>
      %dma_start3A_110 = tpu.memref_squeeze %dma_start3A_109 : memref<1x40xi32, #tpu.memory_space<vmem>> -> memref<40xi32, #tpu.memory_space<vmem>>
      %dma_start3A_111 = arith.constant 0 : i32
      %dma_start3A_112 = arith.constant 0 : i32
      %dma_start3A_113 = tpu.memref_slice %arg8[%dma_start3A_111, %dma_start3A_112] : memref<10248x128xf32, #tpu.memory_space<vmem_shared>> -> memref<10248x128xf32, #tpu.memory_space<vmem_shared>>
      tpu.enqueue_indirect_dma source(%arg12 : memref<40x128xf32, #tpu.memory_space<vmem>>) target(%dma_start3A_113 : memref<10248x128xf32, #tpu.memory_space<vmem_shared>>) offsets(%dma_start3A_110 : memref<40xi32, #tpu.memory_space<vmem>>) semaphore(%arg22 : memref<!tpu.dma_semaphore, #tpu.memory_space<semaphore_mem>>) {add = true}
      %dma_wait3A_114 = arith.constant 249 : i32
      %dma_wait3A_115 = arith.constant 0 : i32
      %dma_wait3A_116 = tpu.memref_slice %arg6[%dma_wait3A_114, %dma_wait3A_115] : memref<250x40xi32, #tpu.memory_space<vmem>> -> memref<1x40xi32, #tpu.memory_space<vmem>>
      %dma_wait3A_117 = tpu.memref_squeeze %dma_wait3A_116 : memref<1x40xi32, #tpu.memory_space<vmem>> -> memref<40xi32, #tpu.memory_space<vmem>>
      %dma_wait3A_118 = arith.constant 0 : i32
      %dma_wait3A_119 = arith.constant 0 : i32
      %dma_wait3A_120 = tpu.memref_slice %arg2[%dma_wait3A_118, %dma_wait3A_119] : memref<10240x128xf32, #tpu.memory_space<hbm>> -> memref<10240x128xf32, #tpu.memory_space<hbm>>
      tpu.wait_indirect_dma semaphore(%arg18 : memref<!tpu.dma_semaphore, #tpu.memory_space<semaphore_mem>>) src(%dma_wait3A_120 : memref<10240x128xf32, #tpu.memory_space<hbm>>) dst(%arg13 : memref<40x128xf32, #tpu.memory_space<vmem>>)
      %dma_start3A_121 = arith.constant 249 : i32
      %dma_start3A_122 = arith.constant 0 : i32
      %dma_start3A_123 = tpu.memref_slice %arg7[%dma_start3A_121, %dma_start3A_122] : memref<250x40xi32, #tpu.memory_space<vmem>> -> memref<1x40xi32, #tpu.memory_space<vmem>>
      %dma_start3A_124 = tpu.memref_squeeze %dma_start3A_123 : memref<1x40xi32, #tpu.memory_space<vmem>> -> memref<40xi32, #tpu.memory_space<vmem>>
      %dma_start3A_125 = arith.constant 0 : i32
      %dma_start3A_126 = arith.constant 0 : i32
      %dma_start3A_127 = tpu.memref_slice %arg8[%dma_start3A_125, %dma_start3A_126] : memref<10248x128xf32, #tpu.memory_space<vmem_shared>> -> memref<10248x128xf32, #tpu.memory_space<vmem_shared>>
      tpu.enqueue_indirect_dma source(%arg13 : memref<40x128xf32, #tpu.memory_space<vmem>>) target(%dma_start3A_127 : memref<10248x128xf32, #tpu.memory_space<vmem_shared>>) offsets(%dma_start3A_124 : memref<40xi32, #tpu.memory_space<vmem>>) semaphore(%arg23 : memref<!tpu.dma_semaphore, #tpu.memory_space<semaphore_mem>>) {add = true}
      %dma_wait3A_128 = arith.constant 245 : i32
      %dma_wait3A_129 = arith.constant 0 : i32
      %dma_wait3A_130 = tpu.memref_slice %arg7[%dma_wait3A_128, %dma_wait3A_129] : memref<250x40xi32, #tpu.memory_space<vmem>> -> memref<1x40xi32, #tpu.memory_space<vmem>>
      %dma_wait3A_131 = tpu.memref_squeeze %dma_wait3A_130 : memref<1x40xi32, #tpu.memory_space<vmem>> -> memref<40xi32, #tpu.memory_space<vmem>>
      %dma_wait3A_132 = arith.constant 0 : i32
      %dma_wait3A_133 = arith.constant 0 : i32
      %dma_wait3A_134 = tpu.memref_slice %arg8[%dma_wait3A_132, %dma_wait3A_133] : memref<10248x128xf32, #tpu.memory_space<vmem_shared>> -> memref<10248x128xf32, #tpu.memory_space<vmem_shared>>
      tpu.wait_indirect_dma semaphore(%arg19 : memref<!tpu.dma_semaphore, #tpu.memory_space<semaphore_mem>>) src(%arg9 : memref<40x128xf32, #tpu.memory_space<vmem>>) dst(%dma_wait3A_134 : memref<10248x128xf32, #tpu.memory_space<vmem_shared>>)
      %dma_wait3A_135 = arith.constant 246 : i32
      %dma_wait3A_136 = arith.constant 0 : i32
      %dma_wait3A_137 = tpu.memref_slice %arg7[%dma_wait3A_135, %dma_wait3A_136] : memref<250x40xi32, #tpu.memory_space<vmem>> -> memref<1x40xi32, #tpu.memory_space<vmem>>
      %dma_wait3A_138 = tpu.memref_squeeze %dma_wait3A_137 : memref<1x40xi32, #tpu.memory_space<vmem>> -> memref<40xi32, #tpu.memory_space<vmem>>
      %dma_wait3A_139 = arith.constant 0 : i32
      %dma_wait3A_140 = arith.constant 0 : i32
      %dma_wait3A_141 = tpu.memref_slice %arg8[%dma_wait3A_139, %dma_wait3A_140] : memref<10248x128xf32, #tpu.memory_space<vmem_shared>> -> memref<10248x128xf32, #tpu.memory_space<vmem_shared>>
      tpu.wait_indirect_dma semaphore(%arg20 : memref<!tpu.dma_semaphore, #tpu.memory_space<semaphore_mem>>) src(%arg10 : memref<40x128xf32, #tpu.memory_space<vmem>>) dst(%dma_wait3A_141 : memref<10248x128xf32, #tpu.memory_space<vmem_shared>>)
      %dma_wait3A_142 = arith.constant 247 : i32
      %dma_wait3A_143 = arith.constant 0 : i32
      %dma_wait3A_144 = tpu.memref_slice %arg7[%dma_wait3A_142, %dma_wait3A_143] : memref<250x40xi32, #tpu.memory_space<vmem>> -> memref<1x40xi32, #tpu.memory_space<vmem>>
      %dma_wait3A_145 = tpu.memref_squeeze %dma_wait3A_144 : memref<1x40xi32, #tpu.memory_space<vmem>> -> memref<40xi32, #tpu.memory_space<vmem>>
      %dma_wait3A_146 = arith.constant 0 : i32
      %dma_wait3A_147 = arith.constant 0 : i32
      %dma_wait3A_148 = tpu.memref_slice %arg8[%dma_wait3A_146, %dma_wait3A_147] : memref<10248x128xf32, #tpu.memory_space<vmem_shared>> -> memref<10248x128xf32, #tpu.memory_space<vmem_shared>>
      tpu.wait_indirect_dma semaphore(%arg21 : memref<!tpu.dma_semaphore, #tpu.memory_space<semaphore_mem>>) src(%arg11 : memref<40x128xf32, #tpu.memory_space<vmem>>) dst(%dma_wait3A_148 : memref<10248x128xf32, #tpu.memory_space<vmem_shared>>)
      %dma_wait3A_149 = arith.constant 248 : i32
      %dma_wait3A_150 = arith.constant 0 : i32
      %dma_wait3A_151 = tpu.memref_slice %arg7[%dma_wait3A_149, %dma_wait3A_150] : memref<250x40xi32, #tpu.memory_space<vmem>> -> memref<1x40xi32, #tpu.memory_space<vmem>>
      %dma_wait3A_152 = tpu.memref_squeeze %dma_wait3A_151 : memref<1x40xi32, #tpu.memory_space<vmem>> -> memref<40xi32, #tpu.memory_space<vmem>>
      %dma_wait3A_153 = arith.constant 0 : i32
      %dma_wait3A_154 = arith.constant 0 : i32
      %dma_wait3A_155 = tpu.memref_slice %arg8[%dma_wait3A_153, %dma_wait3A_154] : memref<10248x128xf32, #tpu.memory_space<vmem_shared>> -> memref<10248x128xf32, #tpu.memory_space<vmem_shared>>
      tpu.wait_indirect_dma semaphore(%arg22 : memref<!tpu.dma_semaphore, #tpu.memory_space<semaphore_mem>>) src(%arg12 : memref<40x128xf32, #tpu.memory_space<vmem>>) dst(%dma_wait3A_155 : memref<10248x128xf32, #tpu.memory_space<vmem_shared>>)
      %dma_wait3A_156 = arith.constant 249 : i32
      %dma_wait3A_157 = arith.constant 0 : i32
      %dma_wait3A_158 = tpu.memref_slice %arg7[%dma_wait3A_156, %dma_wait3A_157] : memref<250x40xi32, #tpu.memory_space<vmem>> -> memref<1x40xi32, #tpu.memory_space<vmem>>
      %dma_wait3A_159 = tpu.memref_squeeze %dma_wait3A_158 : memref<1x40xi32, #tpu.memory_space<vmem>> -> memref<40xi32, #tpu.memory_space<vmem>>
      %dma_wait3A_160 = arith.constant 0 : i32
      %dma_wait3A_161 = arith.constant 0 : i32
      %dma_wait3A_162 = tpu.memref_slice %arg8[%dma_wait3A_160, %dma_wait3A_161] : memref<10248x128xf32, #tpu.memory_space<vmem_shared>> -> memref<10248x128xf32, #tpu.memory_space<vmem_shared>>
      tpu.wait_indirect_dma semaphore(%arg23 : memref<!tpu.dma_semaphore, #tpu.memory_space<semaphore_mem>>) src(%arg13 : memref<40x128xf32, #tpu.memory_space<vmem>>) dst(%dma_wait3A_162 : memref<10248x128xf32, #tpu.memory_space<vmem_shared>>)
    }
    %scan3A_6 = arith.constant 2 : i32
    %barrier3A_7 = arith.constant 0 : index
    tpu.barrier barrier_id(%barrier3A_7)
    %mul3A_8 = arith.constant 640 : i32
    %mul3A_9 = arith.muli %arg1, %mul3A_8 : i32
    %mul3A_10 = arith.constant 640 : i32
    %mul3A_11 = arith.muli %arg1, %mul3A_10 : i32
    "tpu.region"() ({
      %run_scoped3A = tpu.sem_alloc : memref<!tpu.dma_semaphore, #tpu.memory_space<semaphore_mem>>
      %dma_start3A = arith.constant 0 : i32
      %dma_start3A_12 = arith.constant 0 : i32
      %dma_start3A_13 = tpu.memref_slice %arg5[%arg0, %dma_start3A, %dma_start3A_12] : memref<2x10240x128xf32, #tpu.memory_space<hbm>> -> memref<1x10240x128xf32, #tpu.memory_space<hbm>>
      %dma_start3A_14 = tpu.memref_squeeze %dma_start3A_13 : memref<1x10240x128xf32, #tpu.memory_space<hbm>> -> memref<10240x128xf32, #tpu.memory_space<hbm>>
      %dma_start3A_15 = arith.constant 0 : i32
      %dma_start3A_16 = tpu.memref_slice %dma_start3A_14[%mul3A_11, %dma_start3A_15] : memref<10240x128xf32, #tpu.memory_space<hbm>> -> memref<640x128xf32, #tpu.memory_space<hbm>>
      %dma_start3A_17 = arith.constant 0 : i32
      %dma_start3A_18 = tpu.memref_slice %arg8[%mul3A_9, %dma_start3A_17] : memref<10248x128xf32, #tpu.memory_space<vmem_shared>> -> memref<640x128xf32, #tpu.memory_space<vmem_shared>>
      tpu.enqueue_dma source(%dma_start3A_18 : memref<640x128xf32, #tpu.memory_space<vmem_shared>>) target(%dma_start3A_16 : memref<640x128xf32, #tpu.memory_space<hbm>>) target_semaphore(%run_scoped3A : memref<!tpu.dma_semaphore, #tpu.memory_space<semaphore_mem>>)
      %dma_wait3A = arith.constant 0 : i32
      %dma_wait3A_19 = arith.constant 0 : i32
      %dma_wait3A_20 = tpu.memref_slice %arg5[%arg0, %dma_wait3A, %dma_wait3A_19] : memref<2x10240x128xf32, #tpu.memory_space<hbm>> -> memref<1x10240x128xf32, #tpu.memory_space<hbm>>
      %dma_wait3A_21 = tpu.memref_squeeze %dma_wait3A_20 : memref<1x10240x128xf32, #tpu.memory_space<hbm>> -> memref<10240x128xf32, #tpu.memory_space<hbm>>
      %dma_wait3A_22 = arith.constant 0 : i32
      %dma_wait3A_23 = tpu.memref_slice %dma_wait3A_21[%mul3A_11, %dma_wait3A_22] : memref<10240x128xf32, #tpu.memory_space<hbm>> -> memref<640x128xf32, #tpu.memory_space<hbm>>
      %dma_wait3A_24 = arith.constant 0 : i32
      %dma_wait3A_25 = tpu.memref_slice %arg8[%mul3A_9, %dma_wait3A_24] : memref<10248x128xf32, #tpu.memory_space<vmem_shared>> -> memref<640x128xf32, #tpu.memory_space<vmem_shared>>
      tpu.wait_dma2 semaphore(%run_scoped3A : memref<!tpu.dma_semaphore, #tpu.memory_space<semaphore_mem>>) src(%dma_wait3A_25 : memref<640x128xf32, #tpu.memory_space<vmem_shared>>) dst(%dma_wait3A_23 : memref<640x128xf32, #tpu.memory_space<hbm>>)
      tpu.yield
    }) : () -> ()
    return
  }
}

module attributes {stable_mosaic.version = 14 : i64} {
  func.func @_mlp_body(%arg0: memref<2x10240x128xf32, #tpu.memory_space<vmem>>, %arg1: memref<10240x128xf32, #tpu.memory_space<vmem>>, %arg2: memref<128x128xf32, #tpu.memory_space<vmem>>, %arg3: memref<1x128xf32, #tpu.memory_space<vmem>>, %arg4: memref<1x128xf32, #tpu.memory_space<vmem>>, %arg5: memref<1x128xf32, #tpu.memory_space<vmem>>, %arg6: memref<128x128xf32, #tpu.memory_space<vmem>>, %arg7: memref<1x128xf32, #tpu.memory_space<vmem>>, %arg8: memref<10240x128xf32, #tpu.memory_space<vmem>>) attributes {dimension_semantics = [], scalar_prefetch = 0 : i64, scratch_operands = 0 : i64, tpu.core_type = #tpu.core_type<tc>} {
    %get3A = arith.constant 0 : index
    %get3A_0 = arith.constant 0 : index
    %get3A_1 = arith.constant 0 : index
    %get3A_2 = vector.load %arg0[%get3A, %get3A_0, %get3A_1] : memref<2x10240x128xf32, #tpu.memory_space<vmem>>, vector<1x10240x128xf32>
    %get3A_3 = vector.shape_cast %get3A_2 : vector<1x10240x128xf32> to vector<10240x128xf32>
    %get3A_4 = arith.constant 1 : index
    %get3A_5 = arith.constant 0 : index
    %get3A_6 = arith.constant 0 : index
    %get3A_7 = vector.load %arg0[%get3A_4, %get3A_5, %get3A_6] : memref<2x10240x128xf32, #tpu.memory_space<vmem>>, vector<1x10240x128xf32>
    %get3A_8 = vector.shape_cast %get3A_7 : vector<1x10240x128xf32> to vector<10240x128xf32>
    %add3A = arith.addf %get3A_3, %get3A_8 : vector<10240x128xf32>
    %get3A_9 = arith.constant 0 : index
    %get3A_10 = arith.constant 0 : index
    %get3A_11 = vector.load %arg1[%get3A_9, %get3A_10] : memref<10240x128xf32, #tpu.memory_space<vmem>>, vector<10240x128xf32>
    %sub3A = arith.subf %add3A, %get3A_11 : vector<10240x128xf32>
    %get3A_12 = arith.constant 0 : index
    %get3A_13 = arith.constant 0 : index
    %get3A_14 = vector.load %arg2[%get3A_12, %get3A_13] : memref<128x128xf32, #tpu.memory_space<vmem>>, vector<128x128xf32>
    %get3A_15 = arith.constant 0 : index
    %get3A_16 = arith.constant 0 : index
    %get3A_17 = vector.load %arg3[%get3A_15, %get3A_16] : memref<1x128xf32, #tpu.memory_space<vmem>>, vector<1x128xf32>
    %get3A_18 = arith.constant 0 : index
    %get3A_19 = arith.constant 0 : index
    %get3A_20 = vector.load %arg4[%get3A_18, %get3A_19] : memref<1x128xf32, #tpu.memory_space<vmem>>, vector<1x128xf32>
    %get3A_21 = arith.constant 0 : index
    %get3A_22 = arith.constant 0 : index
    %get3A_23 = vector.load %arg5[%get3A_21, %get3A_22] : memref<1x128xf32, #tpu.memory_space<vmem>>, vector<1x128xf32>
    %get3A_24 = arith.constant 0 : index
    %get3A_25 = arith.constant 0 : index
    %get3A_26 = vector.load %arg6[%get3A_24, %get3A_25] : memref<128x128xf32, #tpu.memory_space<vmem>>, vector<128x128xf32>
    %get3A_27 = arith.constant 0 : index
    %get3A_28 = arith.constant 0 : index
    %get3A_29 = vector.load %arg7[%get3A_27, %get3A_28] : memref<1x128xf32, #tpu.memory_space<vmem>>, vector<1x128xf32>
    %iota3A = tpu.iota {dimensions = array<i32: 0>} : vector<10240x1xi32>
    %lt3A = arith.constant 10000 : i32
    %lt3A_30 = vector.broadcast %lt3A : i32 to vector<10240x1xi32>
    %lt3A_31 = arith.cmpi slt, %iota3A, %lt3A_30 : vector<10240x1xi32>
    %convert_element_type3A = arith.extui %lt3A_31 : vector<10240x1xi1> to vector<10240x1xi32>
    %convert_element_type3A_32 = arith.sitofp %convert_element_type3A : vector<10240x1xi32> to vector<10240x1xf32>
    %dot_general3A = arith.constant dense<0.000000e+00> : vector<10240x128xf32>
    %dot_general3A_33 = tpu.matmul %sub3A, %get3A_14, %dot_general3A {dimension_numbers = #tpu.dot_dimension_numbers<[1], [0], [0], [1], [0, 0, 1, 1], [], []>, transpose_lhs_hint = false} : vector<10240x128xf32>, vector<128x128xf32>, vector<10240x128xf32> -> vector<10240x128xf32>
    %add3A_34 = vector.broadcast %get3A_17 : vector<1x128xf32> to vector<10240x128xf32>
    %add3A_35 = arith.addf %dot_general3A_33, %add3A_34 : vector<10240x128xf32>
    %mul3A = vector.broadcast %convert_element_type3A_32 : vector<10240x1xf32> to vector<10240x128xf32>
    %mul3A_36 = arith.mulf %add3A_35, %mul3A : vector<10240x128xf32>
    %reduce_sum3A = arith.constant dense<0.000000e+00> : vector<128xf32>
    %reduce_sum3A_37 = vector.multi_reduction <add>, %mul3A_36, %reduce_sum3A [0] : vector<10240x128xf32> to vector<128xf32>
    %broadcast_in_dim3A = vector.shape_cast %reduce_sum3A_37 : vector<128xf32> to vector<1x128xf32>
    %mul3A_38 = arith.constant 9.99999974E-5 : f32
    %mul3A_39 = vector.broadcast %mul3A_38 : f32 to vector<1x128xf32>
    %mul3A_40 = arith.mulf %broadcast_in_dim3A, %mul3A_39 : vector<1x128xf32>
    %sub3A_41 = vector.broadcast %mul3A_40 : vector<1x128xf32> to vector<10240x128xf32>
    %sub3A_42 = arith.subf %add3A_35, %sub3A_41 : vector<10240x128xf32>
    %mul3A_43 = arith.mulf %sub3A_42, %sub3A_42 : vector<10240x128xf32>
    %mul3A_44 = vector.broadcast %convert_element_type3A_32 : vector<10240x1xf32> to vector<10240x128xf32>
    %mul3A_45 = arith.mulf %mul3A_43, %mul3A_44 : vector<10240x128xf32>
    %reduce_sum3A_46 = arith.constant dense<0.000000e+00> : vector<128xf32>
    %reduce_sum3A_47 = vector.multi_reduction <add>, %mul3A_45, %reduce_sum3A_46 [0] : vector<10240x128xf32> to vector<128xf32>
    %broadcast_in_dim3A_48 = vector.shape_cast %reduce_sum3A_47 : vector<128xf32> to vector<1x128xf32>
    %mul3A_49 = arith.constant 9.99999974E-5 : f32
    %mul3A_50 = vector.broadcast %mul3A_49 : f32 to vector<1x128xf32>
    %mul3A_51 = arith.mulf %broadcast_in_dim3A_48, %mul3A_50 : vector<1x128xf32>
    %mul3A_52 = vector.broadcast %get3A_20 : vector<1x128xf32> to vector<10240x128xf32>
    %mul3A_53 = arith.mulf %mul3A_52, %sub3A_42 : vector<10240x128xf32>
    %add3A_54 = arith.constant 9.99999974E-6 : f32
    %add3A_55 = vector.broadcast %add3A_54 : f32 to vector<1x128xf32>
    %add3A_56 = arith.addf %mul3A_51, %add3A_55 : vector<1x128xf32>
    %rsqrt3A = math.rsqrt %add3A_56 : vector<1x128xf32>
    %mul3A_57 = vector.broadcast %rsqrt3A : vector<1x128xf32> to vector<10240x128xf32>
    %mul3A_58 = arith.mulf %mul3A_53, %mul3A_57 : vector<10240x128xf32>
    %add3A_59 = vector.broadcast %get3A_23 : vector<1x128xf32> to vector<10240x128xf32>
    %add3A_60 = arith.addf %mul3A_58, %add3A_59 : vector<10240x128xf32>
    %max3A = arith.constant 0.000000e+00 : f32
    %max3A_61 = vector.broadcast %max3A : f32 to vector<10240x128xf32>
    %max3A_62 = arith.maximumf %add3A_60, %max3A_61 : vector<10240x128xf32>
    %dot_general3A_63 = arith.constant dense<0.000000e+00> : vector<10240x128xf32>
    %dot_general3A_64 = tpu.matmul %max3A_62, %get3A_26, %dot_general3A_63 {dimension_numbers = #tpu.dot_dimension_numbers<[1], [0], [0], [1], [0, 0, 1, 1], [], []>, transpose_lhs_hint = false} : vector<10240x128xf32>, vector<128x128xf32>, vector<10240x128xf32> -> vector<10240x128xf32>
    %add3A_65 = vector.broadcast %get3A_29 : vector<1x128xf32> to vector<10240x128xf32>
    %add3A_66 = arith.addf %dot_general3A_64, %add3A_65 : vector<10240x128xf32>
    %max3A_67 = arith.constant 0.000000e+00 : f32
    %max3A_68 = vector.broadcast %max3A_67 : f32 to vector<10240x128xf32>
    %max3A_69 = arith.maximumf %add3A_66, %max3A_68 : vector<10240x128xf32>
    %mul3A_70 = vector.broadcast %convert_element_type3A_32 : vector<10240x1xf32> to vector<10240x128xf32>
    %mul3A_71 = arith.mulf %max3A_69, %mul3A_70 : vector<10240x128xf32>
    %swap3A = arith.constant 0 : index
    %swap3A_72 = arith.constant 0 : index
    %swap3A_73 = vector.load %arg8[%swap3A, %swap3A_72] : memref<10240x128xf32, #tpu.memory_space<vmem>>, vector<10240x128xf32>
    tpu.vector_store %arg8[%swap3A, %swap3A_72], %mul3A_71 {strides = array<i32>} : memref<10240x128xf32, #tpu.memory_space<vmem>>, vector<10240x128xf32>,
    return
  }
}

module attributes {stable_mosaic.version = 14 : i64} {
  func.func @_final_body(%arg0: memref<2x10240x128xf32, #tpu.memory_space<vmem>>, %arg1: memref<10240x128xf32, #tpu.memory_space<vmem>>, %arg2: memref<1x10240xi32, #tpu.memory_space<vmem>>, %arg3: memref<128x128xf32, #tpu.memory_space<vmem>>, %arg4: memref<1x128xf32, #tpu.memory_space<vmem>>, %arg5: memref<1x128xf32, #tpu.memory_space<vmem>>, %arg6: memref<1x128xf32, #tpu.memory_space<vmem>>, %arg7: memref<128x128xf32, #tpu.memory_space<vmem>>, %arg8: memref<1x128xf32, #tpu.memory_space<vmem>>, %arg9: memref<128x128xf32, #tpu.memory_space<vmem>>, %arg10: memref<1x128xf32, #tpu.memory_space<vmem>>, %arg11: memref<128x64xf32, #tpu.memory_space<vmem>>, %arg12: memref<1x64xf32, #tpu.memory_space<vmem>>, %arg13: memref<128x64xf32, #tpu.memory_space<vmem>>) attributes {dimension_semantics = [], scalar_prefetch = 0 : i64, scratch_operands = 0 : i64, tpu.core_type = #tpu.core_type<tc>} {
    %get3A = arith.constant 0 : index
    %get3A_0 = arith.constant 0 : index
    %get3A_1 = arith.constant 0 : index
    %get3A_2 = vector.load %arg0[%get3A, %get3A_0, %get3A_1] : memref<2x10240x128xf32, #tpu.memory_space<vmem>>, vector<1x10240x128xf32>
    %get3A_3 = vector.shape_cast %get3A_2 : vector<1x10240x128xf32> to vector<10240x128xf32>
    %get3A_4 = arith.constant 1 : index
    %get3A_5 = arith.constant 0 : index
    %get3A_6 = arith.constant 0 : index
    %get3A_7 = vector.load %arg0[%get3A_4, %get3A_5, %get3A_6] : memref<2x10240x128xf32, #tpu.memory_space<vmem>>, vector<1x10240x128xf32>
    %get3A_8 = vector.shape_cast %get3A_7 : vector<1x10240x128xf32> to vector<10240x128xf32>
    %add3A = arith.addf %get3A_3, %get3A_8 : vector<10240x128xf32>
    %get3A_9 = arith.constant 0 : index
    %get3A_10 = arith.constant 0 : index
    %get3A_11 = vector.load %arg1[%get3A_9, %get3A_10] : memref<10240x128xf32, #tpu.memory_space<vmem>>, vector<10240x128xf32>
    %sub3A = arith.subf %add3A, %get3A_11 : vector<10240x128xf32>
    %get3A_12 = arith.constant 0 : index
    %get3A_13 = arith.constant 0 : index
    %get3A_14 = vector.load %arg3[%get3A_12, %get3A_13] : memref<128x128xf32, #tpu.memory_space<vmem>>, vector<128x128xf32>
    %get3A_15 = arith.constant 0 : index
    %get3A_16 = arith.constant 0 : index
    %get3A_17 = vector.load %arg4[%get3A_15, %get3A_16] : memref<1x128xf32, #tpu.memory_space<vmem>>, vector<1x128xf32>
    %get3A_18 = arith.constant 0 : index
    %get3A_19 = arith.constant 0 : index
    %get3A_20 = vector.load %arg5[%get3A_18, %get3A_19] : memref<1x128xf32, #tpu.memory_space<vmem>>, vector<1x128xf32>
    %get3A_21 = arith.constant 0 : index
    %get3A_22 = arith.constant 0 : index
    %get3A_23 = vector.load %arg6[%get3A_21, %get3A_22] : memref<1x128xf32, #tpu.memory_space<vmem>>, vector<1x128xf32>
    %get3A_24 = arith.constant 0 : index
    %get3A_25 = arith.constant 0 : index
    %get3A_26 = vector.load %arg7[%get3A_24, %get3A_25] : memref<128x128xf32, #tpu.memory_space<vmem>>, vector<128x128xf32>
    %get3A_27 = arith.constant 0 : index
    %get3A_28 = arith.constant 0 : index
    %get3A_29 = vector.load %arg8[%get3A_27, %get3A_28] : memref<1x128xf32, #tpu.memory_space<vmem>>, vector<1x128xf32>
    %iota3A = tpu.iota {dimensions = array<i32: 0>} : vector<10240x1xi32>
    %lt3A = arith.constant 10000 : i32
    %lt3A_30 = vector.broadcast %lt3A : i32 to vector<10240x1xi32>
    %lt3A_31 = arith.cmpi slt, %iota3A, %lt3A_30 : vector<10240x1xi32>
    %convert_element_type3A = arith.extui %lt3A_31 : vector<10240x1xi1> to vector<10240x1xi32>
    %convert_element_type3A_32 = arith.sitofp %convert_element_type3A : vector<10240x1xi32> to vector<10240x1xf32>
    %dot_general3A = arith.constant dense<0.000000e+00> : vector<10240x128xf32>
    %dot_general3A_33 = tpu.matmul %sub3A, %get3A_14, %dot_general3A {dimension_numbers = #tpu.dot_dimension_numbers<[1], [0], [0], [1], [0, 0, 1, 1], [], []>, transpose_lhs_hint = false} : vector<10240x128xf32>, vector<128x128xf32>, vector<10240x128xf32> -> vector<10240x128xf32>
    %add3A_34 = vector.broadcast %get3A_17 : vector<1x128xf32> to vector<10240x128xf32>
    %add3A_35 = arith.addf %dot_general3A_33, %add3A_34 : vector<10240x128xf32>
    %mul3A = vector.broadcast %convert_element_type3A_32 : vector<10240x1xf32> to vector<10240x128xf32>
    %mul3A_36 = arith.mulf %add3A_35, %mul3A : vector<10240x128xf32>
    %reduce_sum3A = arith.constant dense<0.000000e+00> : vector<128xf32>
    %reduce_sum3A_37 = vector.multi_reduction <add>, %mul3A_36, %reduce_sum3A [0] : vector<10240x128xf32> to vector<128xf32>
    %broadcast_in_dim3A = vector.shape_cast %reduce_sum3A_37 : vector<128xf32> to vector<1x128xf32>
    %mul3A_38 = arith.constant 9.99999974E-5 : f32
    %mul3A_39 = vector.broadcast %mul3A_38 : f32 to vector<1x128xf32>
    %mul3A_40 = arith.mulf %broadcast_in_dim3A, %mul3A_39 : vector<1x128xf32>
    %sub3A_41 = vector.broadcast %mul3A_40 : vector<1x128xf32> to vector<10240x128xf32>
    %sub3A_42 = arith.subf %add3A_35, %sub3A_41 : vector<10240x128xf32>
    %mul3A_43 = arith.mulf %sub3A_42, %sub3A_42 : vector<10240x128xf32>
    %mul3A_44 = vector.broadcast %convert_element_type3A_32 : vector<10240x1xf32> to vector<10240x128xf32>
    %mul3A_45 = arith.mulf %mul3A_43, %mul3A_44 : vector<10240x128xf32>
    %reduce_sum3A_46 = arith.constant dense<0.000000e+00> : vector<128xf32>
    %reduce_sum3A_47 = vector.multi_reduction <add>, %mul3A_45, %reduce_sum3A_46 [0] : vector<10240x128xf32> to vector<128xf32>
    %broadcast_in_dim3A_48 = vector.shape_cast %reduce_sum3A_47 : vector<128xf32> to vector<1x128xf32>
    %mul3A_49 = arith.constant 9.99999974E-5 : f32
    %mul3A_50 = vector.broadcast %mul3A_49 : f32 to vector<1x128xf32>
    %mul3A_51 = arith.mulf %broadcast_in_dim3A_48, %mul3A_50 : vector<1x128xf32>
    %mul3A_52 = vector.broadcast %get3A_20 : vector<1x128xf32> to vector<10240x128xf32>
    %mul3A_53 = arith.mulf %mul3A_52, %sub3A_42 : vector<10240x128xf32>
    %add3A_54 = arith.constant 9.99999974E-6 : f32
    %add3A_55 = vector.broadcast %add3A_54 : f32 to vector<1x128xf32>
    %add3A_56 = arith.addf %mul3A_51, %add3A_55 : vector<1x128xf32>
    %rsqrt3A = math.rsqrt %add3A_56 : vector<1x128xf32>
    %mul3A_57 = vector.broadcast %rsqrt3A : vector<1x128xf32> to vector<10240x128xf32>
    %mul3A_58 = arith.mulf %mul3A_53, %mul3A_57 : vector<10240x128xf32>
    %add3A_59 = vector.broadcast %get3A_23 : vector<1x128xf32> to vector<10240x128xf32>
    %add3A_60 = arith.addf %mul3A_58, %add3A_59 : vector<10240x128xf32>
    %max3A = arith.constant 0.000000e+00 : f32
    %max3A_61 = vector.broadcast %max3A : f32 to vector<10240x128xf32>
    %max3A_62 = arith.maximumf %add3A_60, %max3A_61 : vector<10240x128xf32>
    %dot_general3A_63 = arith.constant dense<0.000000e+00> : vector<10240x128xf32>
    %dot_general3A_64 = tpu.matmul %max3A_62, %get3A_26, %dot_general3A_63 {dimension_numbers = #tpu.dot_dimension_numbers<[1], [0], [0], [1], [0, 0, 1, 1], [], []>, transpose_lhs_hint = false} : vector<10240x128xf32>, vector<128x128xf32>, vector<10240x128xf32> -> vector<10240x128xf32>
    %add3A_65 = vector.broadcast %get3A_29 : vector<1x128xf32> to vector<10240x128xf32>
    %add3A_66 = arith.addf %dot_general3A_64, %add3A_65 : vector<10240x128xf32>
    %max3A_67 = arith.constant 0.000000e+00 : f32
    %max3A_68 = vector.broadcast %max3A_67 : f32 to vector<10240x128xf32>
    %max3A_69 = arith.maximumf %add3A_66, %max3A_68 : vector<10240x128xf32>
    %mul3A_70 = vector.broadcast %convert_element_type3A_32 : vector<10240x1xf32> to vector<10240x128xf32>
    %mul3A_71 = arith.mulf %max3A_69, %mul3A_70 : vector<10240x128xf32>
    %iota3A_72 = tpu.iota {dimensions = array<i32: 0>} : vector<128x10240xi32>
    %get3A_73 = arith.constant 0 : index
    %get3A_74 = arith.constant 0 : index
    %get3A_75 = vector.load %arg2[%get3A_73, %get3A_74] : memref<1x10240xi32, #tpu.memory_space<vmem>>, vector<1x10240xi32>
    %eq3A = vector.broadcast %get3A_75 : vector<1x10240xi32> to vector<128x10240xi32>
    %eq3A_76 = arith.cmpi eq, %iota3A_72, %eq3A : vector<128x10240xi32>
    %convert_element_type3A_77 = arith.extui %eq3A_76 : vector<128x10240xi1> to vector<128x10240xi32>
    %convert_element_type3A_78 = arith.sitofp %convert_element_type3A_77 : vector<128x10240xi32> to vector<128x10240xf32>
    %dot_general3A_79 = arith.constant dense<0.000000e+00> : vector<128x128xf32>
    %dot_general3A_80 = tpu.matmul %convert_element_type3A_78, %mul3A_71, %dot_general3A_79 {dimension_numbers = #tpu.dot_dimension_numbers<[1], [0], [0], [1], [0, 0, 1, 1], [], []>, transpose_lhs_hint = false} : vector<128x10240xf32>, vector<10240x128xf32>, vector<128x128xf32> -> vector<128x128xf32>
    %get3A_81 = arith.constant 0 : index
    %get3A_82 = arith.constant 0 : index
    %get3A_83 = vector.load %arg9[%get3A_81, %get3A_82] : memref<128x128xf32, #tpu.memory_space<vmem>>, vector<128x128xf32>
    %dot_general3A_84 = arith.constant dense<0.000000e+00> : vector<128x128xf32>
    %dot_general3A_85 = tpu.matmul %dot_general3A_80, %get3A_83, %dot_general3A_84 {dimension_numbers = #tpu.dot_dimension_numbers<[1], [0], [0], [1], [0, 0, 1, 1], [], []>, transpose_lhs_hint = false} : vector<128x128xf32>, vector<128x128xf32>, vector<128x128xf32> -> vector<128x128xf32>
    %get3A_86 = arith.constant 0 : index
    %get3A_87 = arith.constant 0 : index
    %get3A_88 = vector.load %arg10[%get3A_86, %get3A_87] : memref<1x128xf32, #tpu.memory_space<vmem>>, vector<1x128xf32>
    %add3A_89 = vector.broadcast %get3A_88 : vector<1x128xf32> to vector<128x128xf32>
    %add3A_90 = arith.addf %dot_general3A_85, %add3A_89 : vector<128x128xf32>
    %max3A_91 = arith.constant 0.000000e+00 : f32
    %max3A_92 = vector.broadcast %max3A_91 : f32 to vector<128x128xf32>
    %max3A_93 = arith.maximumf %add3A_90, %max3A_92 : vector<128x128xf32>
    %get3A_94 = arith.constant 0 : index
    %get3A_95 = arith.constant 0 : index
    %get3A_96 = vector.load %arg11[%get3A_94, %get3A_95] : memref<128x64xf32, #tpu.memory_space<vmem>>, vector<128x64xf32>
    %dot_general3A_97 = arith.constant dense<0.000000e+00> : vector<128x64xf32>
    %dot_general3A_98 = tpu.matmul %max3A_93, %get3A_96, %dot_general3A_97 {dimension_numbers = #tpu.dot_dimension_numbers<[1], [0], [0], [1], [0, 0, 1, 1], [], []>, transpose_lhs_hint = false} : vector<128x128xf32>, vector<128x64xf32>, vector<128x64xf32> -> vector<128x64xf32>
    %get3A_99 = arith.constant 0 : index
    %get3A_100 = arith.constant 0 : index
    %get3A_101 = vector.load %arg12[%get3A_99, %get3A_100] : memref<1x64xf32, #tpu.memory_space<vmem>>, vector<1x64xf32>
    %add3A_102 = vector.broadcast %get3A_101 : vector<1x64xf32> to vector<128x64xf32>
    %add3A_103 = arith.addf %dot_general3A_98, %add3A_102 : vector<128x64xf32>
    %swap3A = arith.constant 0 : index
    %swap3A_104 = arith.constant 0 : index
    %swap3A_105 = vector.load %arg13[%swap3A, %swap3A_104] : memref<128x64xf32, #tpu.memory_space<vmem>>, vector<128x64xf32>
    tpu.vector_store %arg13[%swap3A, %swap3A_104], %add3A_103 {strides = array<i32>} : memref<128x64xf32, #tpu.memory_space<vmem>>, vector<128x64xf32>,
    return
  }
}

</mosaic_0001>

<sc_bundles>
// kernel: kernel.11.cloned.1.call-start
scs
__scs_entry_jumppad:
0x0: {  	(pc) =	sbr.rel $0x88, $3  }
0x1: {  	(tag) =	ssettag $0x0;
	lr =	simm.s32 $0x1  }
0x2: {  	[smem:$0x3F88] =	sst lr;
	_ =	strace $0xD0000000  }
0x3: {  	_ = 	snop  }
0x4: {  	_ = 	snop  }
0x5: {  	_ = 	snop  }
0x6: {  	_ = 	snop  }
0x7: {  	_ = 	snop  }
__scs_overlays_trampoline_lowered:
0x8: {  	[smem:$0x3F97] =	sst s0  }
0x9: {  	[smem:$0x3F98] =	sst s1  }
0xa: {  	[smem:$0x3F99] =	sst s2  }
0xb: {  	[smem:$0x3F9A] =	sst s3  }
0xc: {  	[smem:$0x3F9B] =	sst s4  }
0xd: {  	[smem:$0x3F9C] =	sst s5  }
0xe: {  	[smem:$0x3F9D] =	sst s6  }
0xf: {  	[smem:$0x3F9E] =	sst s7  }
0x10: {  	[smem:$0x3F9F] =	sst s8  }
0x11: {  	[smem:$0x3FA0] =	sst s9;
	s0 =	simm.s32 @!p0 $0x0  }
0x12: {  	s1 =	sld [smem:$0x3F86];
	s0 =	simm.s32 @p0 $0x1  }
0x13: {  	[smem:$0x3FA1] =	sst s0;
	s0 =	simm.s32 @!p1 $0x0  }
0x14: {  	s2 =	sld [smem:$0x3F85];
	s0 =	simm.s32 @p1 $0x1  }
0x15: {  	[smem:$0x3FA2] =	sst s0;
	s0 =	simm.s32 @!p2 $0x0  }
0x16: {  	s3 =	sld [smem:$0x3FDB];
	s0 =	simm.s32 @p2 $0x1  }
0x17: {  	s4 =	simm.s32 $0x1BF5;
	[smem:$0x3FA4] =	sst s0  }
0x18: {  	s0 =	sld [smem:$0x3F87];
	_ =	swait.ge [sflag:s4], $0x0  }
0x19: {  	s7 =	sld [smem:$0x3F88]  }
0x1a: {  	s8 =	sadd.s32 $0xFFFFE003, lr  }
0x1b: {  	s9 =	sadd.s32 $0xFFFFFEF7, lr;
	s5 =	simm.s32 $0xFFFFFFFF;
	p2 =	slt.u32 s8, $0xFFFFF086  }
0x1c: {  	p1 =	slt.u32 s9, $0xF7A;
	s5 =	simm.s32 @!p2 $0x0  }
0x1d: {  	s5 =	simm.s32 @p1 $0x1;
	p0 =	seq.s32 s7, s2  }
0x1e: {  	s7 =	smul.u32 @!p0 $0xF7A, s2;
	p2 =	seq.s32 @!p0 s5, $0x0  }
0x1f: {  	s9 =	smul.u32 $0xF7A, s1;
	s8 =	simm.s32 @!p0 $0x1BF5;
	p2 =	por !p2, p0  }
0x20: {  	[sflag:s8] =	ssyncset.s32 @!p0 $0xFFFFF086;
	s6 =	sadd.s32 @!p0 s3, s7;
	s7 =	simm.s32 @!p0 $0x108  }
0x21: {  	s3 =	sadd.s32 s3, s9;
	s6 =	sadd.s32 @!p0 $0x88, s6;
	s7 =	simm.s32 @p2 $0x1082  }
0x22: {  	[simem:s7], [sflag:s8] =	dma.local @!p0 [hbm:s6], $0xF7A  }
0x23: {  	s9 =	sor.u32 $0xD0000000, s2;
	s6 =	simm.s32 $0x108;
	_ =	swait.ge @!p0 [sflag:s8], $0x0  }
0x24: {  	s3 =	sadd.s32 $0x88, s3;
	s6 =	simm.s32 @!p1 $0x1082;
	[sflag:s4] =	ssyncset.s32 $0xFFFFF086  }
0x25: {  	[simem:s6], [sflag:s4] =	dma.local [hbm:s3], $0xF7A  }
0x26: {  	[smem:$0x3F88] =	sst s1;
	(tag) =	ssettag s2;
	_ =	strace s9  }
0x27: {  	s1 =	sld [smem:$0x3F98]  }
0x28: {  	s2 =	sld [smem:$0x3F99]  }
0x29: {  	s4 =	sld [smem:$0x3F9B]  }
0x2a: {  	p0 =	seq.s32 s5, $0x0;
	s5 =	sld [smem:$0x3F9C]  }
0x2b: {  	s6 =	sld [smem:$0x3F9D]  }
0x2c: {  	s7 =	sld [smem:$0x3F9E]  }
0x2d: {  	s3 =	simm.s32 $0x108;
	s8 =	sld [smem:$0x3F9F]  }
0x2e: {  	s3 =	simm.s32 @!p0 $0x1082;
	s9 =	sld [smem:$0x3FA0]  }
0x2f: {  	lr =	sadd.s32 s0, s3;
	s0 =	sld [smem:$0x3F97]  }
0x30: {  	s3 =	sld [smem:$0x3F9A]  }
0x31: {  	[smem:$0x3FA3] =	sst s10  }
0x32: {  	s10 =	sld [smem:$0x3FA1];
	_ =	sdelay $0x3  }
0x33: {  	p0 =	seq.s32 s10, $0x1;
	s10 =	sld [smem:$0x3FA3];
	_ =	sdelay $0x3  }
0x34: {  	[smem:$0x3FA3] =	sst s10  }
0x35: {  	s10 =	sld [smem:$0x3FA2];
	_ =	sdelay $0x3  }
0x36: {  	p1 =	seq.s32 s10, $0x1;
	s10 =	sld [smem:$0x3FA3];
	_ =	sdelay $0x3  }
0x37: {  	[smem:$0x3FA3] =	sst s10  }
0x38: {  	s10 =	sld [smem:$0x3FA4]  }
0x39: {  	_ = 	snop;
	(pc) =	sbr.ind lr, $3  }
0x3a: {  	_ = 	snop  }
0x3b: {  	_ = 	snop  }
0x3c: {  	p2 =	seq.s32 s10, $0x1;
	s10 =	sld [smem:$0x3FA3]  }
0x3d: {  	_ =	shalt  }
0x3e: {  	_ =	shalt  }
0x3f: {  	_ =	shalt  }
0x40: {  	_ =	shalt  }
0x41: {  	_ =	shalt  }
0x42: {  	_ =	shalt  }
0x43: {  	_ =	shalt  }
0x44: {  	_ =	shalt  }
0x45: {  	_ =	shalt  }
0x46: {  	_ =	shalt  }
0x47: {  	_ =	shalt  }
0x48: {  	_ =	shalt  }
0x49: {  	_ =	shalt  }
0x4a: {  	_ =	shalt  }
0x4b: {  	_ =	shalt  }
0x4c: {  	_ =	shalt  }
0x4d: {  	_ =	shalt  }
0x4e: {  	_ =	shalt  }
0x4f: {  	_ =	shalt  }
0x50: {  	_ =	shalt  }
0x51: {  	_ =	shalt  }
0x52: {  	_ =	shalt  }
0x53: {  	_ =	shalt  }
0x54: {  	_ =	shalt  }
0x55: {  	_ =	shalt  }
0x56: {  	_ =	shalt  }
0x57: {  	_ =	shalt  }
0x58: {  	_ =	shalt  }
0x59: {  	_ =	shalt  }
0x5a: {  	_ =	shalt  }
0x5b: {  	_ =	shalt  }
0x5c: {  	_ =	shalt  }
0x5d: {  	_ =	shalt  }
0x5e: {  	_ =	shalt  }
0x5f: {  	_ =	shalt  }
0x60: {  	_ =	shalt  }
0x61: {  	_ =	shalt  }
0x62: {  	_ =	shalt  }
0x63: {  	_ =	shalt  }
0x64: {  	_ =	shalt  }
0x65: {  	_ =	shalt  }
0x66: {  	_ =	shalt  }
0x67: {  	_ =	shalt  }
0x68: {  	_ =	shalt  }
0x69: {  	_ =	shalt  }
0x6a: {  	_ =	shalt  }
0x6b: {  	_ =	shalt  }
0x6c: {  	_ =	shalt  }
0x6d: {  	_ =	shalt  }
0x6e: {  	_ =	shalt  }
0x6f: {  	_ =	shalt  }
0x70: {  	_ =	shalt  }
0x71: {  	_ =	shalt  }
0x72: {  	_ =	shalt  }
0x73: {  	_ =	shalt  }
0x74: {  	_ =	shalt  }
0x75: {  	_ =	shalt  }
0x76: {  	_ =	shalt  }
0x77: {  	_ =	shalt  }
0x78: {  	_ =	shalt  }
0x79: {  	_ =	shalt  }
0x7a: {  	_ =	shalt  }
0x7b: {  	_ =	shalt  }
0x7c: {  	_ =	shalt  }
0x7d: {  	_ =	shalt  }
0x7e: {  	_ =	shalt  }
0x7f: {  	_ =	shalt  }
0x80: {  	_ =	shalt  }
0x81: {  	_ =	shalt  }
0x82: {  	_ =	shalt  }
0x83: {  	_ =	shalt  }
0x84: {  	_ =	shalt  }
0x85: {  	_ =	shalt  }
0x86: {  	_ =	shalt  }
0x87: {  	_ =	shalt  }
.Lfunc_end0:
.L_simem_size_0:
called_computation.1_lowered:
.L_overlay_start_0:
0x88: {  	s2 =	sld [smem:$0x3FD9]  }
0x89: {  	s3 =	sld [smem:$0x3FFE];
	_ =	sdelay $0x1  }
0x8a: {  	s1 =	srdreg.scid  }
0x8b: {  	s0 =	sand.u32 $0x1, s1  }
0x8c: {  	s16 =	sshll.u32 s0, $0xA;
	s2 =	sadd.s32 s3, s2  }
0x8d: {  	s2 =	sadd.s32 s2, s16  }
0x8e: {  	[smem:$0x3FAF] =	sst s2  }
0x8f: {  	_ = 	snop  }
0x90: {  	(tm) =	ssettm $0x1  }
0x91: {  	s17 =	sld [smem:$0x3FFB];
	_ =	sdelay $0x3  }
0x92: {  	_ =	strace s17  }
0x93: {  	s2 =	sld [smem:$0x3FFC];
	_ =	sdelay $0x3  }
0x94: {  	_ =	strace s2  }
0x95: {  	s2 =	sld [smem:$0x3FFD];
	_ =	sdelay $0x3  }
0x96: {  	_ =	strace s2  }
0x97: {  	_ =	strace $0x8FFFFFFF  }
0x98: {  	s18 =	sld [smem:$0x3FDB];
	_ =	sdelay $0x1  }
0x99: {  	s19 =	simm.s32 $_scs_section_size  }
0x9a: {  	s4 =	simm.s32 $_size__tile_overlayer_lowered;
	s5 =	simm.s32 $_tile_overlayer_lowered  }
0x9b: {  	s22 =	simm.s32 $0x1BFF;
	s21 =	sshll.u32 s5, $0x1;
	s2 =	sadd.s32 s19, s18  }
0x9c: {  	s6 =	simm.s32 $0x0;
	s20 =	sshll.u32 s4, $0x1;
	s4 =	sadd.s32 s21, s2  }
0x9d: {  	[timem:s6], [sflag:s22] =	dma.local [hbm:s4], s20  }
0x9e: {  	_ =	swait.ge [sflag:s22], s20  }
0x9f: {  	s3 =	ssub.s32 $0x0, s20;
	[sflag:s22] =	ssyncset.done $0x0  }
0xa0: {  	[sflag:s22] =	ssyncadd.s32 s3;
	_ =	sdelay $0x1  }
0xa1: {  	s23 =	simm.s32 $0x1B8B  }
0xa2: {  	_ =	swait.ge [sflag:s23], $0x1  }
0xa3: {  	[sflag:s23] =	ssyncset.done $0x0  }
0xa4: {  	s25 =	simm.s32 $0x1B8E;
	s24 =	sld [smem:$0x3FFE];
	[sflag:s23] =	ssyncadd.s32 $0xFFFFFFFF  }
0xa5: {  	s26 =	simm.s32 $execute0_lowered;
	[smem:$0x3FD2] =	sst s25  }
0xa6: {  	s4 =	sshll.u32 s26, $0x1;
	_ =	strace $0x80000049;
	[dreg:$0x1] =	wrdreg $0xFFFFFFFF  }
0xa7: {  	s28 =	simm.s32 $_size_execute0_lowered;
	s2 =	sadd.s32 s2, s4;
	[dreg:$0x0] =	wrdreg $0x0  }
0xa8: {  	s4 =	sshll.u32 s28, $0x1;
	[dreg:$0x2] =	wrdreg s2  }
0xa9: {  	[dreg:$0x3] =	wrdreg s4  }
0xaa: {  	[dreg:$0x4] =	wrdreg $0xC0  }
0xab: {  	_ =	task [dreg:s6], $0x5FFFF  }
0xac: {  	[dreg:$0x1] =	wrdreg $0xFFFFFFFF  }
0xad: {  	[dreg:$0x0] =	wrdreg $0x60  }
0xae: {  	[dreg:$0x2] =	wrdreg s24  }
0xaf: {  	[dreg:$0x3] =	wrdreg $0x4E200  }
0xb0: {  	[dreg:$0x4] =	wrdreg $0x9  }
0xb1: {  	_ =	task.clear_ibuf [dreg:s6], $0x5FFFF;
	_ =	strace $0x90000049  }
0xb2: {  	s29 =	simm.s32 $0x9;
	_ =	strace $0x8000004B  }
0xb3: {  	_ =	swait.ge [sflag:s29], $0x1  }
0xb4: {  	[sflag:s29] =	ssyncadd.s32 $0xFFFFFFFF  }
0xb5: {  	_ =	strace $0x9000004B  }
0xb6: {  	_ =	sfence  }
0xb7: {  	s30 =	sld [smem:$0x0];
	_ =	sdelay $0x2  }
0xb8: {  	s31 =	sshll.u32 s1, $0xD;
	s1 =	sshrl.u32 s1, $0x2  }
0xb9: {  	s3 =	sand.u32 $0x4000, s31;
	s1 =	sadd.s32 s1, s30  }
0xba: {  	s0 =	sor.u32 s3, s0;
	s1 =	sshll.u32 s1, $0x11  }
0xbb: {  	s0 =	sor.u32 s1, s0  }
0xbc: {  	s0 =	sadd.s32 $0x8F2B, s0  }
0xbd: {  	[sflag:s0] =	ssyncadd.remote.s32 $0x1  }
0xbe: {  	_ =	sfence.sel $0xFFFF  }
0xbf: {  	[dreg:$0x0] =	wrdreg $0xFFFFFFFF;
	(pc) =	sbr.abs _section_cstart, $3  }
0xc0: {  	[dreg:$0x1] =	wrdreg $0xFFFFFFFF  }
0xc1: {  	_ =	task.clear_ibuf [dreg:s6], $0x2FFFF;
	_ =	strace $0x9FFFFFFF  }
0xc2: {  	(tm) =	ssettm $0x7FFFFFFF  }
0xc3: {  	_ =	shalt  }
tec
execute0_lowered:
.L_overlay_start_1:
0x0: {  	(tag) =	ssettag $0x1  }
0x1: {  	s0 =	rddreg [dreg:$0x0];
	s1 =	srdreg.scid  }
0x2: {  	s2 =	rddreg [dreg:$0x1];
	s8 =	stileid.u32;
	s12 =	simm.s32 $0x0  }
0x3: {  	s11 =	simm.s32 $0xB;
	s13 =	simm.s32 $0x28;
	s14 =	simm.s32 $0x18E60  }
0x4: {  	s15 =	simm.s32 $0x1A260;
	s17 =	simm.s32 $0x1B660;
	s19 =	simm.s32 $0x1CA60  }
0x5: {  	s20 =	simm.s32 $0xA0;
	s21 =	simm.s32 $0x1DE60;
	s22 =	simm.s32 $0x1  }
0x6: {  	s23 =	simm.s32 $0x6;
	s28 =	simm.s32 $0x3;
	s29 =	simm.s32 $0x8  }
0x7: {  	s30 =	simm.s32 $0x4;
	s31 =	simm.s32 $0x9;
	s4 =	smul.u32 $0x4E20, s8  }
0x8: {  	s9 =	simm.s32 $0x4D80;
	s1 =	sand.u32 $0x1, s1;
	s6 =	smul.u32 $0x14000, s8  }
0x9: {  	s10 =	simm.s32 $0x4DF8;
	[smem:$0x7FF] =	sst s12;
	s3 =	smul.u32 $0x4E200, s1  }
0xa: {  	s26 =	sshll.u32 s8, $0x6;
	_ =	strace $0x8000004A;
	s5 =	smul.u32 $0x28000, s1  }
0xb: {  	s1 =	ssub.s32 $0x2, s1;
	s16 =	sor.u32 $0x1C0B, s26;
	s26 =	simm.s32 $0x7  }
0xc: {  	s7 =	sshrl.u32 s1, $0x1;
	s24 =	sshrl.u32 s6, $0x3;
	s6 =	sadd.s32 s6, s2  }
0xd: {  	[dreg:$0x5] =	wrdreg s16;
	s3 =	sadd.s32 s4, s3;
	s4 =	sadd.s32 $0x2C200, s0  }
0xe: {  	s1 =	ssub.s32 s1, s7;
	s18 =	sshrl.u32 s6, $0x3;
	s6 =	simm.s32 $0x4DD0  }
0xf: {  	s3 =	sshrl.u32 s3, $0x3;
	s25 =	sadd.s32 s4, s24;
	[dreg:$0x7] =	wrdreg s18  }
0x10: {  	s1 =	smax.u32 s1, $0x1;
	s3 =	sadd.s32 s3, s0;
	[dreg:$0x4] =	wrdreg s25  }
0x11: {  	s0 =	sadd.s32 s5, s0;
	[dreg:$0x6] =	wrdreg s1;
	s25 =	simm.s32 $0x2  }
0x12: {  	s1 =	simm.s32 $0xA;
	s5 =	simm.s32 $0x4D58;
	s0 =	sadd.s32 $0x54200, s0  }
0x13: {  	s7 =	sadd.s32 $0x18800, s3;
	s8 =	sadd.s32 $0x4E00, s3;
	s0 =	sadd.s32 s24, s0  }
0x14: {  	s24 =	simm.s32 $0x4DA8;
	[dreg:$0x8] =	wrdreg s0;
	s0 =	simm.s32 $0x5  }
.LBB2_1:
0x15: {  	[dreg:$0x3] =	wrdreg s12  }
0x16: {  	s3 =	rddreg [dreg:$0x4]  }
0x17: {  	[spmem:s18], [sflag:s16] =	dma.local [hbm:s3], $0x2800  }
0x18: {  	_ =	swait.ge [sflag:s11], $0x2800  }
0x19: {  	[sflag:s11] =	ssyncset.done $0x0  }
0x1a: {  	p1 =	por $0x1, $0x1;
	[sflag:s11] =	ssyncadd.s32 $0xFFFFD800  }
0x1b: {  	s3 =	simm.s32 $0x0;
	s18 =	simm.s32 $0x2710;
	[bflag:$0x0] =	sbarrier.arrive $0xFFFF  }
.LBB2_2:
0x1c: {  	s12 =	sadd.s32 s3, s7;
	s16 =	simm.s32 $0x0  }
0x1d: {  	[tilespmem:s16], [sflag:$0xB] =	stream.linear.gather [hbm4b:s12+s16], $0x2710, $0x38;
	[tilespmem:$0x1F260] =	vst v63  }
0x1e: {  	_ =	swait.ge [sflag:s11], $0x2710  }
0x1f: {  	[sflag:s11] =	ssyncset.done $0x0  }
0x20: {  	s12 =	sadd.s32 s3, s8;
	[sflag:s11] =	ssyncadd.s32 $0xFFFFD8F0  }
0x21: {  	[tilespmem:s18], [sflag:$0xB] =	stream.linear.gather [hbm4b:s12+s16], $0x2710, $0x38;
	[tilespmem:$0x1F260] =	vst v63  }
0x22: {  	_ =	swait.ge [sflag:s11], $0x2710  }
0x23: {  	[sflag:s11] =	ssyncset.done $0x0  }
0x24: {  	[sflag:s11] =	ssyncadd.s32 $0xFFFFD8F0  }
0x25: {  	[tilespmem:s14], [sflag:$0x1] =	stream.indirect.gather [hbm4b:s4+s13], $0x80, s16, s13, $0xb8;
	[tilespmem:$0x1F260] =	vst v63  }
0x26: {  	_ = 	snop  }
0x27: {  	[tilespmem:s15], [sflag:$0x2] =	stream.indirect.gather [hbm4b:s4+s13], $0x80, s13, s13, $0xb8;
	[tilespmem:$0x1F260] =	vst v63  }
0x28: {  	s16 =	simm.s32 $0x50  }
0x29: {  	[tilespmem:s17], [sflag:$0x3] =	stream.indirect.gather [hbm4b:s4+s13], $0x80, s16, s13, $0xb8;
	[tilespmem:$0x1F260] =	vst v63  }
0x2a: {  	s12 =	simm.s32 $0x78  }
0x2b: {  	[tilespmem:s19], [sflag:$0x4] =	stream.indirect.gather [hbm4b:s4+s13], $0x80, s12, s13, $0xb8;
	[tilespmem:$0x1F260] =	vst v63  }
0x2c: {  	_ = 	snop  }
0x2d: {  	[tilespmem:s21], [sflag:$0x5] =	stream.indirect.gather [hbm4b:s4+s13], $0x80, s20, s13, $0xb8;
	[tilespmem:$0x1F260] =	vst v63  }
0x2e: {  	_ =	swait.ge [sflag:s22], $0x1400  }
0x2f: {  	[sflag:s22] =	ssyncset.done $0x0  }
0x30: {  	s16 =	simm.s32 $0x2710;
	[sflag:s22] =	ssyncadd.s32 $0xFFFFEC00  }
0x31: {  	[spmem:s2] =	stream.indirect.scatter.add.f32 [tilespmem:s14], [sflag:$0x6], $0x80, s16, s13, $0xb8;
	[tilespmem:$0x1F260] =	vst v63  }
0x32: {  	_ =	swait.ge [sflag:s23], $0x1400  }
0x33: {  	[sflag:s23] =	ssyncset.done $0x0  }
0x34: {  	s12 =	simm.s32 $0xC8;
	[sflag:s23] =	ssyncadd.s32 $0xFFFFEC00  }
0x35: {  	[tilespmem:s14], [sflag:$0x1] =	stream.indirect.gather [hbm4b:s4+s13], $0x80, s12, s13, $0xb8;
	[tilespmem:$0x1F260] =	vst v63  }
0x36: {  	_ =	swait.ge [sflag:s25], $0x1400  }
0x37: {  	[sflag:s25] =	ssyncset.done $0x0  }
0x38: {  	s16 =	simm.s32 $0x2738;
	[sflag:s25] =	ssyncadd.s32 $0xFFFFEC00  }
0x39: {  	[spmem:s2] =	stream.indirect.scatter.add.f32 [tilespmem:s15], [sflag:$0x7], $0x80, s16, s13, $0xb8;
	[tilespmem:$0x1F260] =	vst v63  }
0x3a: {  	_ =	swait.ge [sflag:s26], $0x1400  }
0x3b: {  	[sflag:s26] =	ssyncset.done $0x0  }
0x3c: {  	s12 =	simm.s32 $0xF0;
	[sflag:s26] =	ssyncadd.s32 $0xFFFFEC00  }
0x3d: {  	[tilespmem:s15], [sflag:$0x2] =	stream.indirect.gather [hbm4b:s4+s13], $0x80, s12, s13, $0xb8;
	[tilespmem:$0x1F260] =	vst v63  }
0x3e: {  	_ =	swait.ge [sflag:s28], $0x1400  }
0x3f: {  	[sflag:s28] =	ssyncset.done $0x0  }
0x40: {  	s16 =	simm.s32 $0x2760;
	[sflag:s28] =	ssyncadd.s32 $0xFFFFEC00  }
0x41: {  	[spmem:s2] =	stream.indirect.scatter.add.f32 [tilespmem:s17], [sflag:$0x8], $0x80, s16, s13, $0xb8;
	[tilespmem:$0x1F260] =	vst v63  }
0x42: {  	_ =	swait.ge [sflag:s29], $0x1400  }
0x43: {  	[sflag:s29] =	ssyncset.done $0x0  }
0x44: {  	s12 =	simm.s32 $0x118;
	[sflag:s29] =	ssyncadd.s32 $0xFFFFEC00  }
0x45: {  	[tilespmem:s17], [sflag:$0x3] =	stream.indirect.gather [hbm4b:s4+s13], $0x80, s12, s13, $0xb8;
	[tilespmem:$0x1F260] =	vst v63  }
0x46: {  	_ =	swait.ge [sflag:s30], $0x1400  }
0x47: {  	[sflag:s30] =	ssyncset.done $0x0  }
0x48: {  	s16 =	simm.s32 $0x2788;
	[sflag:s30] =	ssyncadd.s32 $0xFFFFEC00  }
0x49: {  	[spmem:s2] =	stream.indirect.scatter.add.f32 [tilespmem:s19], [sflag:$0x9], $0x80, s16, s13, $0xb8;
	[tilespmem:$0x1F260] =	vst v63  }
0x4a: {  	_ =	swait.ge [sflag:s31], $0x1400  }
0x4b: {  	[sflag:s31] =	ssyncset.done $0x0  }
0x4c: {  	s12 =	simm.s32 $0x140;
	[sflag:s31] =	ssyncadd.s32 $0xFFFFEC00  }
0x4d: {  	[tilespmem:s19], [sflag:$0x4] =	stream.indirect.gather [hbm4b:s4+s13], $0x80, s12, s13, $0xb8;
	[tilespmem:$0x1F260] =	vst v63  }
0x4e: {  	_ =	swait.ge [sflag:s0], $0x1400  }
0x4f: {  	[sflag:s0] =	ssyncset.done $0x0  }
0x50: {  	s16 =	simm.s32 $0x27B0;
	[sflag:s0] =	ssyncadd.s32 $0xFFFFEC00  }
0x51: {  	[spmem:s2] =	stream.indirect.scatter.add.f32 [tilespmem:s21], [sflag:$0xA], $0x80, s16, s13, $0xb8;
	[tilespmem:$0x1F260] =	vst v63  }
0x52: {  	_ =	swait.ge [sflag:s1], $0x1400  }
0x53: {  	p0 =	por p1, p1;
	[sflag:s1] =	ssyncset.done $0x0  }
0x54: {  	s3 =	simm.s32 $0x320;
	s12 =	simm.s32 $0x168;
	[sflag:s1] =	ssyncadd.s32 $0xFFFFEC00  }
.LBB2_3:
0x55: {  	[tilespmem:s21], [sflag:$0x5] =	stream.indirect.gather [hbm4b:s4+s13], $0x80, s12, s13, $0xb8;
	[tilespmem:$0x1F260] =	vst v63  }
0x56: {  	s12 =	smov.u32 s3  }
0x57: {  	p1 =	sne.s32 s3, $0x9600;
	s3 =	sadd.s32 $0x320, s3;
	_ =	swait.ge [sflag:s22], $0x1400  }
0x58: {  	s12 =	sshra.s32 s12, $0x2;
	[sflag:s22] =	ssyncset.done $0x0  }
0x59: {  	s16 =	sadd.s32 $0x2710, s12;
	[sflag:s22] =	ssyncadd.s32 $0xFFFFEC00  }
0x5a: {  	[spmem:s2] =	stream.indirect.scatter.add.f32 [tilespmem:s14], [sflag:$0x6], $0x80, s16, s13, $0xb8;
	[tilespmem:$0x1F260] =	vst v63  }
0x5b: {  	_ =	swait.ge [sflag:s23], $0x1400  }
0x5c: {  	[sflag:s23] =	ssyncset.done $0x0  }
0x5d: {  	s16 =	sadd.s32 $0xC8, s12;
	[sflag:s23] =	ssyncadd.s32 $0xFFFFEC00  }
0x5e: {  	[tilespmem:s14], [sflag:$0x1] =	stream.indirect.gather [hbm4b:s4+s13], $0x80, s16, s13, $0xb8;
	[tilespmem:$0x1F260] =	vst v63  }
0x5f: {  	_ =	swait.ge [sflag:s25], $0x1400  }
0x60: {  	[sflag:s25] =	ssyncset.done $0x0  }
0x61: {  	s16 =	sadd.s32 $0x2738, s12;
	[sflag:s25] =	ssyncadd.s32 $0xFFFFEC00  }
0x62: {  	[spmem:s2] =	stream.indirect.scatter.add.f32 [tilespmem:s15], [sflag:$0x7], $0x80, s16, s13, $0xb8;
	[tilespmem:$0x1F260] =	vst v63  }
0x63: {  	_ =	swait.ge [sflag:s26], $0x1400  }
0x64: {  	[sflag:s26] =	ssyncset.done $0x0  }
0x65: {  	s16 =	sadd.s32 $0xF0, s12;
	[sflag:s26] =	ssyncadd.s32 $0xFFFFEC00  }
0x66: {  	[tilespmem:s15], [sflag:$0x2] =	stream.indirect.gather [hbm4b:s4+s13], $0x80, s16, s13, $0xb8;
	[tilespmem:$0x1F260] =	vst v63  }
0x67: {  	_ =	swait.ge [sflag:s28], $0x1400  }
0x68: {  	[sflag:s28] =	ssyncset.done $0x0  }
0x69: {  	s16 =	sadd.s32 $0x2760, s12;
	[sflag:s28] =	ssyncadd.s32 $0xFFFFEC00  }
0x6a: {  	[spmem:s2] =	stream.indirect.scatter.add.f32 [tilespmem:s17], [sflag:$0x8], $0x80, s16, s13, $0xb8;
	[tilespmem:$0x1F260] =	vst v63  }
0x6b: {  	_ =	swait.ge [sflag:s29], $0x1400  }
0x6c: {  	[sflag:s29] =	ssyncset.done $0x0  }
0x6d: {  	s16 =	sadd.s32 $0x118, s12;
	[sflag:s29] =	ssyncadd.s32 $0xFFFFEC00  }
0x6e: {  	[tilespmem:s17], [sflag:$0x3] =	stream.indirect.gather [hbm4b:s4+s13], $0x80, s16, s13, $0xb8;
	[tilespmem:$0x1F260] =	vst v63  }
0x6f: {  	_ =	swait.ge [sflag:s30], $0x1400  }
0x70: {  	[sflag:s30] =	ssyncset.done $0x0  }
0x71: {  	s16 =	sadd.s32 $0x2788, s12;
	[sflag:s30] =	ssyncadd.s32 $0xFFFFEC00  }
0x72: {  	[spmem:s2] =	stream.indirect.scatter.add.f32 [tilespmem:s19], [sflag:$0x9], $0x80, s16, s13, $0xb8;
	[tilespmem:$0x1F260] =	vst v63  }
0x73: {  	_ =	swait.ge [sflag:s31], $0x1400  }
0x74: {  	[sflag:s31] =	ssyncset.done $0x0  }
0x75: {  	s16 =	sadd.s32 $0x140, s12;
	[sflag:s31] =	ssyncadd.s32 $0xFFFFEC00  }
0x76: {  	[tilespmem:s19], [sflag:$0x4] =	stream.indirect.gather [hbm4b:s4+s13], $0x80, s16, s13, $0xb8;
	[tilespmem:$0x1F260] =	vst v63  }
0x77: {  	_ =	swait.ge [sflag:s0], $0x1400  }
0x78: {  	[sflag:s0] =	ssyncset.done $0x0  }
.Ltmp0:
0x79: {  	s16 =	sadd.s32 $0x27B0, s12;
	[sflag:s0] =	ssyncadd.s32 $0xFFFFEC00;
	(pc) =	sbr.rel @p1 .LBB2_3-.Ltmp0, $4  }
0x7a: {  	[spmem:s2] =	stream.indirect.scatter.add.f32 [tilespmem:s21], [sflag:$0xA], $0x80, s16, s13, $0xb8;
	[tilespmem:$0x1F260] =	vst v63  }
0x7b: {  	_ =	swait.ge [sflag:s1], $0x1400  }
0x7c: {  	[sflag:s1] =	ssyncset.done $0x0  }
0x7d: {  	s12 =	sadd.s32 $0x168, s12;
	[sflag:s1] =	ssyncadd.s32 $0xFFFFEC00  }
0x7e: {  	[tilespmem:s21], [sflag:$0x5] =	stream.indirect.gather [hbm4b:s4+s13], $0x80, s12, s13, $0xb8;
	[tilespmem:$0x1F260] =	vst v63  }
0x7f: {  	_ =	swait.ge [sflag:s22], $0x1400  }
0x80: {  	[sflag:s22] =	ssyncset.done $0x0  }
0x81: {  	[sflag:s22] =	ssyncadd.s32 $0xFFFFEC00  }
0x82: {  	[spmem:s2] =	stream.indirect.scatter.add.f32 [tilespmem:s14], [sflag:$0x6], $0x80, s5, s13, $0xb8;
	[tilespmem:$0x1F260] =	vst v63  }
0x83: {  	_ =	swait.ge [sflag:s25], $0x1400  }
0x84: {  	[sflag:s25] =	ssyncset.done $0x0  }
0x85: {  	[sflag:s25] =	ssyncadd.s32 $0xFFFFEC00  }
0x86: {  	[spmem:s2] =	stream.indirect.scatter.add.f32 [tilespmem:s15], [sflag:$0x7], $0x80, s9, s13, $0xb8;
	[tilespmem:$0x1F260] =	vst v63  }
0x87: {  	_ =	swait.ge [sflag:s28], $0x1400  }
0x88: {  	[sflag:s28] =	ssyncset.done $0x0  }
0x89: {  	[sflag:s28] =	ssyncadd.s32 $0xFFFFEC00  }
0x8a: {  	[spmem:s2] =	stream.indirect.scatter.add.f32 [tilespmem:s17], [sflag:$0x8], $0x80, s24, s13, $0xb8;
	[tilespmem:$0x1F260] =	vst v63  }
0x8b: {  	_ =	swait.ge [sflag:s30], $0x1400  }
0x8c: {  	[sflag:s30] =	ssyncset.done $0x0  }
0x8d: {  	[sflag:s30] =	ssyncadd.s32 $0xFFFFEC00  }
0x8e: {  	[spmem:s2] =	stream.indirect.scatter.add.f32 [tilespmem:s19], [sflag:$0x9], $0x80, s6, s13, $0xb8;
	[tilespmem:$0x1F260] =	vst v63  }
0x8f: {  	_ =	swait.ge [sflag:s0], $0x1400  }
0x90: {  	[sflag:s0] =	ssyncset.done $0x0  }
0x91: {  	[sflag:s0] =	ssyncadd.s32 $0xFFFFEC00  }
0x92: {  	[spmem:s2] =	stream.indirect.scatter.add.f32 [tilespmem:s21], [sflag:$0xA], $0x80, s10, s13, $0xb8;
	[tilespmem:$0x1F260] =	vst v63  }
0x93: {  	_ =	swait.ge [sflag:s23], $0x1400  }
0x94: {  	[sflag:s23] =	ssyncset.done $0x0  }
0x95: {  	[sflag:s23] =	ssyncadd.s32 $0xFFFFEC00  }
0x96: {  	_ =	swait.ge [sflag:s26], $0x1400  }
0x97: {  	[sflag:s26] =	ssyncset.done $0x0  }
0x98: {  	[sflag:s26] =	ssyncadd.s32 $0xFFFFEC00  }
0x99: {  	_ =	swait.ge [sflag:s29], $0x1400  }
0x9a: {  	[sflag:s29] =	ssyncset.done $0x0  }
0x9b: {  	[sflag:s29] =	ssyncadd.s32 $0xFFFFEC00  }
0x9c: {  	_ =	swait.ge [sflag:s31], $0x1400  }
.Ltmp1:
0x9d: {  	[sflag:s31] =	ssyncset.done $0x0;
	(pc) =	sbr.rel @p0 .LBB2_2-.Ltmp1, $4  }
0x9e: {  	[sflag:s31] =	ssyncadd.s32 $0xFFFFEC00  }
0x9f: {  	_ =	swait.ge [sflag:s1], $0x1400  }
0xa0: {  	[sflag:s1] =	ssyncset.done $0x0  }
0xa1: {  	s3 =	simm.s32 $0x4E2;
	p1 =	por $0x0, $0x0;
	[sflag:s1] =	ssyncadd.s32 $0xFFFFEC00  }
0xa2: {  	[bflag:$0x0] =	sbarrier.arrive $0xFFFF  }
0xa3: {  	s16 =	rddreg [dreg:$0x5]  }
0xa4: {  	s18 =	rddreg [dreg:$0x7]  }
0xa5: {  	s3 =	rddreg [dreg:$0x8]  }
0xa6: {  	[hbm:s3], [sflag:s16] =	dma.local [spmem:s18], $0x2800  }
0xa7: {  	_ =	swait.ge [sflag:s11], $0x2800  }
0xa8: {  	s12 =	rddreg [dreg:$0x3]  }
0xa9: {  	s3 =	rddreg [dreg:$0x6];
	s12 =	sadd.s32 $0x1, s12  }
0xaa: {  	p0 =	sne.s32 s12, s3  }
.Ltmp2:
0xab: {  	_ = 	snop;
	(pc) =	sbr.rel @p0 .LBB2_1-.Ltmp2, $3  }
0xac: {  	_ =	sdelay $0x1  }
0xad: {  	[sflag:s11] =	ssyncset.done $0x0  }
0xae: {  	[sflag:s11] =	ssyncadd.s32 $0xFFFFD800  }
0xaf: {  	_ =	sfence.sel $0x180000  }
0xb0: {  	[bflag:$0x0] =	sbarrier.arrive $0xFFFF  }
0xb1: {  	_ =	strace $0x9000004A  }
0xb2: {  	s0 =	stileid.u32;
	[bflag:$0x2] =	sbarrier.arrive $0xFFFF  }
0xb3: {  	p0 =	sne.s32 s0, $0x0;
	s0 =	rddreg [dreg:$0x2]  }
0xb4: {  	s0 =	sadd.s32 @!p0 $0x100000, s0  }
0xb5: {  	[sflag:s0] =	ssyncadd.tile.s32 @!p0 $0x1;
	_ =	shalt  }
.Lfunc_end2:
_tile_overlayer_lowered:
.L_overlay_start_2:
0xb6: {  	(tag) =	ssettag $0x2  }
0xb7: {  	s0 =	rddreg [dreg:$0x0];
	s2 =	stileid.u32  }
0xb8: {  	s1 =	rddreg [dreg:$0x1];
	p0 =	sne.s32 s2, $0x0  }
0xb9: {  	s3 =	rddreg [dreg:$0x2];
	[bflag:$0x3] =	sbarrier.arrive $0xFFFF;
	s2 =	simm.s32 @!p0 $0x1C0B  }
0xba: {  	[timem:s3], [sflag:s2] =	dma.local @!p0 [hbm:s0], s1  }
0xbb: {  	s0 =	simm.s32 @!p0 $0xB  }
0xbc: {  	_ =	swait.ge @!p0 [sflag:s0], s1  }
0xbd: {  	s1 =	ssub.s32 @!p0 $0x0, s1;
	[sflag:s0] =	ssyncset.done @!p0 $0x0  }
0xbe: {  	[sflag:s0] =	ssyncadd.s32 @!p0 s1  }
0xbf: {  	[bflag:$0x3] =	sbarrier.arrive $0xFFFF  }
0xc0: {  	_ =	shalt  }

// kernel: kernel.14.cloned.1.call-start
scs
__scs_entry_jumppad:
0x0: {  	(pc) =	sbr.rel $0x88, $3  }
0x1: {  	(tag) =	ssettag $0x0;
	lr =	simm.s32 $0x1  }
0x2: {  	[smem:$0x3F88] =	sst lr;
	_ =	strace $0xD0000000  }
0x3: {  	_ = 	snop  }
0x4: {  	_ = 	snop  }
0x5: {  	_ = 	snop  }
0x6: {  	_ = 	snop  }
0x7: {  	_ = 	snop  }
__scs_overlays_trampoline_lowered:
0x8: {  	[smem:$0x3F97] =	sst s0  }
0x9: {  	[smem:$0x3F98] =	sst s1  }
0xa: {  	[smem:$0x3F99] =	sst s2  }
0xb: {  	[smem:$0x3F9A] =	sst s3  }
0xc: {  	[smem:$0x3F9B] =	sst s4  }
0xd: {  	[smem:$0x3F9C] =	sst s5  }
0xe: {  	[smem:$0x3F9D] =	sst s6  }
0xf: {  	[smem:$0x3F9E] =	sst s7  }
0x10: {  	[smem:$0x3F9F] =	sst s8  }
0x11: {  	[smem:$0x3FA0] =	sst s9;
	s0 =	simm.s32 @!p0 $0x0  }
0x12: {  	s1 =	sld [smem:$0x3F86];
	s0 =	simm.s32 @p0 $0x1  }
0x13: {  	[smem:$0x3FA1] =	sst s0;
	s0 =	simm.s32 @!p1 $0x0  }
0x14: {  	s2 =	sld [smem:$0x3F85];
	s0 =	simm.s32 @p1 $0x1  }
0x15: {  	[smem:$0x3FA2] =	sst s0;
	s0 =	simm.s32 @!p2 $0x0  }
0x16: {  	s3 =	sld [smem:$0x3FDB];
	s0 =	simm.s32 @p2 $0x1  }
0x17: {  	s4 =	simm.s32 $0x1BF5;
	[smem:$0x3FA4] =	sst s0  }
0x18: {  	s0 =	sld [smem:$0x3F87];
	_ =	swait.ge [sflag:s4], $0x0  }
0x19: {  	s7 =	sld [smem:$0x3F88]  }
0x1a: {  	s8 =	sadd.s32 $0xFFFFE003, lr  }
0x1b: {  	s9 =	sadd.s32 $0xFFFFFEF7, lr;
	s5 =	simm.s32 $0xFFFFFFFF;
	p2 =	slt.u32 s8, $0xFFFFF086  }
0x1c: {  	p1 =	slt.u32 s9, $0xF7A;
	s5 =	simm.s32 @!p2 $0x0  }
0x1d: {  	s5 =	simm.s32 @p1 $0x1;
	p0 =	seq.s32 s7, s2  }
0x1e: {  	s7 =	smul.u32 @!p0 $0xF7A, s2;
	p2 =	seq.s32 @!p0 s5, $0x0  }
0x1f: {  	s9 =	smul.u32 $0xF7A, s1;
	s8 =	simm.s32 @!p0 $0x1BF5;
	p2 =	por !p2, p0  }
0x20: {  	[sflag:s8] =	ssyncset.s32 @!p0 $0xFFFFF086;
	s6 =	sadd.s32 @!p0 s3, s7;
	s7 =	simm.s32 @!p0 $0x108  }
0x21: {  	s3 =	sadd.s32 s3, s9;
	s6 =	sadd.s32 @!p0 $0x88, s6;
	s7 =	simm.s32 @p2 $0x1082  }
0x22: {  	[simem:s7], [sflag:s8] =	dma.local @!p0 [hbm:s6], $0xF7A  }
0x23: {  	s9 =	sor.u32 $0xD0000000, s2;
	s6 =	simm.s32 $0x108;
	_ =	swait.ge @!p0 [sflag:s8], $0x0  }
0x24: {  	s3 =	sadd.s32 $0x88, s3;
	s6 =	simm.s32 @!p1 $0x1082;
	[sflag:s4] =	ssyncset.s32 $0xFFFFF086  }
0x25: {  	[simem:s6], [sflag:s4] =	dma.local [hbm:s3], $0xF7A  }
0x26: {  	[smem:$0x3F88] =	sst s1;
	(tag) =	ssettag s2;
	_ =	strace s9  }
0x27: {  	s1 =	sld [smem:$0x3F98]  }
0x28: {  	s2 =	sld [smem:$0x3F99]  }
0x29: {  	s4 =	sld [smem:$0x3F9B]  }
0x2a: {  	p0 =	seq.s32 s5, $0x0;
	s5 =	sld [smem:$0x3F9C]  }
0x2b: {  	s6 =	sld [smem:$0x3F9D]  }
0x2c: {  	s7 =	sld [smem:$0x3F9E]  }
0x2d: {  	s3 =	simm.s32 $0x108;
	s8 =	sld [smem:$0x3F9F]  }
0x2e: {  	s3 =	simm.s32 @!p0 $0x1082;
	s9 =	sld [smem:$0x3FA0]  }
0x2f: {  	lr =	sadd.s32 s0, s3;
	s0 =	sld [smem:$0x3F97]  }
0x30: {  	s3 =	sld [smem:$0x3F9A]  }
0x31: {  	[smem:$0x3FA3] =	sst s10  }
0x32: {  	s10 =	sld [smem:$0x3FA1];
	_ =	sdelay $0x3  }
0x33: {  	p0 =	seq.s32 s10, $0x1;
	s10 =	sld [smem:$0x3FA3];
	_ =	sdelay $0x3  }
0x34: {  	[smem:$0x3FA3] =	sst s10  }
0x35: {  	s10 =	sld [smem:$0x3FA2];
	_ =	sdelay $0x3  }
0x36: {  	p1 =	seq.s32 s10, $0x1;
	s10 =	sld [smem:$0x3FA3];
	_ =	sdelay $0x3  }
0x37: {  	[smem:$0x3FA3] =	sst s10  }
0x38: {  	s10 =	sld [smem:$0x3FA4]  }
0x39: {  	_ = 	snop;
	(pc) =	sbr.ind lr, $3  }
0x3a: {  	_ = 	snop  }
0x3b: {  	_ = 	snop  }
0x3c: {  	p2 =	seq.s32 s10, $0x1;
	s10 =	sld [smem:$0x3FA3]  }
0x3d: {  	_ =	shalt  }
0x3e: {  	_ =	shalt  }
0x3f: {  	_ =	shalt  }
0x40: {  	_ =	shalt  }
0x41: {  	_ =	shalt  }
0x42: {  	_ =	shalt  }
0x43: {  	_ =	shalt  }
0x44: {  	_ =	shalt  }
0x45: {  	_ =	shalt  }
0x46: {  	_ =	shalt  }
0x47: {  	_ =	shalt  }
0x48: {  	_ =	shalt  }
0x49: {  	_ =	shalt  }
0x4a: {  	_ =	shalt  }
0x4b: {  	_ =	shalt  }
0x4c: {  	_ =	shalt  }
0x4d: {  	_ =	shalt  }
0x4e: {  	_ =	shalt  }
0x4f: {  	_ =	shalt  }
0x50: {  	_ =	shalt  }
0x51: {  	_ =	shalt  }
0x52: {  	_ =	shalt  }
0x53: {  	_ =	shalt  }
0x54: {  	_ =	shalt  }
0x55: {  	_ =	shalt  }
0x56: {  	_ =	shalt  }
0x57: {  	_ =	shalt  }
0x58: {  	_ =	shalt  }
0x59: {  	_ =	shalt  }
0x5a: {  	_ =	shalt  }
0x5b: {  	_ =	shalt  }
0x5c: {  	_ =	shalt  }
0x5d: {  	_ =	shalt  }
0x5e: {  	_ =	shalt  }
0x5f: {  	_ =	shalt  }
0x60: {  	_ =	shalt  }
0x61: {  	_ =	shalt  }
0x62: {  	_ =	shalt  }
0x63: {  	_ =	shalt  }
0x64: {  	_ =	shalt  }
0x65: {  	_ =	shalt  }
0x66: {  	_ =	shalt  }
0x67: {  	_ =	shalt  }
0x68: {  	_ =	shalt  }
0x69: {  	_ =	shalt  }
0x6a: {  	_ =	shalt  }
0x6b: {  	_ =	shalt  }
0x6c: {  	_ =	shalt  }
0x6d: {  	_ =	shalt  }
0x6e: {  	_ =	shalt  }
0x6f: {  	_ =	shalt  }
0x70: {  	_ =	shalt  }
0x71: {  	_ =	shalt  }
0x72: {  	_ =	shalt  }
0x73: {  	_ =	shalt  }
0x74: {  	_ =	shalt  }
0x75: {  	_ =	shalt  }
0x76: {  	_ =	shalt  }
0x77: {  	_ =	shalt  }
0x78: {  	_ =	shalt  }
0x79: {  	_ =	shalt  }
0x7a: {  	_ =	shalt  }
0x7b: {  	_ =	shalt  }
0x7c: {  	_ =	shalt  }
0x7d: {  	_ =	shalt  }
0x7e: {  	_ =	shalt  }
0x7f: {  	_ =	shalt  }
0x80: {  	_ =	shalt  }
0x81: {  	_ =	shalt  }
0x82: {  	_ =	shalt  }
0x83: {  	_ =	shalt  }
0x84: {  	_ =	shalt  }
0x85: {  	_ =	shalt  }
0x86: {  	_ =	shalt  }
0x87: {  	_ =	shalt  }
.Lfunc_end0:
.L_simem_size_0:
called_computation.2_lowered:
.L_overlay_start_0:
0x88: {  	s2 =	sld [smem:$0x3FD9]  }
0x89: {  	s3 =	sld [smem:$0x3FFE];
	_ =	sdelay $0x1  }
0x8a: {  	s1 =	srdreg.scid  }
0x8b: {  	s0 =	sand.u32 $0x1, s1  }
0x8c: {  	s16 =	sshll.u32 s0, $0xA;
	s2 =	sadd.s32 s3, s2  }
0x8d: {  	s2 =	sadd.s32 s2, s16  }
0x8e: {  	[smem:$0x3FAF] =	sst s2  }
0x8f: {  	_ = 	snop  }
0x90: {  	(tm) =	ssettm $0x1  }
0x91: {  	s17 =	sld [smem:$0x3FFB];
	_ =	sdelay $0x3  }
0x92: {  	_ =	strace s17  }
0x93: {  	s2 =	sld [smem:$0x3FFC];
	_ =	sdelay $0x3  }
0x94: {  	_ =	strace s2  }
0x95: {  	s2 =	sld [smem:$0x3FFD];
	_ =	sdelay $0x3  }
0x96: {  	_ =	strace s2  }
0x97: {  	_ =	strace $0x8FFFFFFF  }
0x98: {  	s18 =	sld [smem:$0x3FDB];
	_ =	sdelay $0x1  }
0x99: {  	s19 =	simm.s32 $_scs_section_size  }
0x9a: {  	s4 =	simm.s32 $_size__tile_overlayer_lowered;
	s5 =	simm.s32 $_tile_overlayer_lowered  }
0x9b: {  	s22 =	simm.s32 $0x1BFF;
	s21 =	sshll.u32 s5, $0x1;
	s2 =	sadd.s32 s19, s18  }
0x9c: {  	s6 =	simm.s32 $0x0;
	s20 =	sshll.u32 s4, $0x1;
	s4 =	sadd.s32 s21, s2  }
0x9d: {  	[timem:s6], [sflag:s22] =	dma.local [hbm:s4], s20  }
0x9e: {  	_ =	swait.ge [sflag:s22], s20  }
0x9f: {  	s3 =	ssub.s32 $0x0, s20;
	[sflag:s22] =	ssyncset.done $0x0  }
0xa0: {  	[sflag:s22] =	ssyncadd.s32 s3;
	_ =	sdelay $0x1  }
0xa1: {  	s23 =	simm.s32 $0x1B8B  }
0xa2: {  	_ =	swait.ge [sflag:s23], $0x1  }
0xa3: {  	[sflag:s23] =	ssyncset.done $0x0  }
0xa4: {  	s25 =	simm.s32 $0x1B8E;
	s24 =	sld [smem:$0x3FFE];
	[sflag:s23] =	ssyncadd.s32 $0xFFFFFFFF  }
0xa5: {  	s26 =	simm.s32 $execute0_lowered;
	[smem:$0x3FD2] =	sst s25  }
0xa6: {  	s4 =	sshll.u32 s26, $0x1;
	_ =	strace $0x8000004C;
	[dreg:$0x1] =	wrdreg $0xFFFFFFFF  }
0xa7: {  	s28 =	simm.s32 $_size_execute0_lowered;
	s2 =	sadd.s32 s2, s4;
	[dreg:$0x0] =	wrdreg $0x0  }
0xa8: {  	s4 =	sshll.u32 s28, $0x1;
	[dreg:$0x2] =	wrdreg s2  }
0xa9: {  	[dreg:$0x3] =	wrdreg s4  }
0xaa: {  	[dreg:$0x4] =	wrdreg $0xC0  }
0xab: {  	_ =	task [dreg:s6], $0x5FFFF  }
0xac: {  	[dreg:$0x1] =	wrdreg $0xFFFFFFFF  }
0xad: {  	[dreg:$0x0] =	wrdreg $0x60  }
0xae: {  	[dreg:$0x2] =	wrdreg s24  }
0xaf: {  	[dreg:$0x3] =	wrdreg $0x4E200  }
0xb0: {  	[dreg:$0x4] =	wrdreg $0x9  }
0xb1: {  	_ =	task.clear_ibuf [dreg:s6], $0x5FFFF;
	_ =	strace $0x9000004C  }
0xb2: {  	s29 =	simm.s32 $0x9;
	_ =	strace $0x8000004E  }
0xb3: {  	_ =	swait.ge [sflag:s29], $0x1  }
0xb4: {  	[sflag:s29] =	ssyncadd.s32 $0xFFFFFFFF  }
0xb5: {  	_ =	strace $0x9000004E  }
0xb6: {  	_ =	sfence  }
0xb7: {  	s30 =	sld [smem:$0x0];
	_ =	sdelay $0x2  }
0xb8: {  	s31 =	sshll.u32 s1, $0xD;
	s1 =	sshrl.u32 s1, $0x2  }
0xb9: {  	s3 =	sand.u32 $0x4000, s31;
	s1 =	sadd.s32 s1, s30  }
0xba: {  	s0 =	sor.u32 s3, s0;
	s1 =	sshll.u32 s1, $0x11  }
0xbb: {  	s0 =	sor.u32 s1, s0  }
0xbc: {  	s0 =	sadd.s32 $0x8F2B, s0  }
0xbd: {  	[sflag:s0] =	ssyncadd.remote.s32 $0x1  }
0xbe: {  	_ =	sfence.sel $0xFFFF  }
0xbf: {  	[dreg:$0x0] =	wrdreg $0xFFFFFFFF;
	(pc) =	sbr.abs _section_cstart, $3  }
0xc0: {  	[dreg:$0x1] =	wrdreg $0xFFFFFFFF  }
0xc1: {  	_ =	task.clear_ibuf [dreg:s6], $0x2FFFF;
	_ =	strace $0x9FFFFFFF  }
0xc2: {  	(tm) =	ssettm $0x7FFFFFFF  }
0xc3: {  	_ =	shalt  }
tec
execute0_lowered:
.L_overlay_start_1:
0x0: {  	(tag) =	ssettag $0x1  }
0x1: {  	s0 =	rddreg [dreg:$0x0];
	s1 =	srdreg.scid  }
0x2: {  	s2 =	rddreg [dreg:$0x1];
	s8 =	stileid.u32;
	s12 =	simm.s32 $0x0  }
0x3: {  	s11 =	simm.s32 $0xB;
	s13 =	simm.s32 $0x28;
	s14 =	simm.s32 $0x18E60  }
0x4: {  	s15 =	simm.s32 $0x1A260;
	s17 =	simm.s32 $0x1B660;
	s19 =	simm.s32 $0x1CA60  }
0x5: {  	s20 =	simm.s32 $0xA0;
	s21 =	simm.s32 $0x1DE60;
	s22 =	simm.s32 $0x1  }
0x6: {  	s23 =	simm.s32 $0x6;
	s28 =	simm.s32 $0x3;
	s29 =	simm.s32 $0x8  }
0x7: {  	s30 =	simm.s32 $0x4;
	s31 =	simm.s32 $0x9;
	s4 =	smul.u32 $0x4E20, s8  }
0x8: {  	s9 =	simm.s32 $0x4D80;
	s1 =	sand.u32 $0x1, s1;
	s6 =	smul.u32 $0x14000, s8  }
0x9: {  	s10 =	simm.s32 $0x4DF8;
	[smem:$0x7FF] =	sst s12;
	s3 =	smul.u32 $0x4E200, s1  }
0xa: {  	s26 =	sshll.u32 s8, $0x6;
	_ =	strace $0x8000004D;
	s5 =	smul.u32 $0x28000, s1  }
0xb: {  	s1 =	ssub.s32 $0x2, s1;
	s16 =	sor.u32 $0x1C0B, s26;
	s26 =	simm.s32 $0x7  }
0xc: {  	s7 =	sshrl.u32 s1, $0x1;
	s24 =	sshrl.u32 s6, $0x3;
	s6 =	sadd.s32 s6, s2  }
0xd: {  	[dreg:$0x5] =	wrdreg s16;
	s3 =	sadd.s32 s4, s3;
	s4 =	sadd.s32 $0x2C200, s0  }
0xe: {  	s1 =	ssub.s32 s1, s7;
	s18 =	sshrl.u32 s6, $0x3;
	s6 =	simm.s32 $0x4DD0  }
0xf: {  	s3 =	sshrl.u32 s3, $0x3;
	s25 =	sadd.s32 s4, s24;
	[dreg:$0x7] =	wrdreg s18  }
0x10: {  	s1 =	smax.u32 s1, $0x1;
	s3 =	sadd.s32 s3, s0;
	[dreg:$0x4] =	wrdreg s25  }
0x11: {  	s0 =	sadd.s32 s5, s0;
	[dreg:$0x6] =	wrdreg s1;
	s25 =	simm.s32 $0x2  }
0x12: {  	s1 =	simm.s32 $0xA;
	s5 =	simm.s32 $0x4D58;
	s0 =	sadd.s32 $0x54200, s0  }
0x13: {  	s7 =	sadd.s32 $0x18800, s3;
	s8 =	sadd.s32 $0x4E00, s3;
	s0 =	sadd.s32 s24, s0  }
0x14: {  	s24 =	simm.s32 $0x4DA8;
	[dreg:$0x8] =	wrdreg s0;
	s0 =	simm.s32 $0x5  }
.LBB2_1:
0x15: {  	[dreg:$0x3] =	wrdreg s12  }
0x16: {  	s3 =	rddreg [dreg:$0x4]  }
0x17: {  	[spmem:s18], [sflag:s16] =	dma.local [hbm:s3], $0x2800  }
0x18: {  	_ =	swait.ge [sflag:s11], $0x2800  }
0x19: {  	[sflag:s11] =	ssyncset.done $0x0  }
0x1a: {  	p1 =	por $0x1, $0x1;
	[sflag:s11] =	ssyncadd.s32 $0xFFFFD800  }
0x1b: {  	s3 =	simm.s32 $0x0;
	s18 =	simm.s32 $0x2710;
	[bflag:$0x0] =	sbarrier.arrive $0xFFFF  }
.LBB2_2:
0x1c: {  	s12 =	sadd.s32 s3, s7;
	s16 =	simm.s32 $0x0  }
0x1d: {  	[tilespmem:s16], [sflag:$0xB] =	stream.linear.gather [hbm4b:s12+s16], $0x2710, $0x38;
	[tilespmem:$0x1F260] =	vst v63  }
0x1e: {  	_ =	swait.ge [sflag:s11], $0x2710  }
0x1f: {  	[sflag:s11] =	ssyncset.done $0x0  }
0x20: {  	s12 =	sadd.s32 s3, s8;
	[sflag:s11] =	ssyncadd.s32 $0xFFFFD8F0  }
0x21: {  	[tilespmem:s18], [sflag:$0xB] =	stream.linear.gather [hbm4b:s12+s16], $0x2710, $0x38;
	[tilespmem:$0x1F260] =	vst v63  }
0x22: {  	_ =	swait.ge [sflag:s11], $0x2710  }
0x23: {  	[sflag:s11] =	ssyncset.done $0x0  }
0x24: {  	[sflag:s11] =	ssyncadd.s32 $0xFFFFD8F0  }
0x25: {  	[tilespmem:s14], [sflag:$0x1] =	stream.indirect.gather [hbm4b:s4+s13], $0x80, s16, s13, $0xb8;
	[tilespmem:$0x1F260] =	vst v63  }
0x26: {  	_ = 	snop  }
0x27: {  	[tilespmem:s15], [sflag:$0x2] =	stream.indirect.gather [hbm4b:s4+s13], $0x80, s13, s13, $0xb8;
	[tilespmem:$0x1F260] =	vst v63  }
0x28: {  	s16 =	simm.s32 $0x50  }
0x29: {  	[tilespmem:s17], [sflag:$0x3] =	stream.indirect.gather [hbm4b:s4+s13], $0x80, s16, s13, $0xb8;
	[tilespmem:$0x1F260] =	vst v63  }
0x2a: {  	s12 =	simm.s32 $0x78  }
0x2b: {  	[tilespmem:s19], [sflag:$0x4] =	stream.indirect.gather [hbm4b:s4+s13], $0x80, s12, s13, $0xb8;
	[tilespmem:$0x1F260] =	vst v63  }
0x2c: {  	_ = 	snop  }
0x2d: {  	[tilespmem:s21], [sflag:$0x5] =	stream.indirect.gather [hbm4b:s4+s13], $0x80, s20, s13, $0xb8;
	[tilespmem:$0x1F260] =	vst v63  }
0x2e: {  	_ =	swait.ge [sflag:s22], $0x1400  }
0x2f: {  	[sflag:s22] =	ssyncset.done $0x0  }
0x30: {  	s16 =	simm.s32 $0x2710;
	[sflag:s22] =	ssyncadd.s32 $0xFFFFEC00  }
0x31: {  	[spmem:s2] =	stream.indirect.scatter.add.f32 [tilespmem:s14], [sflag:$0x6], $0x80, s16, s13, $0xb8;
	[tilespmem:$0x1F260] =	vst v63  }
0x32: {  	_ =	swait.ge [sflag:s23], $0x1400  }
0x33: {  	[sflag:s23] =	ssyncset.done $0x0  }
0x34: {  	s12 =	simm.s32 $0xC8;
	[sflag:s23] =	ssyncadd.s32 $0xFFFFEC00  }
0x35: {  	[tilespmem:s14], [sflag:$0x1] =	stream.indirect.gather [hbm4b:s4+s13], $0x80, s12, s13, $0xb8;
	[tilespmem:$0x1F260] =	vst v63  }
0x36: {  	_ =	swait.ge [sflag:s25], $0x1400  }
0x37: {  	[sflag:s25] =	ssyncset.done $0x0  }
0x38: {  	s16 =	simm.s32 $0x2738;
	[sflag:s25] =	ssyncadd.s32 $0xFFFFEC00  }
0x39: {  	[spmem:s2] =	stream.indirect.scatter.add.f32 [tilespmem:s15], [sflag:$0x7], $0x80, s16, s13, $0xb8;
	[tilespmem:$0x1F260] =	vst v63  }
0x3a: {  	_ =	swait.ge [sflag:s26], $0x1400  }
0x3b: {  	[sflag:s26] =	ssyncset.done $0x0  }
0x3c: {  	s12 =	simm.s32 $0xF0;
	[sflag:s26] =	ssyncadd.s32 $0xFFFFEC00  }
0x3d: {  	[tilespmem:s15], [sflag:$0x2] =	stream.indirect.gather [hbm4b:s4+s13], $0x80, s12, s13, $0xb8;
	[tilespmem:$0x1F260] =	vst v63  }
0x3e: {  	_ =	swait.ge [sflag:s28], $0x1400  }
0x3f: {  	[sflag:s28] =	ssyncset.done $0x0  }
0x40: {  	s16 =	simm.s32 $0x2760;
	[sflag:s28] =	ssyncadd.s32 $0xFFFFEC00  }
0x41: {  	[spmem:s2] =	stream.indirect.scatter.add.f32 [tilespmem:s17], [sflag:$0x8], $0x80, s16, s13, $0xb8;
	[tilespmem:$0x1F260] =	vst v63  }
0x42: {  	_ =	swait.ge [sflag:s29], $0x1400  }
0x43: {  	[sflag:s29] =	ssyncset.done $0x0  }
0x44: {  	s12 =	simm.s32 $0x118;
	[sflag:s29] =	ssyncadd.s32 $0xFFFFEC00  }
0x45: {  	[tilespmem:s17], [sflag:$0x3] =	stream.indirect.gather [hbm4b:s4+s13], $0x80, s12, s13, $0xb8;
	[tilespmem:$0x1F260] =	vst v63  }
0x46: {  	_ =	swait.ge [sflag:s30], $0x1400  }
0x47: {  	[sflag:s30] =	ssyncset.done $0x0  }
0x48: {  	s16 =	simm.s32 $0x2788;
	[sflag:s30] =	ssyncadd.s32 $0xFFFFEC00  }
0x49: {  	[spmem:s2] =	stream.indirect.scatter.add.f32 [tilespmem:s19], [sflag:$0x9], $0x80, s16, s13, $0xb8;
	[tilespmem:$0x1F260] =	vst v63  }
0x4a: {  	_ =	swait.ge [sflag:s31], $0x1400  }
0x4b: {  	[sflag:s31] =	ssyncset.done $0x0  }
0x4c: {  	s12 =	simm.s32 $0x140;
	[sflag:s31] =	ssyncadd.s32 $0xFFFFEC00  }
0x4d: {  	[tilespmem:s19], [sflag:$0x4] =	stream.indirect.gather [hbm4b:s4+s13], $0x80, s12, s13, $0xb8;
	[tilespmem:$0x1F260] =	vst v63  }
0x4e: {  	_ =	swait.ge [sflag:s0], $0x1400  }
0x4f: {  	[sflag:s0] =	ssyncset.done $0x0  }
0x50: {  	s16 =	simm.s32 $0x27B0;
	[sflag:s0] =	ssyncadd.s32 $0xFFFFEC00  }
0x51: {  	[spmem:s2] =	stream.indirect.scatter.add.f32 [tilespmem:s21], [sflag:$0xA], $0x80, s16, s13, $0xb8;
	[tilespmem:$0x1F260] =	vst v63  }
0x52: {  	_ =	swait.ge [sflag:s1], $0x1400  }
0x53: {  	p0 =	por p1, p1;
	[sflag:s1] =	ssyncset.done $0x0  }
0x54: {  	s3 =	simm.s32 $0x320;
	s12 =	simm.s32 $0x168;
	[sflag:s1] =	ssyncadd.s32 $0xFFFFEC00  }
.LBB2_3:
0x55: {  	[tilespmem:s21], [sflag:$0x5] =	stream.indirect.gather [hbm4b:s4+s13], $0x80, s12, s13, $0xb8;
	[tilespmem:$0x1F260] =	vst v63  }
0x56: {  	s12 =	smov.u32 s3  }
0x57: {  	p1 =	sne.s32 s3, $0x9600;
	s3 =	sadd.s32 $0x320, s3;
	_ =	swait.ge [sflag:s22], $0x1400  }
0x58: {  	s12 =	sshra.s32 s12, $0x2;
	[sflag:s22] =	ssyncset.done $0x0  }
0x59: {  	s16 =	sadd.s32 $0x2710, s12;
	[sflag:s22] =	ssyncadd.s32 $0xFFFFEC00  }
0x5a: {  	[spmem:s2] =	stream.indirect.scatter.add.f32 [tilespmem:s14], [sflag:$0x6], $0x80, s16, s13, $0xb8;
	[tilespmem:$0x1F260] =	vst v63  }
0x5b: {  	_ =	swait.ge [sflag:s23], $0x1400  }
0x5c: {  	[sflag:s23] =	ssyncset.done $0x0  }
0x5d: {  	s16 =	sadd.s32 $0xC8, s12;
	[sflag:s23] =	ssyncadd.s32 $0xFFFFEC00  }
0x5e: {  	[tilespmem:s14], [sflag:$0x1] =	stream.indirect.gather [hbm4b:s4+s13], $0x80, s16, s13, $0xb8;
	[tilespmem:$0x1F260] =	vst v63  }
0x5f: {  	_ =	swait.ge [sflag:s25], $0x1400  }
0x60: {  	[sflag:s25] =	ssyncset.done $0x0  }
0x61: {  	s16 =	sadd.s32 $0x2738, s12;
	[sflag:s25] =	ssyncadd.s32 $0xFFFFEC00  }
0x62: {  	[spmem:s2] =	stream.indirect.scatter.add.f32 [tilespmem:s15], [sflag:$0x7], $0x80, s16, s13, $0xb8;
	[tilespmem:$0x1F260] =	vst v63  }
0x63: {  	_ =	swait.ge [sflag:s26], $0x1400  }
0x64: {  	[sflag:s26] =	ssyncset.done $0x0  }
0x65: {  	s16 =	sadd.s32 $0xF0, s12;
	[sflag:s26] =	ssyncadd.s32 $0xFFFFEC00  }
0x66: {  	[tilespmem:s15], [sflag:$0x2] =	stream.indirect.gather [hbm4b:s4+s13], $0x80, s16, s13, $0xb8;
	[tilespmem:$0x1F260] =	vst v63  }
0x67: {  	_ =	swait.ge [sflag:s28], $0x1400  }
0x68: {  	[sflag:s28] =	ssyncset.done $0x0  }
0x69: {  	s16 =	sadd.s32 $0x2760, s12;
	[sflag:s28] =	ssyncadd.s32 $0xFFFFEC00  }
0x6a: {  	[spmem:s2] =	stream.indirect.scatter.add.f32 [tilespmem:s17], [sflag:$0x8], $0x80, s16, s13, $0xb8;
	[tilespmem:$0x1F260] =	vst v63  }
0x6b: {  	_ =	swait.ge [sflag:s29], $0x1400  }
0x6c: {  	[sflag:s29] =	ssyncset.done $0x0  }
0x6d: {  	s16 =	sadd.s32 $0x118, s12;
	[sflag:s29] =	ssyncadd.s32 $0xFFFFEC00  }
0x6e: {  	[tilespmem:s17], [sflag:$0x3] =	stream.indirect.gather [hbm4b:s4+s13], $0x80, s16, s13, $0xb8;
	[tilespmem:$0x1F260] =	vst v63  }
0x6f: {  	_ =	swait.ge [sflag:s30], $0x1400  }
0x70: {  	[sflag:s30] =	ssyncset.done $0x0  }
0x71: {  	s16 =	sadd.s32 $0x2788, s12;
	[sflag:s30] =	ssyncadd.s32 $0xFFFFEC00  }
0x72: {  	[spmem:s2] =	stream.indirect.scatter.add.f32 [tilespmem:s19], [sflag:$0x9], $0x80, s16, s13, $0xb8;
	[tilespmem:$0x1F260] =	vst v63  }
0x73: {  	_ =	swait.ge [sflag:s31], $0x1400  }
0x74: {  	[sflag:s31] =	ssyncset.done $0x0  }
0x75: {  	s16 =	sadd.s32 $0x140, s12;
	[sflag:s31] =	ssyncadd.s32 $0xFFFFEC00  }
0x76: {  	[tilespmem:s19], [sflag:$0x4] =	stream.indirect.gather [hbm4b:s4+s13], $0x80, s16, s13, $0xb8;
	[tilespmem:$0x1F260] =	vst v63  }
0x77: {  	_ =	swait.ge [sflag:s0], $0x1400  }
0x78: {  	[sflag:s0] =	ssyncset.done $0x0  }
.Ltmp0:
0x79: {  	s16 =	sadd.s32 $0x27B0, s12;
	[sflag:s0] =	ssyncadd.s32 $0xFFFFEC00;
	(pc) =	sbr.rel @p1 .LBB2_3-.Ltmp0, $4  }
0x7a: {  	[spmem:s2] =	stream.indirect.scatter.add.f32 [tilespmem:s21], [sflag:$0xA], $0x80, s16, s13, $0xb8;
	[tilespmem:$0x1F260] =	vst v63  }
0x7b: {  	_ =	swait.ge [sflag:s1], $0x1400  }
0x7c: {  	[sflag:s1] =	ssyncset.done $0x0  }
0x7d: {  	s12 =	sadd.s32 $0x168, s12;
	[sflag:s1] =	ssyncadd.s32 $0xFFFFEC00  }
0x7e: {  	[tilespmem:s21], [sflag:$0x5] =	stream.indirect.gather [hbm4b:s4+s13], $0x80, s12, s13, $0xb8;
	[tilespmem:$0x1F260] =	vst v63  }
0x7f: {  	_ =	swait.ge [sflag:s22], $0x1400  }
0x80: {  	[sflag:s22] =	ssyncset.done $0x0  }
0x81: {  	[sflag:s22] =	ssyncadd.s32 $0xFFFFEC00  }
0x82: {  	[spmem:s2] =	stream.indirect.scatter.add.f32 [tilespmem:s14], [sflag:$0x6], $0x80, s5, s13, $0xb8;
	[tilespmem:$0x1F260] =	vst v63  }
0x83: {  	_ =	swait.ge [sflag:s25], $0x1400  }
0x84: {  	[sflag:s25] =	ssyncset.done $0x0  }
0x85: {  	[sflag:s25] =	ssyncadd.s32 $0xFFFFEC00  }
0x86: {  	[spmem:s2] =	stream.indirect.scatter.add.f32 [tilespmem:s15], [sflag:$0x7], $0x80, s9, s13, $0xb8;
	[tilespmem:$0x1F260] =	vst v63  }
0x87: {  	_ =	swait.ge [sflag:s28], $0x1400  }
0x88: {  	[sflag:s28] =	ssyncset.done $0x0  }
0x89: {  	[sflag:s28] =	ssyncadd.s32 $0xFFFFEC00  }
0x8a: {  	[spmem:s2] =	stream.indirect.scatter.add.f32 [tilespmem:s17], [sflag:$0x8], $0x80, s24, s13, $0xb8;
	[tilespmem:$0x1F260] =	vst v63  }
0x8b: {  	_ =	swait.ge [sflag:s30], $0x1400  }
0x8c: {  	[sflag:s30] =	ssyncset.done $0x0  }
0x8d: {  	[sflag:s30] =	ssyncadd.s32 $0xFFFFEC00  }
0x8e: {  	[spmem:s2] =	stream.indirect.scatter.add.f32 [tilespmem:s19], [sflag:$0x9], $0x80, s6, s13, $0xb8;
	[tilespmem:$0x1F260] =	vst v63  }
0x8f: {  	_ =	swait.ge [sflag:s0], $0x1400  }
0x90: {  	[sflag:s0] =	ssyncset.done $0x0  }
0x91: {  	[sflag:s0] =	ssyncadd.s32 $0xFFFFEC00  }
0x92: {  	[spmem:s2] =	stream.indirect.scatter.add.f32 [tilespmem:s21], [sflag:$0xA], $0x80, s10, s13, $0xb8;
	[tilespmem:$0x1F260] =	vst v63  }
0x93: {  	_ =	swait.ge [sflag:s23], $0x1400  }
0x94: {  	[sflag:s23] =	ssyncset.done $0x0  }
0x95: {  	[sflag:s23] =	ssyncadd.s32 $0xFFFFEC00  }
0x96: {  	_ =	swait.ge [sflag:s26], $0x1400  }
0x97: {  	[sflag:s26] =	ssyncset.done $0x0  }
0x98: {  	[sflag:s26] =	ssyncadd.s32 $0xFFFFEC00  }
0x99: {  	_ =	swait.ge [sflag:s29], $0x1400  }
0x9a: {  	[sflag:s29] =	ssyncset.done $0x0  }
0x9b: {  	[sflag:s29] =	ssyncadd.s32 $0xFFFFEC00  }
0x9c: {  	_ =	swait.ge [sflag:s31], $0x1400  }
.Ltmp1:
0x9d: {  	[sflag:s31] =	ssyncset.done $0x0;
	(pc) =	sbr.rel @p0 .LBB2_2-.Ltmp1, $4  }
0x9e: {  	[sflag:s31] =	ssyncadd.s32 $0xFFFFEC00  }
0x9f: {  	_ =	swait.ge [sflag:s1], $0x1400  }
0xa0: {  	[sflag:s1] =	ssyncset.done $0x0  }
0xa1: {  	s3 =	simm.s32 $0x4E2;
	p1 =	por $0x0, $0x0;
	[sflag:s1] =	ssyncadd.s32 $0xFFFFEC00  }
0xa2: {  	[bflag:$0x0] =	sbarrier.arrive $0xFFFF  }
0xa3: {  	s16 =	rddreg [dreg:$0x5]  }
0xa4: {  	s18 =	rddreg [dreg:$0x7]  }
0xa5: {  	s3 =	rddreg [dreg:$0x8]  }
0xa6: {  	[hbm:s3], [sflag:s16] =	dma.local [spmem:s18], $0x2800  }
0xa7: {  	_ =	swait.ge [sflag:s11], $0x2800  }
0xa8: {  	s12 =	rddreg [dreg:$0x3]  }
0xa9: {  	s3 =	rddreg [dreg:$0x6];
	s12 =	sadd.s32 $0x1, s12  }
0xaa: {  	p0 =	sne.s32 s12, s3  }
.Ltmp2:
0xab: {  	_ = 	snop;
	(pc) =	sbr.rel @p0 .LBB2_1-.Ltmp2, $3  }
0xac: {  	_ =	sdelay $0x1  }
0xad: {  	[sflag:s11] =	ssyncset.done $0x0  }
0xae: {  	[sflag:s11] =	ssyncadd.s32 $0xFFFFD800  }
0xaf: {  	_ =	sfence.sel $0x180000  }
0xb0: {  	[bflag:$0x0] =	sbarrier.arrive $0xFFFF  }
0xb1: {  	_ =	strace $0x9000004D  }
0xb2: {  	s0 =	stileid.u32;
	[bflag:$0x2] =	sbarrier.arrive $0xFFFF  }
0xb3: {  	p0 =	sne.s32 s0, $0x0;
	s0 =	rddreg [dreg:$0x2]  }
0xb4: {  	s0 =	sadd.s32 @!p0 $0x100000, s0  }
0xb5: {  	[sflag:s0] =	ssyncadd.tile.s32 @!p0 $0x1;
	_ =	shalt  }
.Lfunc_end2:
_tile_overlayer_lowered:
.L_overlay_start_2:
0xb6: {  	(tag) =	ssettag $0x2  }
0xb7: {  	s0 =	rddreg [dreg:$0x0];
	s2 =	stileid.u32  }
0xb8: {  	s1 =	rddreg [dreg:$0x1];
	p0 =	sne.s32 s2, $0x0  }
0xb9: {  	s3 =	rddreg [dreg:$0x2];
	[bflag:$0x3] =	sbarrier.arrive $0xFFFF;
	s2 =	simm.s32 @!p0 $0x1C0B  }
0xba: {  	[timem:s3], [sflag:s2] =	dma.local @!p0 [hbm:s0], s1  }
0xbb: {  	s0 =	simm.s32 @!p0 $0xB  }
0xbc: {  	_ =	swait.ge @!p0 [sflag:s0], s1  }
0xbd: {  	s1 =	ssub.s32 @!p0 $0x0, s1;
	[sflag:s0] =	ssyncset.done @!p0 $0x0  }
0xbe: {  	[sflag:s0] =	ssyncadd.s32 @!p0 s1  }
0xbf: {  	[bflag:$0x3] =	sbarrier.arrive $0xFFFF  }
0xc0: {  	_ =	shalt  }

// kernel: kernel.8.cloned.1.call-start
scs
__scs_entry_jumppad:
0x0: {  	(pc) =	sbr.rel $0x88, $3  }
0x1: {  	(tag) =	ssettag $0x0;
	lr =	simm.s32 $0x1  }
0x2: {  	[smem:$0x3F88] =	sst lr;
	_ =	strace $0xD0000000  }
0x3: {  	_ = 	snop  }
0x4: {  	_ = 	snop  }
0x5: {  	_ = 	snop  }
0x6: {  	_ = 	snop  }
0x7: {  	_ = 	snop  }
__scs_overlays_trampoline_lowered:
0x8: {  	[smem:$0x3F97] =	sst s0  }
0x9: {  	[smem:$0x3F98] =	sst s1  }
0xa: {  	[smem:$0x3F99] =	sst s2  }
0xb: {  	[smem:$0x3F9A] =	sst s3  }
0xc: {  	[smem:$0x3F9B] =	sst s4  }
0xd: {  	[smem:$0x3F9C] =	sst s5  }
0xe: {  	[smem:$0x3F9D] =	sst s6  }
0xf: {  	[smem:$0x3F9E] =	sst s7  }
0x10: {  	[smem:$0x3F9F] =	sst s8  }
0x11: {  	[smem:$0x3FA0] =	sst s9;
	s0 =	simm.s32 @!p0 $0x0  }
0x12: {  	s1 =	sld [smem:$0x3F86];
	s0 =	simm.s32 @p0 $0x1  }
0x13: {  	[smem:$0x3FA1] =	sst s0;
	s0 =	simm.s32 @!p1 $0x0  }
0x14: {  	s2 =	sld [smem:$0x3F85];
	s0 =	simm.s32 @p1 $0x1  }
0x15: {  	[smem:$0x3FA2] =	sst s0;
	s0 =	simm.s32 @!p2 $0x0  }
0x16: {  	s3 =	sld [smem:$0x3FDB];
	s0 =	simm.s32 @p2 $0x1  }
0x17: {  	s4 =	simm.s32 $0x1BF5;
	[smem:$0x3FA4] =	sst s0  }
0x18: {  	s0 =	sld [smem:$0x3F87];
	_ =	swait.ge [sflag:s4], $0x0  }
0x19: {  	s7 =	sld [smem:$0x3F88]  }
0x1a: {  	s8 =	sadd.s32 $0xFFFFE003, lr  }
0x1b: {  	s9 =	sadd.s32 $0xFFFFFEF7, lr;
	s5 =	simm.s32 $0xFFFFFFFF;
	p2 =	slt.u32 s8, $0xFFFFF086  }
0x1c: {  	p1 =	slt.u32 s9, $0xF7A;
	s5 =	simm.s32 @!p2 $0x0  }
0x1d: {  	s5 =	simm.s32 @p1 $0x1;
	p0 =	seq.s32 s7, s2  }
0x1e: {  	s7 =	smul.u32 @!p0 $0xF7A, s2;
	p2 =	seq.s32 @!p0 s5, $0x0  }
0x1f: {  	s9 =	smul.u32 $0xF7A, s1;
	s8 =	simm.s32 @!p0 $0x1BF5;
	p2 =	por !p2, p0  }
0x20: {  	[sflag:s8] =	ssyncset.s32 @!p0 $0xFFFFF086;
	s6 =	sadd.s32 @!p0 s3, s7;
	s7 =	simm.s32 @!p0 $0x108  }
0x21: {  	s3 =	sadd.s32 s3, s9;
	s6 =	sadd.s32 @!p0 $0x88, s6;
	s7 =	simm.s32 @p2 $0x1082  }
0x22: {  	[simem:s7], [sflag:s8] =	dma.local @!p0 [hbm:s6], $0xF7A  }
0x23: {  	s9 =	sor.u32 $0xD0000000, s2;
	s6 =	simm.s32 $0x108;
	_ =	swait.ge @!p0 [sflag:s8], $0x0  }
0x24: {  	s3 =	sadd.s32 $0x88, s3;
	s6 =	simm.s32 @!p1 $0x1082;
	[sflag:s4] =	ssyncset.s32 $0xFFFFF086  }
0x25: {  	[simem:s6], [sflag:s4] =	dma.local [hbm:s3], $0xF7A  }
0x26: {  	[smem:$0x3F88] =	sst s1;
	(tag) =	ssettag s2;
	_ =	strace s9  }
0x27: {  	s1 =	sld [smem:$0x3F98]  }
0x28: {  	s2 =	sld [smem:$0x3F99]  }
0x29: {  	s4 =	sld [smem:$0x3F9B]  }
0x2a: {  	p0 =	seq.s32 s5, $0x0;
	s5 =	sld [smem:$0x3F9C]  }
0x2b: {  	s6 =	sld [smem:$0x3F9D]  }
0x2c: {  	s7 =	sld [smem:$0x3F9E]  }
0x2d: {  	s3 =	simm.s32 $0x108;
	s8 =	sld [smem:$0x3F9F]  }
0x2e: {  	s3 =	simm.s32 @!p0 $0x1082;
	s9 =	sld [smem:$0x3FA0]  }
0x2f: {  	lr =	sadd.s32 s0, s3;
	s0 =	sld [smem:$0x3F97]  }
0x30: {  	s3 =	sld [smem:$0x3F9A]  }
0x31: {  	[smem:$0x3FA3] =	sst s10  }
0x32: {  	s10 =	sld [smem:$0x3FA1];
	_ =	sdelay $0x3  }
0x33: {  	p0 =	seq.s32 s10, $0x1;
	s10 =	sld [smem:$0x3FA3];
	_ =	sdelay $0x3  }
0x34: {  	[smem:$0x3FA3] =	sst s10  }
0x35: {  	s10 =	sld [smem:$0x3FA2];
	_ =	sdelay $0x3  }
0x36: {  	p1 =	seq.s32 s10, $0x1;
	s10 =	sld [smem:$0x3FA3];
	_ =	sdelay $0x3  }
0x37: {  	[smem:$0x3FA3] =	sst s10  }
0x38: {  	s10 =	sld [smem:$0x3FA4]  }
0x39: {  	_ = 	snop;
	(pc) =	sbr.ind lr, $3  }
0x3a: {  	_ = 	snop  }
0x3b: {  	_ = 	snop  }
0x3c: {  	p2 =	seq.s32 s10, $0x1;
	s10 =	sld [smem:$0x3FA3]  }
0x3d: {  	_ =	shalt  }
0x3e: {  	_ =	shalt  }
0x3f: {  	_ =	shalt  }
0x40: {  	_ =	shalt  }
0x41: {  	_ =	shalt  }
0x42: {  	_ =	shalt  }
0x43: {  	_ =	shalt  }
0x44: {  	_ =	shalt  }
0x45: {  	_ =	shalt  }
0x46: {  	_ =	shalt  }
0x47: {  	_ =	shalt  }
0x48: {  	_ =	shalt  }
0x49: {  	_ =	shalt  }
0x4a: {  	_ =	shalt  }
0x4b: {  	_ =	shalt  }
0x4c: {  	_ =	shalt  }
0x4d: {  	_ =	shalt  }
0x4e: {  	_ =	shalt  }
0x4f: {  	_ =	shalt  }
0x50: {  	_ =	shalt  }
0x51: {  	_ =	shalt  }
0x52: {  	_ =	shalt  }
0x53: {  	_ =	shalt  }
0x54: {  	_ =	shalt  }
0x55: {  	_ =	shalt  }
0x56: {  	_ =	shalt  }
0x57: {  	_ =	shalt  }
0x58: {  	_ =	shalt  }
0x59: {  	_ =	shalt  }
0x5a: {  	_ =	shalt  }
0x5b: {  	_ =	shalt  }
0x5c: {  	_ =	shalt  }
0x5d: {  	_ =	shalt  }
0x5e: {  	_ =	shalt  }
0x5f: {  	_ =	shalt  }
0x60: {  	_ =	shalt  }
0x61: {  	_ =	shalt  }
0x62: {  	_ =	shalt  }
0x63: {  	_ =	shalt  }
0x64: {  	_ =	shalt  }
0x65: {  	_ =	shalt  }
0x66: {  	_ =	shalt  }
0x67: {  	_ =	shalt  }
0x68: {  	_ =	shalt  }
0x69: {  	_ =	shalt  }
0x6a: {  	_ =	shalt  }
0x6b: {  	_ =	shalt  }
0x6c: {  	_ =	shalt  }
0x6d: {  	_ =	shalt  }
0x6e: {  	_ =	shalt  }
0x6f: {  	_ =	shalt  }
0x70: {  	_ =	shalt  }
0x71: {  	_ =	shalt  }
0x72: {  	_ =	shalt  }
0x73: {  	_ =	shalt  }
0x74: {  	_ =	shalt  }
0x75: {  	_ =	shalt  }
0x76: {  	_ =	shalt  }
0x77: {  	_ =	shalt  }
0x78: {  	_ =	shalt  }
0x79: {  	_ =	shalt  }
0x7a: {  	_ =	shalt  }
0x7b: {  	_ =	shalt  }
0x7c: {  	_ =	shalt  }
0x7d: {  	_ =	shalt  }
0x7e: {  	_ =	shalt  }
0x7f: {  	_ =	shalt  }
0x80: {  	_ =	shalt  }
0x81: {  	_ =	shalt  }
0x82: {  	_ =	shalt  }
0x83: {  	_ =	shalt  }
0x84: {  	_ =	shalt  }
0x85: {  	_ =	shalt  }
0x86: {  	_ =	shalt  }
0x87: {  	_ =	shalt  }
.Lfunc_end0:
.L_simem_size_0:
called_computation_lowered:
.L_overlay_start_0:
0x88: {  	s2 =	sld [smem:$0x3FD9]  }
0x89: {  	s3 =	sld [smem:$0x3FFE];
	_ =	sdelay $0x1  }
0x8a: {  	s1 =	srdreg.scid  }
0x8b: {  	s0 =	sand.u32 $0x1, s1  }
0x8c: {  	s16 =	sshll.u32 s0, $0xA;
	s2 =	sadd.s32 s3, s2  }
0x8d: {  	s2 =	sadd.s32 s2, s16  }
0x8e: {  	[smem:$0x3FAF] =	sst s2  }
0x8f: {  	_ = 	snop  }
0x90: {  	(tm) =	ssettm $0x1  }
0x91: {  	s17 =	sld [smem:$0x3FFB];
	_ =	sdelay $0x3  }
0x92: {  	_ =	strace s17  }
0x93: {  	s2 =	sld [smem:$0x3FFC];
	_ =	sdelay $0x3  }
0x94: {  	_ =	strace s2  }
0x95: {  	s2 =	sld [smem:$0x3FFD];
	_ =	sdelay $0x3  }
0x96: {  	_ =	strace s2  }
0x97: {  	_ =	strace $0x8FFFFFFF  }
0x98: {  	s18 =	sld [smem:$0x3FDB];
	_ =	sdelay $0x1  }
0x99: {  	s19 =	simm.s32 $_scs_section_size  }
0x9a: {  	s4 =	simm.s32 $_size__tile_overlayer_lowered;
	s5 =	simm.s32 $_tile_overlayer_lowered  }
0x9b: {  	s22 =	simm.s32 $0x1BFF;
	s21 =	sshll.u32 s5, $0x1;
	s2 =	sadd.s32 s19, s18  }
0x9c: {  	s6 =	simm.s32 $0x0;
	s20 =	sshll.u32 s4, $0x1;
	s4 =	sadd.s32 s21, s2  }
0x9d: {  	[timem:s6], [sflag:s22] =	dma.local [hbm:s4], s20  }
0x9e: {  	_ =	swait.ge [sflag:s22], s20  }
0x9f: {  	s3 =	ssub.s32 $0x0, s20;
	[sflag:s22] =	ssyncset.done $0x0  }
0xa0: {  	[sflag:s22] =	ssyncadd.s32 s3;
	_ =	sdelay $0x1  }
0xa1: {  	s23 =	simm.s32 $0x1B8B  }
0xa2: {  	_ =	swait.ge [sflag:s23], $0x1  }
0xa3: {  	[sflag:s23] =	ssyncset.done $0x0  }
0xa4: {  	s25 =	simm.s32 $0x1B8E;
	s24 =	sld [smem:$0x3FFE];
	[sflag:s23] =	ssyncadd.s32 $0xFFFFFFFF  }
0xa5: {  	s26 =	simm.s32 $execute0_lowered;
	[smem:$0x3FD2] =	sst s25  }
0xa6: {  	s4 =	sshll.u32 s26, $0x1;
	_ =	strace $0x80000046;
	[dreg:$0x1] =	wrdreg $0xFFFFFFFF  }
0xa7: {  	s28 =	simm.s32 $_size_execute0_lowered;
	s2 =	sadd.s32 s2, s4;
	[dreg:$0x0] =	wrdreg $0x0  }
0xa8: {  	s4 =	sshll.u32 s28, $0x1;
	[dreg:$0x2] =	wrdreg s2  }
0xa9: {  	[dreg:$0x3] =	wrdreg s4  }
0xaa: {  	[dreg:$0x4] =	wrdreg $0xC0  }
0xab: {  	_ =	task [dreg:s6], $0x5FFFF  }
0xac: {  	[dreg:$0x1] =	wrdreg $0xFFFFFFFF  }
0xad: {  	[dreg:$0x0] =	wrdreg $0x60  }
0xae: {  	[dreg:$0x2] =	wrdreg s24  }
0xaf: {  	[dreg:$0x3] =	wrdreg $0x4E200  }
0xb0: {  	[dreg:$0x4] =	wrdreg $0x9  }
0xb1: {  	_ =	task.clear_ibuf [dreg:s6], $0x5FFFF;
	_ =	strace $0x90000046  }
0xb2: {  	s29 =	simm.s32 $0x9;
	_ =	strace $0x80000048  }
0xb3: {  	_ =	swait.ge [sflag:s29], $0x1  }
0xb4: {  	[sflag:s29] =	ssyncadd.s32 $0xFFFFFFFF  }
0xb5: {  	_ =	strace $0x90000048  }
0xb6: {  	_ =	sfence  }
0xb7: {  	s30 =	sld [smem:$0x0];
	_ =	sdelay $0x2  }
0xb8: {  	s31 =	sshll.u32 s1, $0xD;
	s1 =	sshrl.u32 s1, $0x2  }
0xb9: {  	s3 =	sand.u32 $0x4000, s31;
	s1 =	sadd.s32 s1, s30  }
0xba: {  	s0 =	sor.u32 s3, s0;
	s1 =	sshll.u32 s1, $0x11  }
0xbb: {  	s0 =	sor.u32 s1, s0  }
0xbc: {  	s0 =	sadd.s32 $0x8F2B, s0  }
0xbd: {  	[sflag:s0] =	ssyncadd.remote.s32 $0x1  }
0xbe: {  	_ =	sfence.sel $0xFFFF  }
0xbf: {  	[dreg:$0x0] =	wrdreg $0xFFFFFFFF;
	(pc) =	sbr.abs _section_cstart, $3  }
0xc0: {  	[dreg:$0x1] =	wrdreg $0xFFFFFFFF  }
0xc1: {  	_ =	task.clear_ibuf [dreg:s6], $0x2FFFF;
	_ =	strace $0x9FFFFFFF  }
0xc2: {  	(tm) =	ssettm $0x7FFFFFFF  }
0xc3: {  	_ =	shalt  }
tec
execute0_lowered:
.L_overlay_start_1:
0x0: {  	(tag) =	ssettag $0x1  }
0x1: {  	s0 =	rddreg [dreg:$0x0];
	s1 =	srdreg.scid  }
0x2: {  	s2 =	rddreg [dreg:$0x1];
	s8 =	stileid.u32;
	s12 =	simm.s32 $0x0  }
0x3: {  	s11 =	simm.s32 $0xB;
	s13 =	simm.s32 $0x28;
	s14 =	simm.s32 $0x18E60  }
0x4: {  	s15 =	simm.s32 $0x1A260;
	s17 =	simm.s32 $0x1B660;
	s19 =	simm.s32 $0x1CA60  }
0x5: {  	s20 =	simm.s32 $0xA0;
	s21 =	simm.s32 $0x1DE60;
	s22 =	simm.s32 $0x1  }
0x6: {  	s23 =	simm.s32 $0x6;
	s28 =	simm.s32 $0x3;
	s29 =	simm.s32 $0x8  }
0x7: {  	s30 =	simm.s32 $0x4;
	s31 =	simm.s32 $0x9;
	s4 =	smul.u32 $0x4E20, s8  }
0x8: {  	s9 =	simm.s32 $0x4D80;
	s1 =	sand.u32 $0x1, s1;
	s6 =	smul.u32 $0x14000, s8  }
0x9: {  	s10 =	simm.s32 $0x4DF8;
	[smem:$0x7FF] =	sst s12;
	s3 =	smul.u32 $0x4E200, s1  }
0xa: {  	s26 =	sshll.u32 s8, $0x6;
	_ =	strace $0x80000047;
	s5 =	smul.u32 $0x28000, s1  }
0xb: {  	s1 =	ssub.s32 $0x2, s1;
	s16 =	sor.u32 $0x1C0B, s26;
	s26 =	simm.s32 $0x7  }
0xc: {  	s7 =	sshrl.u32 s1, $0x1;
	s24 =	sshrl.u32 s6, $0x3;
	s6 =	sadd.s32 s6, s2  }
0xd: {  	[dreg:$0x5] =	wrdreg s16;
	s3 =	sadd.s32 s4, s3;
	s4 =	sadd.s32 $0x2C200, s0  }
0xe: {  	s1 =	ssub.s32 s1, s7;
	s18 =	sshrl.u32 s6, $0x3;
	s6 =	simm.s32 $0x4DD0  }
0xf: {  	s3 =	sshrl.u32 s3, $0x3;
	s25 =	sadd.s32 s4, s24;
	[dreg:$0x7] =	wrdreg s18  }
0x10: {  	s1 =	smax.u32 s1, $0x1;
	s3 =	sadd.s32 s3, s0;
	[dreg:$0x4] =	wrdreg s25  }
0x11: {  	s0 =	sadd.s32 s5, s0;
	[dreg:$0x6] =	wrdreg s1;
	s25 =	simm.s32 $0x2  }
0x12: {  	s1 =	simm.s32 $0xA;
	s5 =	simm.s32 $0x4D58;
	s0 =	sadd.s32 $0x54200, s0  }
0x13: {  	s7 =	sadd.s32 $0x18800, s3;
	s8 =	sadd.s32 $0x4E00, s3;
	s0 =	sadd.s32 s24, s0  }
0x14: {  	s24 =	simm.s32 $0x4DA8;
	[dreg:$0x8] =	wrdreg s0;
	s0 =	simm.s32 $0x5  }
.LBB2_1:
0x15: {  	[dreg:$0x3] =	wrdreg s12  }
0x16: {  	s3 =	rddreg [dreg:$0x4]  }
0x17: {  	[spmem:s18], [sflag:s16] =	dma.local [hbm:s3], $0x2800  }
0x18: {  	_ =	swait.ge [sflag:s11], $0x2800  }
0x19: {  	[sflag:s11] =	ssyncset.done $0x0  }
0x1a: {  	p1 =	por $0x1, $0x1;
	[sflag:s11] =	ssyncadd.s32 $0xFFFFD800  }
0x1b: {  	s3 =	simm.s32 $0x0;
	s18 =	simm.s32 $0x2710;
	[bflag:$0x0] =	sbarrier.arrive $0xFFFF  }
.LBB2_2:
0x1c: {  	s12 =	sadd.s32 s3, s7;
	s16 =	simm.s32 $0x0  }
0x1d: {  	[tilespmem:s16], [sflag:$0xB] =	stream.linear.gather [hbm4b:s12+s16], $0x2710, $0x38;
	[tilespmem:$0x1F260] =	vst v63  }
0x1e: {  	_ =	swait.ge [sflag:s11], $0x2710  }
0x1f: {  	[sflag:s11] =	ssyncset.done $0x0  }
0x20: {  	s12 =	sadd.s32 s3, s8;
	[sflag:s11] =	ssyncadd.s32 $0xFFFFD8F0  }
0x21: {  	[tilespmem:s18], [sflag:$0xB] =	stream.linear.gather [hbm4b:s12+s16], $0x2710, $0x38;
	[tilespmem:$0x1F260] =	vst v63  }
0x22: {  	_ =	swait.ge [sflag:s11], $0x2710  }
0x23: {  	[sflag:s11] =	ssyncset.done $0x0  }
0x24: {  	[sflag:s11] =	ssyncadd.s32 $0xFFFFD8F0  }
0x25: {  	[tilespmem:s14], [sflag:$0x1] =	stream.indirect.gather [hbm4b:s4+s13], $0x80, s16, s13, $0xb8;
	[tilespmem:$0x1F260] =	vst v63  }
0x26: {  	_ = 	snop  }
0x27: {  	[tilespmem:s15], [sflag:$0x2] =	stream.indirect.gather [hbm4b:s4+s13], $0x80, s13, s13, $0xb8;
	[tilespmem:$0x1F260] =	vst v63  }
0x28: {  	s16 =	simm.s32 $0x50  }
0x29: {  	[tilespmem:s17], [sflag:$0x3] =	stream.indirect.gather [hbm4b:s4+s13], $0x80, s16, s13, $0xb8;
	[tilespmem:$0x1F260] =	vst v63  }
0x2a: {  	s12 =	simm.s32 $0x78  }
0x2b: {  	[tilespmem:s19], [sflag:$0x4] =	stream.indirect.gather [hbm4b:s4+s13], $0x80, s12, s13, $0xb8;
	[tilespmem:$0x1F260] =	vst v63  }
0x2c: {  	_ = 	snop  }
0x2d: {  	[tilespmem:s21], [sflag:$0x5] =	stream.indirect.gather [hbm4b:s4+s13], $0x80, s20, s13, $0xb8;
	[tilespmem:$0x1F260] =	vst v63  }
0x2e: {  	_ =	swait.ge [sflag:s22], $0x1400  }
0x2f: {  	[sflag:s22] =	ssyncset.done $0x0  }
0x30: {  	s16 =	simm.s32 $0x2710;
	[sflag:s22] =	ssyncadd.s32 $0xFFFFEC00  }
0x31: {  	[spmem:s2] =	stream.indirect.scatter.add.f32 [tilespmem:s14], [sflag:$0x6], $0x80, s16, s13, $0xb8;
	[tilespmem:$0x1F260] =	vst v63  }
0x32: {  	_ =	swait.ge [sflag:s23], $0x1400  }
0x33: {  	[sflag:s23] =	ssyncset.done $0x0  }
0x34: {  	s12 =	simm.s32 $0xC8;
	[sflag:s23] =	ssyncadd.s32 $0xFFFFEC00  }
0x35: {  	[tilespmem:s14], [sflag:$0x1] =	stream.indirect.gather [hbm4b:s4+s13], $0x80, s12, s13, $0xb8;
	[tilespmem:$0x1F260] =	vst v63  }
0x36: {  	_ =	swait.ge [sflag:s25], $0x1400  }
0x37: {  	[sflag:s25] =	ssyncset.done $0x0  }
0x38: {  	s16 =	simm.s32 $0x2738;
	[sflag:s25] =	ssyncadd.s32 $0xFFFFEC00  }
0x39: {  	[spmem:s2] =	stream.indirect.scatter.add.f32 [tilespmem:s15], [sflag:$0x7], $0x80, s16, s13, $0xb8;
	[tilespmem:$0x1F260] =	vst v63  }
0x3a: {  	_ =	swait.ge [sflag:s26], $0x1400  }
0x3b: {  	[sflag:s26] =	ssyncset.done $0x0  }
0x3c: {  	s12 =	simm.s32 $0xF0;
	[sflag:s26] =	ssyncadd.s32 $0xFFFFEC00  }
0x3d: {  	[tilespmem:s15], [sflag:$0x2] =	stream.indirect.gather [hbm4b:s4+s13], $0x80, s12, s13, $0xb8;
	[tilespmem:$0x1F260] =	vst v63  }
0x3e: {  	_ =	swait.ge [sflag:s28], $0x1400  }
0x3f: {  	[sflag:s28] =	ssyncset.done $0x0  }
0x40: {  	s16 =	simm.s32 $0x2760;
	[sflag:s28] =	ssyncadd.s32 $0xFFFFEC00  }
0x41: {  	[spmem:s2] =	stream.indirect.scatter.add.f32 [tilespmem:s17], [sflag:$0x8], $0x80, s16, s13, $0xb8;
	[tilespmem:$0x1F260] =	vst v63  }
0x42: {  	_ =	swait.ge [sflag:s29], $0x1400  }
0x43: {  	[sflag:s29] =	ssyncset.done $0x0  }
0x44: {  	s12 =	simm.s32 $0x118;
	[sflag:s29] =	ssyncadd.s32 $0xFFFFEC00  }
0x45: {  	[tilespmem:s17], [sflag:$0x3] =	stream.indirect.gather [hbm4b:s4+s13], $0x80, s12, s13, $0xb8;
	[tilespmem:$0x1F260] =	vst v63  }
0x46: {  	_ =	swait.ge [sflag:s30], $0x1400  }
0x47: {  	[sflag:s30] =	ssyncset.done $0x0  }
0x48: {  	s16 =	simm.s32 $0x2788;
	[sflag:s30] =	ssyncadd.s32 $0xFFFFEC00  }
0x49: {  	[spmem:s2] =	stream.indirect.scatter.add.f32 [tilespmem:s19], [sflag:$0x9], $0x80, s16, s13, $0xb8;
	[tilespmem:$0x1F260] =	vst v63  }
0x4a: {  	_ =	swait.ge [sflag:s31], $0x1400  }
0x4b: {  	[sflag:s31] =	ssyncset.done $0x0  }
0x4c: {  	s12 =	simm.s32 $0x140;
	[sflag:s31] =	ssyncadd.s32 $0xFFFFEC00  }
0x4d: {  	[tilespmem:s19], [sflag:$0x4] =	stream.indirect.gather [hbm4b:s4+s13], $0x80, s12, s13, $0xb8;
	[tilespmem:$0x1F260] =	vst v63  }
0x4e: {  	_ =	swait.ge [sflag:s0], $0x1400  }
0x4f: {  	[sflag:s0] =	ssyncset.done $0x0  }
0x50: {  	s16 =	simm.s32 $0x27B0;
	[sflag:s0] =	ssyncadd.s32 $0xFFFFEC00  }
0x51: {  	[spmem:s2] =	stream.indirect.scatter.add.f32 [tilespmem:s21], [sflag:$0xA], $0x80, s16, s13, $0xb8;
	[tilespmem:$0x1F260] =	vst v63  }
0x52: {  	_ =	swait.ge [sflag:s1], $0x1400  }
0x53: {  	p0 =	por p1, p1;
	[sflag:s1] =	ssyncset.done $0x0  }
0x54: {  	s3 =	simm.s32 $0x320;
	s12 =	simm.s32 $0x168;
	[sflag:s1] =	ssyncadd.s32 $0xFFFFEC00  }
.LBB2_3:
0x55: {  	[tilespmem:s21], [sflag:$0x5] =	stream.indirect.gather [hbm4b:s4+s13], $0x80, s12, s13, $0xb8;
	[tilespmem:$0x1F260] =	vst v63  }
0x56: {  	s12 =	smov.u32 s3  }
0x57: {  	p1 =	sne.s32 s3, $0x9600;
	s3 =	sadd.s32 $0x320, s3;
	_ =	swait.ge [sflag:s22], $0x1400  }
0x58: {  	s12 =	sshra.s32 s12, $0x2;
	[sflag:s22] =	ssyncset.done $0x0  }
0x59: {  	s16 =	sadd.s32 $0x2710, s12;
	[sflag:s22] =	ssyncadd.s32 $0xFFFFEC00  }
0x5a: {  	[spmem:s2] =	stream.indirect.scatter.add.f32 [tilespmem:s14], [sflag:$0x6], $0x80, s16, s13, $0xb8;
	[tilespmem:$0x1F260] =	vst v63  }
0x5b: {  	_ =	swait.ge [sflag:s23], $0x1400  }
0x5c: {  	[sflag:s23] =	ssyncset.done $0x0  }
0x5d: {  	s16 =	sadd.s32 $0xC8, s12;
	[sflag:s23] =	ssyncadd.s32 $0xFFFFEC00  }
0x5e: {  	[tilespmem:s14], [sflag:$0x1] =	stream.indirect.gather [hbm4b:s4+s13], $0x80, s16, s13, $0xb8;
	[tilespmem:$0x1F260] =	vst v63  }
0x5f: {  	_ =	swait.ge [sflag:s25], $0x1400  }
0x60: {  	[sflag:s25] =	ssyncset.done $0x0  }
0x61: {  	s16 =	sadd.s32 $0x2738, s12;
	[sflag:s25] =	ssyncadd.s32 $0xFFFFEC00  }
0x62: {  	[spmem:s2] =	stream.indirect.scatter.add.f32 [tilespmem:s15], [sflag:$0x7], $0x80, s16, s13, $0xb8;
	[tilespmem:$0x1F260] =	vst v63  }
0x63: {  	_ =	swait.ge [sflag:s26], $0x1400  }
0x64: {  	[sflag:s26] =	ssyncset.done $0x0  }
0x65: {  	s16 =	sadd.s32 $0xF0, s12;
	[sflag:s26] =	ssyncadd.s32 $0xFFFFEC00  }
0x66: {  	[tilespmem:s15], [sflag:$0x2] =	stream.indirect.gather [hbm4b:s4+s13], $0x80, s16, s13, $0xb8;
	[tilespmem:$0x1F260] =	vst v63  }
0x67: {  	_ =	swait.ge [sflag:s28], $0x1400  }
0x68: {  	[sflag:s28] =	ssyncset.done $0x0  }
0x69: {  	s16 =	sadd.s32 $0x2760, s12;
	[sflag:s28] =	ssyncadd.s32 $0xFFFFEC00  }
0x6a: {  	[spmem:s2] =	stream.indirect.scatter.add.f32 [tilespmem:s17], [sflag:$0x8], $0x80, s16, s13, $0xb8;
	[tilespmem:$0x1F260] =	vst v63  }
0x6b: {  	_ =	swait.ge [sflag:s29], $0x1400  }
0x6c: {  	[sflag:s29] =	ssyncset.done $0x0  }
0x6d: {  	s16 =	sadd.s32 $0x118, s12;
	[sflag:s29] =	ssyncadd.s32 $0xFFFFEC00  }
0x6e: {  	[tilespmem:s17], [sflag:$0x3] =	stream.indirect.gather [hbm4b:s4+s13], $0x80, s16, s13, $0xb8;
	[tilespmem:$0x1F260] =	vst v63  }
0x6f: {  	_ =	swait.ge [sflag:s30], $0x1400  }
0x70: {  	[sflag:s30] =	ssyncset.done $0x0  }
0x71: {  	s16 =	sadd.s32 $0x2788, s12;
	[sflag:s30] =	ssyncadd.s32 $0xFFFFEC00  }
0x72: {  	[spmem:s2] =	stream.indirect.scatter.add.f32 [tilespmem:s19], [sflag:$0x9], $0x80, s16, s13, $0xb8;
	[tilespmem:$0x1F260] =	vst v63  }
0x73: {  	_ =	swait.ge [sflag:s31], $0x1400  }
0x74: {  	[sflag:s31] =	ssyncset.done $0x0  }
0x75: {  	s16 =	sadd.s32 $0x140, s12;
	[sflag:s31] =	ssyncadd.s32 $0xFFFFEC00  }
0x76: {  	[tilespmem:s19], [sflag:$0x4] =	stream.indirect.gather [hbm4b:s4+s13], $0x80, s16, s13, $0xb8;
	[tilespmem:$0x1F260] =	vst v63  }
0x77: {  	_ =	swait.ge [sflag:s0], $0x1400  }
0x78: {  	[sflag:s0] =	ssyncset.done $0x0  }
.Ltmp0:
0x79: {  	s16 =	sadd.s32 $0x27B0, s12;
	[sflag:s0] =	ssyncadd.s32 $0xFFFFEC00;
	(pc) =	sbr.rel @p1 .LBB2_3-.Ltmp0, $4  }
0x7a: {  	[spmem:s2] =	stream.indirect.scatter.add.f32 [tilespmem:s21], [sflag:$0xA], $0x80, s16, s13, $0xb8;
	[tilespmem:$0x1F260] =	vst v63  }
0x7b: {  	_ =	swait.ge [sflag:s1], $0x1400  }
0x7c: {  	[sflag:s1] =	ssyncset.done $0x0  }
0x7d: {  	s12 =	sadd.s32 $0x168, s12;
	[sflag:s1] =	ssyncadd.s32 $0xFFFFEC00  }
0x7e: {  	[tilespmem:s21], [sflag:$0x5] =	stream.indirect.gather [hbm4b:s4+s13], $0x80, s12, s13, $0xb8;
	[tilespmem:$0x1F260] =	vst v63  }
0x7f: {  	_ =	swait.ge [sflag:s22], $0x1400  }
0x80: {  	[sflag:s22] =	ssyncset.done $0x0  }
0x81: {  	[sflag:s22] =	ssyncadd.s32 $0xFFFFEC00  }
0x82: {  	[spmem:s2] =	stream.indirect.scatter.add.f32 [tilespmem:s14], [sflag:$0x6], $0x80, s5, s13, $0xb8;
	[tilespmem:$0x1F260] =	vst v63  }
0x83: {  	_ =	swait.ge [sflag:s25], $0x1400  }
0x84: {  	[sflag:s25] =	ssyncset.done $0x0  }
0x85: {  	[sflag:s25] =	ssyncadd.s32 $0xFFFFEC00  }
0x86: {  	[spmem:s2] =	stream.indirect.scatter.add.f32 [tilespmem:s15], [sflag:$0x7], $0x80, s9, s13, $0xb8;
	[tilespmem:$0x1F260] =	vst v63  }
0x87: {  	_ =	swait.ge [sflag:s28], $0x1400  }
0x88: {  	[sflag:s28] =	ssyncset.done $0x0  }
0x89: {  	[sflag:s28] =	ssyncadd.s32 $0xFFFFEC00  }
0x8a: {  	[spmem:s2] =	stream.indirect.scatter.add.f32 [tilespmem:s17], [sflag:$0x8], $0x80, s24, s13, $0xb8;
	[tilespmem:$0x1F260] =	vst v63  }
0x8b: {  	_ =	swait.ge [sflag:s30], $0x1400  }
0x8c: {  	[sflag:s30] =	ssyncset.done $0x0  }
0x8d: {  	[sflag:s30] =	ssyncadd.s32 $0xFFFFEC00  }
0x8e: {  	[spmem:s2] =	stream.indirect.scatter.add.f32 [tilespmem:s19], [sflag:$0x9], $0x80, s6, s13, $0xb8;
	[tilespmem:$0x1F260] =	vst v63  }
0x8f: {  	_ =	swait.ge [sflag:s0], $0x1400  }
0x90: {  	[sflag:s0] =	ssyncset.done $0x0  }
0x91: {  	[sflag:s0] =	ssyncadd.s32 $0xFFFFEC00  }
0x92: {  	[spmem:s2] =	stream.indirect.scatter.add.f32 [tilespmem:s21], [sflag:$0xA], $0x80, s10, s13, $0xb8;
	[tilespmem:$0x1F260] =	vst v63  }
0x93: {  	_ =	swait.ge [sflag:s23], $0x1400  }
0x94: {  	[sflag:s23] =	ssyncset.done $0x0  }
0x95: {  	[sflag:s23] =	ssyncadd.s32 $0xFFFFEC00  }
0x96: {  	_ =	swait.ge [sflag:s26], $0x1400  }
0x97: {  	[sflag:s26] =	ssyncset.done $0x0  }
0x98: {  	[sflag:s26] =	ssyncadd.s32 $0xFFFFEC00  }
0x99: {  	_ =	swait.ge [sflag:s29], $0x1400  }
0x9a: {  	[sflag:s29] =	ssyncset.done $0x0  }
0x9b: {  	[sflag:s29] =	ssyncadd.s32 $0xFFFFEC00  }
0x9c: {  	_ =	swait.ge [sflag:s31], $0x1400  }
.Ltmp1:
0x9d: {  	[sflag:s31] =	ssyncset.done $0x0;
	(pc) =	sbr.rel @p0 .LBB2_2-.Ltmp1, $4  }
0x9e: {  	[sflag:s31] =	ssyncadd.s32 $0xFFFFEC00  }
0x9f: {  	_ =	swait.ge [sflag:s1], $0x1400  }
0xa0: {  	[sflag:s1] =	ssyncset.done $0x0  }
0xa1: {  	s3 =	simm.s32 $0x4E2;
	p1 =	por $0x0, $0x0;
	[sflag:s1] =	ssyncadd.s32 $0xFFFFEC00  }
0xa2: {  	[bflag:$0x0] =	sbarrier.arrive $0xFFFF  }
0xa3: {  	s16 =	rddreg [dreg:$0x5]  }
0xa4: {  	s18 =	rddreg [dreg:$0x7]  }
0xa5: {  	s3 =	rddreg [dreg:$0x8]  }
0xa6: {  	[hbm:s3], [sflag:s16] =	dma.local [spmem:s18], $0x2800  }
0xa7: {  	_ =	swait.ge [sflag:s11], $0x2800  }
0xa8: {  	s12 =	rddreg [dreg:$0x3]  }
0xa9: {  	s3 =	rddreg [dreg:$0x6];
	s12 =	sadd.s32 $0x1, s12  }
0xaa: {  	p0 =	sne.s32 s12, s3  }
.Ltmp2:
0xab: {  	_ = 	snop;
	(pc) =	sbr.rel @p0 .LBB2_1-.Ltmp2, $3  }
0xac: {  	_ =	sdelay $0x1  }
0xad: {  	[sflag:s11] =	ssyncset.done $0x0  }
0xae: {  	[sflag:s11] =	ssyncadd.s32 $0xFFFFD800  }
0xaf: {  	_ =	sfence.sel $0x180000  }
0xb0: {  	[bflag:$0x0] =	sbarrier.arrive $0xFFFF  }
0xb1: {  	_ =	strace $0x90000047  }
0xb2: {  	s0 =	stileid.u32;
	[bflag:$0x2] =	sbarrier.arrive $0xFFFF  }
0xb3: {  	p0 =	sne.s32 s0, $0x0;
	s0 =	rddreg [dreg:$0x2]  }
0xb4: {  	s0 =	sadd.s32 @!p0 $0x100000, s0  }
0xb5: {  	[sflag:s0] =	ssyncadd.tile.s32 @!p0 $0x1;
	_ =	shalt  }
.Lfunc_end2:
_tile_overlayer_lowered:
.L_overlay_start_2:
0xb6: {  	(tag) =	ssettag $0x2  }
0xb7: {  	s0 =	rddreg [dreg:$0x0];
	s2 =	stileid.u32  }
0xb8: {  	s1 =	rddreg [dreg:$0x1];
	p0 =	sne.s32 s2, $0x0  }
0xb9: {  	s3 =	rddreg [dreg:$0x2];
	[bflag:$0x3] =	sbarrier.arrive $0xFFFF;
	s2 =	simm.s32 @!p0 $0x1C0B  }
0xba: {  	[timem:s3], [sflag:s2] =	dma.local @!p0 [hbm:s0], s1  }
0xbb: {  	s0 =	simm.s32 @!p0 $0xB  }
0xbc: {  	_ =	swait.ge @!p0 [sflag:s0], s1  }
0xbd: {  	s1 =	ssub.s32 @!p0 $0x0, s1;
	[sflag:s0] =	ssyncset.done @!p0 $0x0  }
0xbe: {  	[sflag:s0] =	ssyncadd.s32 @!p0 s1  }
0xbf: {  	[bflag:$0x3] =	sbarrier.arrive $0xFFFF  }
0xc0: {  	_ =	shalt  }

</sc_bundles>
